<compile_context>
chip_gen: v7x
topology: tpu7x:2x2x1
jax: 0.10.2.dev20260603
libtpu: 0.0.44.dev20260713+nightly
codegen_flags: <defaults>
</compile_context>

<pallas_src>
import functools

import jax
import jax.numpy as jnp
from jax import lax
from jax.experimental import pallas as pl
from jax.experimental.pallas import tpu as pltpu
from jax.experimental.pallas import tpu_sc as plsc

_EPS = 1e-6
_NEG = 0.2
_KNN = 16

_F32 = jnp.float32


def _mm(a, b, dims):
    return jax.lax.dot_general(a, b, dimension_numbers=(dims, ((), ())),
                               preferred_element_type=_F32)



def _knn_body(n_total, yf_all_ref, yf_blk_ref, idx_ref):
    b = pl.program_id(0)
    yf = yf_all_ref[0]
    yfb = yf_blk_ref[0]
    inner = jax.lax.dot_general(
        yfb, yf, dimension_numbers=((((0,), (0,))), ((), ())),
        preferred_element_type=_F32)
    sq = jnp.sum(yf * yf, axis=0)
    sqb = jnp.sum(yfb * yfb, axis=0)
    d = 2.0 * inner - sqb[:, None] - sq[None, :]
    iota = jax.lax.broadcasted_iota(
        jnp.int32, (1, d.shape[1]), 1).astype(_F32)
    big = float(2 * n_total)
    cols = []
    dd = d
    for _ in range(_KNN):
        m = jnp.max(dd, axis=1, keepdims=True)
        hit = dd == m
        cols.append(jnp.min(jnp.where(hit, iota, big), axis=1, keepdims=True))
        dd = jnp.where(hit, -jnp.inf, dd)
    idx_ref[0] = (jnp.concatenate(cols, axis=1).astype(jnp.int32)
                  + b * n_total)


def _knn(yf):
    B, C3, N = yf.shape
    NB = 256
    return pl.pallas_call(
        functools.partial(_knn_body, N),
        grid=(B, N // NB),
        in_specs=[
            pl.BlockSpec((1, C3, N), lambda b, i: (b, 0, 0)),
            pl.BlockSpec((1, C3, NB), lambda b, i: (b, 0, i)),
        ],
        out_specs=pl.BlockSpec((1, NB, _KNN), lambda b, i: (b, i, 0)),
        out_shape=jax.ShapeDtypeStruct((B, N, _KNN), jnp.int32),
    )(yf, yf)



def _pack_bf16_pair(a, b):
    ua = jax.lax.bitcast_convert_type(a, jnp.uint32)
    ub = jax.lax.bitcast_convert_type(b, jnp.uint32)
    ra = (ua + 0x7FFF + ((ua >> 16) & 1)) & jnp.uint32(0xFFFF0000)
    rb = (ub + 0x7FFF + ((ub >> 16) & 1)) >> 16
    return jax.lax.bitcast_convert_type(ra | rb, _F32)


def _unpack_bf16_pair(w):
    u = jax.lax.bitcast_convert_type(w, jnp.uint32)
    hi = jax.lax.bitcast_convert_type(u & jnp.uint32(0xFFFF0000), _F32)
    lo = jax.lax.bitcast_convert_type(u << 16, _F32)
    return hi, lo


def _vn_leaky(p_list, d_list):
    dot = sum(p * d for p, d in zip(p_list, d_list))
    dsq = sum(d * d for d in d_list)
    coef = jnp.where(dot < 0.0, (1.0 - _NEG) * dot / (dsq + _EPS), 0.0)
    return [p - coef * d for p, d in zip(p_list, d_list)]


def _proj_body(y_ref, x_ref, wqf_ref, wqd_ref, wkf_ref, wkd_ref,
               wvf_ref, wvd_ref, t_ref, cc_ref, qx_ref):
    C = y_ref.shape[1]
    wkf, wkd = wkf_ref[...], wkd_ref[...]
    wvf, wvd = wvf_ref[...], wvd_ref[...]
    wa = jnp.concatenate([wkf[:, :C], wkd[:, :C], wvf[:, :C], wvd[:, :C]],
                         axis=0)
    wb = jnp.concatenate([wkf[:, C:] - wkf[:, :C], wkd[:, C:] - wkd[:, :C],
                          wvf[:, C:] - wvf[:, :C], wvd[:, C:] - wvd[:, :C]],
                         axis=0)
    wqf, wqd = wqf_ref[...], wqd_ref[...]

    ta, qp, qd = [], [], []
    for i in range(3):
        yt = y_ref[0, :, i, :].T
        xt = x_ref[0, :, i, :].T
        a = _mm(yt, wa, ((1,), (1,)))
        for t in range(4):
            ta.append(_pack_bf16_pair(a[:, t * C:t * C + C // 2],
                                      a[:, t * C + C // 2:(t + 1) * C]))
        cc_ref[0, i * 4 * C:(i + 1) * 4 * C, :] = _mm(yt, wb, ((1,), (1,))).T
        qp.append(_mm(xt, wqf, ((1,), (1,))))
        qd.append(_mm(xt, wqd, ((1,), (1,))))
    t_ref[0, :, :6 * C] = jnp.concatenate(ta, axis=1)

    qo = _vn_leaky(qp, qd)
    n3 = jnp.sqrt(sum(q * q for q in qo))
    nf = jnp.sqrt(jnp.sum(n3 * n3, axis=1, keepdims=True))
    scale = (n3 / jnp.maximum(n3, 1e-12)) / jnp.maximum(nf, 1e-12)
    scale = scale * (1.0 / jnp.sqrt(3.0 * C))
    for i in range(3):
        qx_ref[0, :, i, :] = (qo[i] * scale).T


def _proj(y, x, wqf, wqd, wkf, wkd, wvf, wvd):
    B, C, _, N = y.shape
    NB = 512
    wspec = lambda shp: pl.BlockSpec(shp, lambda b, i: (0, 0))
    return pl.pallas_call(
        _proj_body,
        grid=(B, N // NB),
        in_specs=[
            pl.BlockSpec((1, C, 3, NB), lambda b, i: (b, 0, 0, i)),
            pl.BlockSpec((1, C, 3, NB), lambda b, i: (b, 0, 0, i)),
            wspec((C, C)), wspec((C, C)),
            wspec((C, 2 * C)), wspec((C, 2 * C)),
            wspec((C, 2 * C)), wspec((C, 2 * C)),
        ],
        out_specs=[
            pl.BlockSpec((1, NB, 8 * C), lambda b, i: (b, i, 0)),
            pl.BlockSpec((1, 12 * C, NB), lambda b, i: (b, 0, i)),
            pl.BlockSpec((1, C, 3, NB), lambda b, i: (b, 0, 0, i)),
        ],
        out_shape=[
            jax.ShapeDtypeStruct((B, N, 8 * C), _F32),
            jax.ShapeDtypeStruct((B, 12 * C, N), _F32),
            jax.ShapeDtypeStruct((B, C, 3, N), _F32),
        ],
    )(y, x, wqf, wqd, wkf, wkd, wvf, wvd)



def _sc_gather(table, idx3):
    NW, NCH, RCH = idx3.shape
    D = table.shape[1]
    mesh = plsc.VectorSubcoreMesh(core_axis_name="c", subcore_axis_name="s")

    @functools.partial(
        pl.kernel,
        out_type=jax.ShapeDtypeStruct((NW * NCH * RCH, D), _F32),
        mesh=mesh,
        scratch_types=[
            pltpu.VMEM((NCH, RCH), jnp.int32),
            pltpu.VMEM((RCH, D), _F32),
            pltpu.VMEM((RCH, D), _F32),
            pltpu.SemaphoreType.DMA,
            pltpu.SemaphoreType.DMA,
        ],
    )
    def gather_kernel(table_hbm, idx_hbm, out_hbm, idx_v, buf0, buf1,
                      sem0, sem1):
        wid = lax.axis_index("s") * 2 + lax.axis_index("c")
        pltpu.sync_copy(idx_hbm.at[wid], idx_v)

        def pair(i, carry):
            c0 = 2 * i
            cp0 = pltpu.async_copy(table_hbm.at[idx_v.at[c0]], buf0, sem0)
            cp1 = pltpu.async_copy(table_hbm.at[idx_v.at[c0 + 1]], buf1, sem1)
            cp0.wait()
            pltpu.sync_copy(buf0,
                            out_hbm.at[pl.ds((wid * NCH + c0) * RCH, RCH)])
            cp1.wait()
            pltpu.sync_copy(buf1,
                            out_hbm.at[pl.ds((wid * NCH + c0 + 1) * RCH, RCH)])
            return carry

        lax.fori_loop(0, NCH // 2, pair, 0)

    return gather_kernel(table, idx3)



def _attend_body(g_ref, cc_ref, qx_ref, x_ref, out_ref):
    C = qx_ref.shape[1]
    NB = qx_ref.shape[3]
    K = g_ref.shape[1] // NB
    gt = g_ref[0, :, :6 * C].T

    def tbl(t, i):
        h = C // 2
        hi, lo = _unpack_bf16_pair(gt[(i * 4 + t) * h:(i * 4 + t + 1) * h, :])
        sl = jnp.concatenate([hi, lo], axis=0).reshape(C, K, NB)
        ctr = cc_ref[0, (i * 4 + t) * C:(i * 4 + t + 1) * C, :]
        return sl + ctr[:, None, :]

    pk = [tbl(0, i) for i in range(3)]
    dk = [tbl(1, i) for i in range(3)]
    pv = [tbl(2, i) for i in range(3)]
    dv = [tbl(3, i) for i in range(3)]

    ko = _vn_leaky(pk, dk)
    nsq = sum(k * k for k in ko)
    inv_nf = 1.0 / jnp.maximum(
        jnp.sqrt(jnp.sum(nsq, axis=0, keepdims=True)), 1e-12)
    scale = jnp.where(nsq >= 1e-24, inv_nf,
                      jnp.sqrt(nsq) * (1e12 * inv_nf))

    qk = sum((ko[i] * scale) * qx_ref[0, :, i, :][:, None, :] for i in range(3))
    e = jnp.exp(qk)
    att = e * (1.0 / jnp.sum(e, axis=1, keepdims=True))

    vo = _vn_leaky(pv, dv)
    for i in range(3):
        out_ref[0, :, i, :] = x_ref[0, :, i, :] + jnp.sum(att * vo[i], axis=1)


def _attend(g, cc, qx, x):
    B, C, _, N = x.shape
    NB = 128
    nblk = N // NB
    return pl.pallas_call(
        _attend_body,
        grid=(B, nblk),
        in_specs=[
            pl.BlockSpec((1, _KNN * NB, 8 * C),
                         lambda b, i, nblk=nblk: (b * nblk + i, 0, 0)),
            pl.BlockSpec((1, 12 * C, NB), lambda b, i: (b, 0, i)),
            pl.BlockSpec((1, C, 3, NB), lambda b, i: (b, 0, 0, i)),
            pl.BlockSpec((1, C, 3, NB), lambda b, i: (b, 0, 0, i)),
        ],
        out_specs=pl.BlockSpec((1, C, 3, NB), lambda b, i: (b, 0, 0, i)),
        out_shape=jax.ShapeDtypeStruct((B, C, 3, N), _F32),
    )(g, cc, qx, x)



def kernel(x, y, wq_feat, wq_dir, wk_feat, wk_dir, wv_feat, wv_dir):
    B, C, _, N = x.shape
    NB = 128
    nblk = N // NB
    yf = y.reshape(B, C * 3, N)
    tables, cc, qx = _proj(y, x, wq_feat, wq_dir,
                           wk_feat, wk_dir, wv_feat, wv_dir)

    def reorder(idx):
        return (idx.reshape(1, nblk, NB, _KNN)
                .transpose(0, 1, 3, 2)
                .reshape(32, -1, NB))

    idxs = [_knn(yf[b:b + 1]) for b in range(B)]
    gs = [_sc_gather(tables[b], reorder(idxs[b])) for b in range(B)]
    outs = [
        _attend(gs[b].reshape(nblk, _KNN * NB, 8 * C),
                cc[b:b + 1], qx[b:b + 1], x[b:b + 1])
        for b in range(B)
    ]
    return jnp.concatenate(outs, axis=0)

# --- scband reference (transcript-rebuilt; emitter-appended) ---
"""Pipeline reference for scband-cross-context-8899172238143 (READ-ONLY COPY).

The authoritative reference and input builder live on the scoring server;
editing this copy changes nothing except your own understanding.
"""

import jax, jax.numpy as jnp
import numpy as np

EPS = 1e-6
NEG_SLOPE = 0.2
K_NN = 16


def _normalize(x, axis):
    n = jnp.linalg.norm(x, axis=axis, keepdims=True)
    return x / jnp.maximum(n, 1e-12)


def vn_linear_leaky_relu(x, w_feat, w_dir):
    # x: [B, Cin, 3, ...]; linear maps act on channel axis 1 (torch nn.Linear weight [out,in])
    p = jnp.einsum('oc,bc...->bo...', w_feat, x)
    d = jnp.einsum('oc,bc...->bo...', w_dir, x)
    dot = jnp.sum(p * d, axis=2, keepdims=True)
    mask = (dot >= 0).astype(x.dtype)
    d_sq = jnp.sum(d * d, axis=2, keepdims=True)
    return NEG_SLOPE * p + (1.0 - NEG_SLOPE) * (mask * p + (1.0 - mask) * (p - (dot / (d_sq + EPS)) * d))


def channel_equi_vec_normalize(x):
    # x: [B, C, 3, ...]
    x_dir = _normalize(x, axis=2)
    x_norm = jnp.linalg.norm(x, axis=2, keepdims=True)
    x_nn = _normalize(x_norm, axis=1)
    return x_dir * x_nn


def knn_idx(x, k):
    # x: [B, D, N] -> [B, N, k] indices of k nearest neighbors (DGCNN-style)
    inner = -2.0 * jnp.einsum('bdn,bdm->bnm', x, x)
    xx = jnp.sum(x * x, axis=1, keepdims=True)  # [B,1,N]
    pairwise = -jnp.transpose(xx, (0, 2, 1)) - inner - xx  # negative squared distance
    _, idx = jax.lax.top_k(pairwise, k)
    return idx


def get_graph_feature(x, k):
    # x: [B, C, 3, N] -> [B, 2C, 3, N, k]  (VN-DGCNN graph feature)
    B, C, _, N = x.shape
    xf = x.reshape(B, C * 3, N)
    idx = knn_idx(xf, k)  # [B, N, k]
    xt = jnp.transpose(x, (0, 3, 1, 2))  # [B, N, C, 3]
    feat = jax.vmap(lambda xb, ib: xb[ib])(xt, idx)  # [B, N, k, C, 3]
    xc = jnp.broadcast_to(xt[:, :, None, :, :], feat.shape)
    out = jnp.concatenate([feat - xc, xc], axis=3)  # [B, N, k, 2C, 3]
    return jnp.transpose(out, (0, 3, 4, 1, 2))


def setup_inputs(seed: int = 0):
    key = jax.random.key(seed)
    ks = jax.random.split(key, 8)
    B, C, N = 2, 32, 4096
    s = 1.0 / np.sqrt(C)
    s2 = 1.0 / np.sqrt(2 * C)
    return {
        'x': jax.random.normal(ks[0], (B, C, 3, N), dtype=jnp.float32),
        'y': jax.random.normal(ks[1], (B, C, 3, N), dtype=jnp.float32),
        'wq_feat': jax.random.uniform(ks[2], (C, C), minval=-s, maxval=s, dtype=jnp.float32),
        'wq_dir': jax.random.uniform(ks[3], (C, C), minval=-s, maxval=s, dtype=jnp.float32),
        'wk_feat': jax.random.uniform(ks[4], (C, 2 * C), minval=-s2, maxval=s2, dtype=jnp.float32),
        'wk_dir': jax.random.uniform(ks[5], (C, 2 * C), minval=-s2, maxval=s2, dtype=jnp.float32),
        'wv_feat': jax.random.uniform(ks[6], (C, 2 * C), minval=-s2, maxval=s2, dtype=jnp.float32),
        'wv_dir': jax.random.uniform(ks[7], (C, 2 * C), minval=-s2, maxval=s2, dtype=jnp.float32),
    }


def reference(x, y, wq_feat, wq_dir, wk_feat, wk_dir, wv_feat, wv_dir):
    Qx = channel_equi_vec_normalize(vn_linear_leaky_relu(x, wq_feat, wq_dir))  # [B,C,3,N]
    yg = get_graph_feature(y, K_NN)  # [B,2C,3,N,k]
    Ky = channel_equi_vec_normalize(vn_linear_leaky_relu(yg, wk_feat, wk_dir))  # [B,C,3,N,k]
    Vy = vn_linear_leaky_relu(yg, wv_feat, wv_dir)  # [B,C,3,N,k]
    qk = jnp.sum(Ky * Qx[..., None], axis=2)  # [B,C,N,k]
    B, C, N, K = qk.shape
    atten = qk / jnp.sqrt(jnp.asarray(3 * C, dtype=jnp.float32))
    atten = jax.nn.softmax(atten, axis=-1)
    atten = atten.reshape(B, C, N, K)[:, :, None, :, :]  # [B,C,1,N,k]
    return x + jnp.sum(atten * Vy, axis=-1)

if __name__ == "__main__":
    import jax
    _d = setup_inputs()
    print(jax.jit(kernel)(*tuple(_d.values())))

</pallas_src>

<mosaic_0001>
#map = affine_map<(d0, d1) -> (0, 0)>
#map1 = affine_map<(d0, d1) -> (0, 0, 0)>
module attributes {stable_mosaic.version = 14 : i64} {
  func.func @gather_kernel(%arg0: i32, %arg1: i32, %arg2: memref<4096x256xf32, #tpu.memory_space<hbm>>, %arg3: memref<32x16x128xi32, #tpu.memory_space<hbm>>, %arg4: memref<65536x256xf32, #tpu.memory_space<hbm>>, %arg5: memref<16x128xi32, #tpu.memory_space<vmem>>, %arg6: memref<128x256xf32, #tpu.memory_space<vmem>>, %arg7: memref<128x256xf32, #tpu.memory_space<vmem>>, %arg8: memref<!tpu.dma_semaphore, #tpu.memory_space<semaphore_mem>>, %arg9: memref<!tpu.dma_semaphore, #tpu.memory_space<semaphore_mem>>) attributes {dimension_semantics = [#tpu.dimension_semantics<core_parallel>, #tpu.dimension_semantics<subcore_parallel>], iteration_bounds = array<i64: 2, 16>, scalar_prefetch = 0 : i64, scratch_operands = 5 : i64, tpu.core_type = #tpu.core_type<sc_vector_subcore>, window_params = [{transform_indices = #map}, {transform_indices = #map1}, {transform_indices = #map}]} {
    %mul3A = arith.constant 2 : i32
    %mul3A_0 = arith.muli %arg1, %mul3A : i32
    %add3A = arith.addi %mul3A_0, %arg0 : i32
    "tpu.region"() ({
      %run_scoped3A = tpu.sem_alloc : memref<!tpu.dma_semaphore, #tpu.memory_space<semaphore_mem>>
      %dma_start3A = arith.constant 0 : i32
      %dma_start3A_6 = arith.constant 0 : i32
      %dma_start3A_7 = tpu.memref_slice %arg3[%add3A, %dma_start3A, %dma_start3A_6] : memref<32x16x128xi32, #tpu.memory_space<hbm>> -> memref<1x16x128xi32, #tpu.memory_space<hbm>>
      %dma_start3A_8 = tpu.memref_squeeze %dma_start3A_7 : memref<1x16x128xi32, #tpu.memory_space<hbm>> -> memref<16x128xi32, #tpu.memory_space<hbm>>
      %dma_start3A_9 = arith.constant 0 : i32
      %dma_start3A_10 = arith.constant 0 : i32
      %dma_start3A_11 = tpu.memref_slice %arg3[%add3A, %dma_start3A_9, %dma_start3A_10] : memref<32x16x128xi32, #tpu.memory_space<hbm>> -> memref<1x16x128xi32, #tpu.memory_space<hbm>>
      %dma_start3A_12 = tpu.memref_squeeze %dma_start3A_11 : memref<1x16x128xi32, #tpu.memory_space<hbm>> -> memref<16x128xi32, #tpu.memory_space<hbm>>
      tpu.enqueue_dma source(%dma_start3A_12 : memref<16x128xi32, #tpu.memory_space<hbm>>) target(%arg5 : memref<16x128xi32, #tpu.memory_space<vmem>>) target_semaphore(%run_scoped3A : memref<!tpu.dma_semaphore, #tpu.memory_space<semaphore_mem>>)
      %dma_wait3A = arith.constant 0 : i32
      %dma_wait3A_13 = arith.constant 0 : i32
      %dma_wait3A_14 = tpu.memref_slice %arg3[%add3A, %dma_wait3A, %dma_wait3A_13] : memref<32x16x128xi32, #tpu.memory_space<hbm>> -> memref<1x16x128xi32, #tpu.memory_space<hbm>>
      %dma_wait3A_15 = tpu.memref_squeeze %dma_wait3A_14 : memref<1x16x128xi32, #tpu.memory_space<hbm>> -> memref<16x128xi32, #tpu.memory_space<hbm>>
      %dma_wait3A_16 = arith.constant 0 : i32
      %dma_wait3A_17 = arith.constant 0 : i32
      %dma_wait3A_18 = tpu.memref_slice %arg3[%add3A, %dma_wait3A_16, %dma_wait3A_17] : memref<32x16x128xi32, #tpu.memory_space<hbm>> -> memref<1x16x128xi32, #tpu.memory_space<hbm>>
      %dma_wait3A_19 = tpu.memref_squeeze %dma_wait3A_18 : memref<1x16x128xi32, #tpu.memory_space<hbm>> -> memref<16x128xi32, #tpu.memory_space<hbm>>
      tpu.wait_dma2 semaphore(%run_scoped3A : memref<!tpu.dma_semaphore, #tpu.memory_space<semaphore_mem>>) src(%dma_wait3A_19 : memref<16x128xi32, #tpu.memory_space<hbm>>) dst(%arg5 : memref<16x128xi32, #tpu.memory_space<vmem>>)
      tpu.yield
    }) : () -> ()
    %scan3A = arith.constant 0 : i32
    %scan3A_1 = arith.constant 0 : i32
    %scan3A_2 = arith.constant 8 : i32
    %scan3A_3 = arith.addi %scan3A_1, %scan3A_2 : i32
    %scan3A_4 = arith.constant 1 : i32
    scf.for %scan3A_6 = %scan3A_1 to %scan3A_3 step %scan3A_4  : i32 {
      %mul3A_7 = arith.constant 2 : i32
      %mul3A_8 = arith.muli %mul3A_7, %scan3A_6 : i32
      %dma_start3A = arith.constant 0 : i32
      %dma_start3A_9 = tpu.memref_slice %arg5[%mul3A_8, %dma_start3A] : memref<16x128xi32, #tpu.memory_space<vmem>> -> memref<1x128xi32, #tpu.memory_space<vmem>>
      %dma_start3A_10 = tpu.memref_squeeze %dma_start3A_9 : memref<1x128xi32, #tpu.memory_space<vmem>> -> memref<128xi32, #tpu.memory_space<vmem>>
      %dma_start3A_11 = arith.constant 0 : i32
      %dma_start3A_12 = arith.constant 0 : i32
      %dma_start3A_13 = tpu.memref_slice %arg2[%dma_start3A_11, %dma_start3A_12] : memref<4096x256xf32, #tpu.memory_space<hbm>> -> memref<4096x256xf32, #tpu.memory_space<hbm>>
      tpu.enqueue_indirect_dma source(%dma_start3A_13 : memref<4096x256xf32, #tpu.memory_space<hbm>>) target(%arg6 : memref<128x256xf32, #tpu.memory_space<vmem>>) offsets(%dma_start3A_10 : memref<128xi32, #tpu.memory_space<vmem>>) semaphore(%arg8 : memref<!tpu.dma_semaphore, #tpu.memory_space<semaphore_mem>>)
      %add3A_14 = arith.constant 1 : i32
      %add3A_15 = arith.addi %mul3A_8, %add3A_14 : i32
      %dma_start3A_16 = arith.constant 0 : i32
      %dma_start3A_17 = tpu.memref_slice %arg5[%add3A_15, %dma_start3A_16] : memref<16x128xi32, #tpu.memory_space<vmem>> -> memref<1x128xi32, #tpu.memory_space<vmem>>
      %dma_start3A_18 = tpu.memref_squeeze %dma_start3A_17 : memref<1x128xi32, #tpu.memory_space<vmem>> -> memref<128xi32, #tpu.memory_space<vmem>>
      %dma_start3A_19 = arith.constant 0 : i32
      %dma_start3A_20 = arith.constant 0 : i32
      %dma_start3A_21 = tpu.memref_slice %arg2[%dma_start3A_19, %dma_start3A_20] : memref<4096x256xf32, #tpu.memory_space<hbm>> -> memref<4096x256xf32, #tpu.memory_space<hbm>>
      tpu.enqueue_indirect_dma source(%dma_start3A_21 : memref<4096x256xf32, #tpu.memory_space<hbm>>) target(%arg7 : memref<128x256xf32, #tpu.memory_space<vmem>>) offsets(%dma_start3A_18 : memref<128xi32, #tpu.memory_space<vmem>>) semaphore(%arg9 : memref<!tpu.dma_semaphore, #tpu.memory_space<semaphore_mem>>)
      %dma_wait3A = arith.constant 0 : i32
      %dma_wait3A_22 = tpu.memref_slice %arg5[%mul3A_8, %dma_wait3A] : memref<16x128xi32, #tpu.memory_space<vmem>> -> memref<1x128xi32, #tpu.memory_space<vmem>>
      %dma_wait3A_23 = tpu.memref_squeeze %dma_wait3A_22 : memref<1x128xi32, #tpu.memory_space<vmem>> -> memref<128xi32, #tpu.memory_space<vmem>>
      %dma_wait3A_24 = arith.constant 0 : i32
      %dma_wait3A_25 = arith.constant 0 : i32
      %dma_wait3A_26 = tpu.memref_slice %arg2[%dma_wait3A_24, %dma_wait3A_25] : memref<4096x256xf32, #tpu.memory_space<hbm>> -> memref<4096x256xf32, #tpu.memory_space<hbm>>
      tpu.wait_indirect_dma semaphore(%arg8 : memref<!tpu.dma_semaphore, #tpu.memory_space<semaphore_mem>>) src(%dma_wait3A_26 : memref<4096x256xf32, #tpu.memory_space<hbm>>) dst(%arg6 : memref<128x256xf32, #tpu.memory_space<vmem>>)
      %mul3A_27 = arith.constant 16 : i32
      %mul3A_28 = arith.muli %add3A, %mul3A_27 : i32
      %add3A_29 = arith.addi %mul3A_28, %mul3A_8 : i32
      %mul3A_30 = arith.constant 128 : i32
      %mul3A_31 = arith.muli %add3A_29, %mul3A_30 : i32
      "tpu.region"() ({
        %run_scoped3A = tpu.sem_alloc : memref<!tpu.dma_semaphore, #tpu.memory_space<semaphore_mem>>
        %dma_start3A_45 = arith.constant 0 : i32
        %dma_start3A_46 = tpu.memref_slice %arg4[%mul3A_31, %dma_start3A_45] : memref<65536x256xf32, #tpu.memory_space<hbm>> -> memref<128x256xf32, #tpu.memory_space<hbm>>
        %dma_start3A_47 = arith.constant 0 : i32
        %dma_start3A_48 = tpu.memref_slice %arg4[%mul3A_31, %dma_start3A_47] : memref<65536x256xf32, #tpu.memory_space<hbm>> -> memref<128x256xf32, #tpu.memory_space<hbm>>
        tpu.enqueue_dma source(%arg6 : memref<128x256xf32, #tpu.memory_space<vmem>>) target(%dma_start3A_48 : memref<128x256xf32, #tpu.memory_space<hbm>>) target_semaphore(%run_scoped3A : memref<!tpu.dma_semaphore, #tpu.memory_space<semaphore_mem>>)
        %dma_wait3A_49 = arith.constant 0 : i32
        %dma_wait3A_50 = tpu.memref_slice %arg4[%mul3A_31, %dma_wait3A_49] : memref<65536x256xf32, #tpu.memory_space<hbm>> -> memref<128x256xf32, #tpu.memory_space<hbm>>
        %dma_wait3A_51 = arith.constant 0 : i32
        %dma_wait3A_52 = tpu.memref_slice %arg4[%mul3A_31, %dma_wait3A_51] : memref<65536x256xf32, #tpu.memory_space<hbm>> -> memref<128x256xf32, #tpu.memory_space<hbm>>
        tpu.wait_dma2 semaphore(%run_scoped3A : memref<!tpu.dma_semaphore, #tpu.memory_space<semaphore_mem>>) src(%arg6 : memref<128x256xf32, #tpu.memory_space<vmem>>) dst(%dma_wait3A_52 : memref<128x256xf32, #tpu.memory_space<hbm>>)
        tpu.yield
      }) : () -> ()
      %dma_wait3A_32 = arith.constant 0 : i32
      %dma_wait3A_33 = tpu.memref_slice %arg5[%add3A_15, %dma_wait3A_32] : memref<16x128xi32, #tpu.memory_space<vmem>> -> memref<1x128xi32, #tpu.memory_space<vmem>>
      %dma_wait3A_34 = tpu.memref_squeeze %dma_wait3A_33 : memref<1x128xi32, #tpu.memory_space<vmem>> -> memref<128xi32, #tpu.memory_space<vmem>>
      %dma_wait3A_35 = arith.constant 0 : i32
      %dma_wait3A_36 = arith.constant 0 : i32
      %dma_wait3A_37 = tpu.memref_slice %arg2[%dma_wait3A_35, %dma_wait3A_36] : memref<4096x256xf32, #tpu.memory_space<hbm>> -> memref<4096x256xf32, #tpu.memory_space<hbm>>
      tpu.wait_indirect_dma semaphore(%arg9 : memref<!tpu.dma_semaphore, #tpu.memory_space<semaphore_mem>>) src(%dma_wait3A_37 : memref<4096x256xf32, #tpu.memory_space<hbm>>) dst(%arg7 : memref<128x256xf32, #tpu.memory_space<vmem>>)
      %mul3A_38 = arith.constant 16 : i32
      %mul3A_39 = arith.muli %add3A, %mul3A_38 : i32
      %add3A_40 = arith.addi %mul3A_39, %mul3A_8 : i32
      %add3A_41 = arith.constant 1 : i32
      %add3A_42 = arith.addi %add3A_40, %add3A_41 : i32
      %mul3A_43 = arith.constant 128 : i32
      %mul3A_44 = arith.muli %add3A_42, %mul3A_43 : i32
      "tpu.region"() ({
        %run_scoped3A = tpu.sem_alloc : memref<!tpu.dma_semaphore, #tpu.memory_space<semaphore_mem>>
        %dma_start3A_45 = arith.constant 0 : i32
        %dma_start3A_46 = tpu.memref_slice %arg4[%mul3A_44, %dma_start3A_45] : memref<65536x256xf32, #tpu.memory_space<hbm>> -> memref<128x256xf32, #tpu.memory_space<hbm>>
        %dma_start3A_47 = arith.constant 0 : i32
        %dma_start3A_48 = tpu.memref_slice %arg4[%mul3A_44, %dma_start3A_47] : memref<65536x256xf32, #tpu.memory_space<hbm>> -> memref<128x256xf32, #tpu.memory_space<hbm>>
        tpu.enqueue_dma source(%arg7 : memref<128x256xf32, #tpu.memory_space<vmem>>) target(%dma_start3A_48 : memref<128x256xf32, #tpu.memory_space<hbm>>) target_semaphore(%run_scoped3A : memref<!tpu.dma_semaphore, #tpu.memory_space<semaphore_mem>>)
        %dma_wait3A_49 = arith.constant 0 : i32
        %dma_wait3A_50 = tpu.memref_slice %arg4[%mul3A_44, %dma_wait3A_49] : memref<65536x256xf32, #tpu.memory_space<hbm>> -> memref<128x256xf32, #tpu.memory_space<hbm>>
        %dma_wait3A_51 = arith.constant 0 : i32
        %dma_wait3A_52 = tpu.memref_slice %arg4[%mul3A_44, %dma_wait3A_51] : memref<65536x256xf32, #tpu.memory_space<hbm>> -> memref<128x256xf32, #tpu.memory_space<hbm>>
        tpu.wait_dma2 semaphore(%run_scoped3A : memref<!tpu.dma_semaphore, #tpu.memory_space<semaphore_mem>>) src(%arg7 : memref<128x256xf32, #tpu.memory_space<vmem>>) dst(%dma_wait3A_52 : memref<128x256xf32, #tpu.memory_space<hbm>>)
        tpu.yield
      }) : () -> ()
    }
    %scan3A_5 = arith.constant 8 : i32
    return
  }
}

#map = affine_map<(d0, d1) -> (0, 0)>
#map1 = affine_map<(d0, d1) -> (0, 0, 0)>
module attributes {stable_mosaic.version = 14 : i64} {
  func.func @gather_kernel(%arg0: i32, %arg1: i32, %arg2: memref<4096x256xf32, #tpu.memory_space<hbm>>, %arg3: memref<32x16x128xi32, #tpu.memory_space<hbm>>, %arg4: memref<65536x256xf32, #tpu.memory_space<hbm>>, %arg5: memref<16x128xi32, #tpu.memory_space<vmem>>, %arg6: memref<128x256xf32, #tpu.memory_space<vmem>>, %arg7: memref<128x256xf32, #tpu.memory_space<vmem>>, %arg8: memref<!tpu.dma_semaphore, #tpu.memory_space<semaphore_mem>>, %arg9: memref<!tpu.dma_semaphore, #tpu.memory_space<semaphore_mem>>) attributes {dimension_semantics = [#tpu.dimension_semantics<core_parallel>, #tpu.dimension_semantics<subcore_parallel>], iteration_bounds = array<i64: 2, 16>, scalar_prefetch = 0 : i64, scratch_operands = 5 : i64, tpu.core_type = #tpu.core_type<sc_vector_subcore>, window_params = [{transform_indices = #map}, {transform_indices = #map1}, {transform_indices = #map}]} {
    %mul3A = arith.constant 2 : i32
    %mul3A_0 = arith.muli %arg1, %mul3A : i32
    %add3A = arith.addi %mul3A_0, %arg0 : i32
    "tpu.region"() ({
      %run_scoped3A = tpu.sem_alloc : memref<!tpu.dma_semaphore, #tpu.memory_space<semaphore_mem>>
      %dma_start3A = arith.constant 0 : i32
      %dma_start3A_6 = arith.constant 0 : i32
      %dma_start3A_7 = tpu.memref_slice %arg3[%add3A, %dma_start3A, %dma_start3A_6] : memref<32x16x128xi32, #tpu.memory_space<hbm>> -> memref<1x16x128xi32, #tpu.memory_space<hbm>>
      %dma_start3A_8 = tpu.memref_squeeze %dma_start3A_7 : memref<1x16x128xi32, #tpu.memory_space<hbm>> -> memref<16x128xi32, #tpu.memory_space<hbm>>
      %dma_start3A_9 = arith.constant 0 : i32
      %dma_start3A_10 = arith.constant 0 : i32
      %dma_start3A_11 = tpu.memref_slice %arg3[%add3A, %dma_start3A_9, %dma_start3A_10] : memref<32x16x128xi32, #tpu.memory_space<hbm>> -> memref<1x16x128xi32, #tpu.memory_space<hbm>>
      %dma_start3A_12 = tpu.memref_squeeze %dma_start3A_11 : memref<1x16x128xi32, #tpu.memory_space<hbm>> -> memref<16x128xi32, #tpu.memory_space<hbm>>
      tpu.enqueue_dma source(%dma_start3A_12 : memref<16x128xi32, #tpu.memory_space<hbm>>) target(%arg5 : memref<16x128xi32, #tpu.memory_space<vmem>>) target_semaphore(%run_scoped3A : memref<!tpu.dma_semaphore, #tpu.memory_space<semaphore_mem>>)
      %dma_wait3A = arith.constant 0 : i32
      %dma_wait3A_13 = arith.constant 0 : i32
      %dma_wait3A_14 = tpu.memref_slice %arg3[%add3A, %dma_wait3A, %dma_wait3A_13] : memref<32x16x128xi32, #tpu.memory_space<hbm>> -> memref<1x16x128xi32, #tpu.memory_space<hbm>>
      %dma_wait3A_15 = tpu.memref_squeeze %dma_wait3A_14 : memref<1x16x128xi32, #tpu.memory_space<hbm>> -> memref<16x128xi32, #tpu.memory_space<hbm>>
      %dma_wait3A_16 = arith.constant 0 : i32
      %dma_wait3A_17 = arith.constant 0 : i32
      %dma_wait3A_18 = tpu.memref_slice %arg3[%add3A, %dma_wait3A_16, %dma_wait3A_17] : memref<32x16x128xi32, #tpu.memory_space<hbm>> -> memref<1x16x128xi32, #tpu.memory_space<hbm>>
      %dma_wait3A_19 = tpu.memref_squeeze %dma_wait3A_18 : memref<1x16x128xi32, #tpu.memory_space<hbm>> -> memref<16x128xi32, #tpu.memory_space<hbm>>
      tpu.wait_dma2 semaphore(%run_scoped3A : memref<!tpu.dma_semaphore, #tpu.memory_space<semaphore_mem>>) src(%dma_wait3A_19 : memref<16x128xi32, #tpu.memory_space<hbm>>) dst(%arg5 : memref<16x128xi32, #tpu.memory_space<vmem>>)
      tpu.yield
    }) : () -> ()
    %scan3A = arith.constant 0 : i32
    %scan3A_1 = arith.constant 0 : i32
    %scan3A_2 = arith.constant 8 : i32
    %scan3A_3 = arith.addi %scan3A_1, %scan3A_2 : i32
    %scan3A_4 = arith.constant 1 : i32
    scf.for %scan3A_6 = %scan3A_1 to %scan3A_3 step %scan3A_4  : i32 {
      %mul3A_7 = arith.constant 2 : i32
      %mul3A_8 = arith.muli %mul3A_7, %scan3A_6 : i32
      %dma_start3A = arith.constant 0 : i32
      %dma_start3A_9 = tpu.memref_slice %arg5[%mul3A_8, %dma_start3A] : memref<16x128xi32, #tpu.memory_space<vmem>> -> memref<1x128xi32, #tpu.memory_space<vmem>>
      %dma_start3A_10 = tpu.memref_squeeze %dma_start3A_9 : memref<1x128xi32, #tpu.memory_space<vmem>> -> memref<128xi32, #tpu.memory_space<vmem>>
      %dma_start3A_11 = arith.constant 0 : i32
      %dma_start3A_12 = arith.constant 0 : i32
      %dma_start3A_13 = tpu.memref_slice %arg2[%dma_start3A_11, %dma_start3A_12] : memref<4096x256xf32, #tpu.memory_space<hbm>> -> memref<4096x256xf32, #tpu.memory_space<hbm>>
      tpu.enqueue_indirect_dma source(%dma_start3A_13 : memref<4096x256xf32, #tpu.memory_space<hbm>>) target(%arg6 : memref<128x256xf32, #tpu.memory_space<vmem>>) offsets(%dma_start3A_10 : memref<128xi32, #tpu.memory_space<vmem>>) semaphore(%arg8 : memref<!tpu.dma_semaphore, #tpu.memory_space<semaphore_mem>>)
      %add3A_14 = arith.constant 1 : i32
      %add3A_15 = arith.addi %mul3A_8, %add3A_14 : i32
      %dma_start3A_16 = arith.constant 0 : i32
      %dma_start3A_17 = tpu.memref_slice %arg5[%add3A_15, %dma_start3A_16] : memref<16x128xi32, #tpu.memory_space<vmem>> -> memref<1x128xi32, #tpu.memory_space<vmem>>
      %dma_start3A_18 = tpu.memref_squeeze %dma_start3A_17 : memref<1x128xi32, #tpu.memory_space<vmem>> -> memref<128xi32, #tpu.memory_space<vmem>>
      %dma_start3A_19 = arith.constant 0 : i32
      %dma_start3A_20 = arith.constant 0 : i32
      %dma_start3A_21 = tpu.memref_slice %arg2[%dma_start3A_19, %dma_start3A_20] : memref<4096x256xf32, #tpu.memory_space<hbm>> -> memref<4096x256xf32, #tpu.memory_space<hbm>>
      tpu.enqueue_indirect_dma source(%dma_start3A_21 : memref<4096x256xf32, #tpu.memory_space<hbm>>) target(%arg7 : memref<128x256xf32, #tpu.memory_space<vmem>>) offsets(%dma_start3A_18 : memref<128xi32, #tpu.memory_space<vmem>>) semaphore(%arg9 : memref<!tpu.dma_semaphore, #tpu.memory_space<semaphore_mem>>)
      %dma_wait3A = arith.constant 0 : i32
      %dma_wait3A_22 = tpu.memref_slice %arg5[%mul3A_8, %dma_wait3A] : memref<16x128xi32, #tpu.memory_space<vmem>> -> memref<1x128xi32, #tpu.memory_space<vmem>>
      %dma_wait3A_23 = tpu.memref_squeeze %dma_wait3A_22 : memref<1x128xi32, #tpu.memory_space<vmem>> -> memref<128xi32, #tpu.memory_space<vmem>>
      %dma_wait3A_24 = arith.constant 0 : i32
      %dma_wait3A_25 = arith.constant 0 : i32
      %dma_wait3A_26 = tpu.memref_slice %arg2[%dma_wait3A_24, %dma_wait3A_25] : memref<4096x256xf32, #tpu.memory_space<hbm>> -> memref<4096x256xf32, #tpu.memory_space<hbm>>
      tpu.wait_indirect_dma semaphore(%arg8 : memref<!tpu.dma_semaphore, #tpu.memory_space<semaphore_mem>>) src(%dma_wait3A_26 : memref<4096x256xf32, #tpu.memory_space<hbm>>) dst(%arg6 : memref<128x256xf32, #tpu.memory_space<vmem>>)
      %mul3A_27 = arith.constant 16 : i32
      %mul3A_28 = arith.muli %add3A, %mul3A_27 : i32
      %add3A_29 = arith.addi %mul3A_28, %mul3A_8 : i32
      %mul3A_30 = arith.constant 128 : i32
      %mul3A_31 = arith.muli %add3A_29, %mul3A_30 : i32
      "tpu.region"() ({
        %run_scoped3A = tpu.sem_alloc : memref<!tpu.dma_semaphore, #tpu.memory_space<semaphore_mem>>
        %dma_start3A_45 = arith.constant 0 : i32
        %dma_start3A_46 = tpu.memref_slice %arg4[%mul3A_31, %dma_start3A_45] : memref<65536x256xf32, #tpu.memory_space<hbm>> -> memref<128x256xf32, #tpu.memory_space<hbm>>
        %dma_start3A_47 = arith.constant 0 : i32
        %dma_start3A_48 = tpu.memref_slice %arg4[%mul3A_31, %dma_start3A_47] : memref<65536x256xf32, #tpu.memory_space<hbm>> -> memref<128x256xf32, #tpu.memory_space<hbm>>
        tpu.enqueue_dma source(%arg6 : memref<128x256xf32, #tpu.memory_space<vmem>>) target(%dma_start3A_48 : memref<128x256xf32, #tpu.memory_space<hbm>>) target_semaphore(%run_scoped3A : memref<!tpu.dma_semaphore, #tpu.memory_space<semaphore_mem>>)
        %dma_wait3A_49 = arith.constant 0 : i32
        %dma_wait3A_50 = tpu.memref_slice %arg4[%mul3A_31, %dma_wait3A_49] : memref<65536x256xf32, #tpu.memory_space<hbm>> -> memref<128x256xf32, #tpu.memory_space<hbm>>
        %dma_wait3A_51 = arith.constant 0 : i32
        %dma_wait3A_52 = tpu.memref_slice %arg4[%mul3A_31, %dma_wait3A_51] : memref<65536x256xf32, #tpu.memory_space<hbm>> -> memref<128x256xf32, #tpu.memory_space<hbm>>
        tpu.wait_dma2 semaphore(%run_scoped3A : memref<!tpu.dma_semaphore, #tpu.memory_space<semaphore_mem>>) src(%arg6 : memref<128x256xf32, #tpu.memory_space<vmem>>) dst(%dma_wait3A_52 : memref<128x256xf32, #tpu.memory_space<hbm>>)
        tpu.yield
      }) : () -> ()
      %dma_wait3A_32 = arith.constant 0 : i32
      %dma_wait3A_33 = tpu.memref_slice %arg5[%add3A_15, %dma_wait3A_32] : memref<16x128xi32, #tpu.memory_space<vmem>> -> memref<1x128xi32, #tpu.memory_space<vmem>>
      %dma_wait3A_34 = tpu.memref_squeeze %dma_wait3A_33 : memref<1x128xi32, #tpu.memory_space<vmem>> -> memref<128xi32, #tpu.memory_space<vmem>>
      %dma_wait3A_35 = arith.constant 0 : i32
      %dma_wait3A_36 = arith.constant 0 : i32
      %dma_wait3A_37 = tpu.memref_slice %arg2[%dma_wait3A_35, %dma_wait3A_36] : memref<4096x256xf32, #tpu.memory_space<hbm>> -> memref<4096x256xf32, #tpu.memory_space<hbm>>
      tpu.wait_indirect_dma semaphore(%arg9 : memref<!tpu.dma_semaphore, #tpu.memory_space<semaphore_mem>>) src(%dma_wait3A_37 : memref<4096x256xf32, #tpu.memory_space<hbm>>) dst(%arg7 : memref<128x256xf32, #tpu.memory_space<vmem>>)
      %mul3A_38 = arith.constant 16 : i32
      %mul3A_39 = arith.muli %add3A, %mul3A_38 : i32
      %add3A_40 = arith.addi %mul3A_39, %mul3A_8 : i32
      %add3A_41 = arith.constant 1 : i32
      %add3A_42 = arith.addi %add3A_40, %add3A_41 : i32
      %mul3A_43 = arith.constant 128 : i32
      %mul3A_44 = arith.muli %add3A_42, %mul3A_43 : i32
      "tpu.region"() ({
        %run_scoped3A = tpu.sem_alloc : memref<!tpu.dma_semaphore, #tpu.memory_space<semaphore_mem>>
        %dma_start3A_45 = arith.constant 0 : i32
        %dma_start3A_46 = tpu.memref_slice %arg4[%mul3A_44, %dma_start3A_45] : memref<65536x256xf32, #tpu.memory_space<hbm>> -> memref<128x256xf32, #tpu.memory_space<hbm>>
        %dma_start3A_47 = arith.constant 0 : i32
        %dma_start3A_48 = tpu.memref_slice %arg4[%mul3A_44, %dma_start3A_47] : memref<65536x256xf32, #tpu.memory_space<hbm>> -> memref<128x256xf32, #tpu.memory_space<hbm>>
        tpu.enqueue_dma source(%arg7 : memref<128x256xf32, #tpu.memory_space<vmem>>) target(%dma_start3A_48 : memref<128x256xf32, #tpu.memory_space<hbm>>) target_semaphore(%run_scoped3A : memref<!tpu.dma_semaphore, #tpu.memory_space<semaphore_mem>>)
        %dma_wait3A_49 = arith.constant 0 : i32
        %dma_wait3A_50 = tpu.memref_slice %arg4[%mul3A_44, %dma_wait3A_49] : memref<65536x256xf32, #tpu.memory_space<hbm>> -> memref<128x256xf32, #tpu.memory_space<hbm>>
        %dma_wait3A_51 = arith.constant 0 : i32
        %dma_wait3A_52 = tpu.memref_slice %arg4[%mul3A_44, %dma_wait3A_51] : memref<65536x256xf32, #tpu.memory_space<hbm>> -> memref<128x256xf32, #tpu.memory_space<hbm>>
        tpu.wait_dma2 semaphore(%run_scoped3A : memref<!tpu.dma_semaphore, #tpu.memory_space<semaphore_mem>>) src(%arg7 : memref<128x256xf32, #tpu.memory_space<vmem>>) dst(%dma_wait3A_52 : memref<128x256xf32, #tpu.memory_space<hbm>>)
        tpu.yield
      }) : () -> ()
    }
    %scan3A_5 = arith.constant 8 : i32
    return
  }
}

module attributes {stable_mosaic.version = 14 : i64} {
  func.func @_knn_body(%arg0: i32, %arg1: i32, %arg2: memref<1x96x4096xf32, #tpu.memory_space<vmem>>, %arg3: memref<1x96x256xf32, #tpu.memory_space<vmem>>, %arg4: memref<1x256x16xi32, #tpu.memory_space<vmem>>) attributes {dimension_semantics = [#tpu.dimension_semantics<arbitrary>, #tpu.dimension_semantics<arbitrary>], iteration_bounds = array<i64: 1, 16>, scalar_prefetch = 0 : i64, scratch_operands = 0 : i64, tpu.core_type = #tpu.core_type<tc>, window_params = [{transform_indices = @transform_0, window_bounds = array<i64: 1, 96, 4096>}, {transform_indices = @transform_1, window_bounds = array<i64: 1, 96, 256>}, {transform_indices = @transform_2, window_bounds = array<i64: 1, 256, 16>}]} {
    %get3A = arith.constant 0 : index
    %get3A_0 = arith.constant 0 : index
    %get3A_1 = arith.constant 0 : index
    %get3A_2 = vector.load %arg2[%get3A, %get3A_0, %get3A_1] : memref<1x96x4096xf32, #tpu.memory_space<vmem>>, vector<1x96x4096xf32>
    %get3A_3 = vector.shape_cast %get3A_2 : vector<1x96x4096xf32> to vector<96x4096xf32>
    %get3A_4 = arith.constant 0 : index
    %get3A_5 = arith.constant 0 : index
    %get3A_6 = arith.constant 0 : index
    %get3A_7 = vector.load %arg3[%get3A_4, %get3A_5, %get3A_6] : memref<1x96x256xf32, #tpu.memory_space<vmem>>, vector<1x96x256xf32>
    %get3A_8 = vector.shape_cast %get3A_7 : vector<1x96x256xf32> to vector<96x256xf32>
    %dot_general3A = arith.constant dense<0.000000e+00> : vector<256x4096xf32>
    %dot_general3A_9 = tpu.matmul %get3A_8, %get3A_3, %dot_general3A {dimension_numbers = #tpu.dot_dimension_numbers<[0], [0], [1], [1], [0, 1, 1, 1], [], []>, transpose_lhs_hint = false} : vector<96x256xf32>, vector<96x4096xf32>, vector<256x4096xf32> -> vector<256x4096xf32>
    %mul3A = arith.mulf %get3A_3, %get3A_3 : vector<96x4096xf32>
    %reduce_sum3A = arith.constant dense<0.000000e+00> : vector<4096xf32>
    %reduce_sum3A_10 = vector.multi_reduction <add>, %mul3A, %reduce_sum3A [0] : vector<96x4096xf32> to vector<4096xf32>
    %mul3A_11 = arith.mulf %get3A_8, %get3A_8 : vector<96x256xf32>
    %reduce_sum3A_12 = arith.constant dense<0.000000e+00> : vector<256xf32>
    %reduce_sum3A_13 = vector.multi_reduction <add>, %mul3A_11, %reduce_sum3A_12 [0] : vector<96x256xf32> to vector<256xf32>
    %mul3A_14 = arith.constant 2.000000e+00 : f32
    %mul3A_15 = vector.broadcast %mul3A_14 : f32 to vector<256x4096xf32>
    %mul3A_16 = arith.mulf %mul3A_15, %dot_general3A_9 : vector<256x4096xf32>
    %broadcast_in_dim3A = vector.shape_cast %reduce_sum3A_13 : vector<256xf32> to vector<256x1xf32>
    %sub3A = vector.broadcast %broadcast_in_dim3A : vector<256x1xf32> to vector<256x4096xf32>
    %sub3A_17 = arith.subf %mul3A_16, %sub3A : vector<256x4096xf32>
    %broadcast_in_dim3A_18 = vector.shape_cast %reduce_sum3A_10 : vector<4096xf32> to vector<1x4096xf32>
    %sub3A_19 = vector.broadcast %broadcast_in_dim3A_18 : vector<1x4096xf32> to vector<256x4096xf32>
    %sub3A_20 = arith.subf %sub3A_17, %sub3A_19 : vector<256x4096xf32>
    %iota3A = tpu.iota {dimensions = array<i32: 1>} : vector<1x4096xi32>
    %convert_element_type3A = arith.sitofp %iota3A : vector<1x4096xi32> to vector<1x4096xf32>
    %reduce_max3A = arith.constant dense<0xFF800000> : vector<256xf32>
    %reduce_max3A_21 = vector.multi_reduction <maximumf>, %sub3A_20, %reduce_max3A [1] : vector<256x4096xf32> to vector<256xf32>
    %broadcast_in_dim3A_22 = vector.shape_cast %reduce_max3A_21 : vector<256xf32> to vector<256x1xf32>
    %eq3A = vector.broadcast %broadcast_in_dim3A_22 : vector<256x1xf32> to vector<256x4096xf32>
    %eq3A_23 = arith.cmpf oeq, %sub3A_20, %eq3A : vector<256x4096xf32>
    %jit3A = arith.constant 8.192000e+03 : f32
    %broadcast_in_dim3A_24 = vector.shape_cast %convert_element_type3A : vector<1x4096xf32> to vector<1x4096xf32>
    %broadcast_in_dim3A_25 = vector.broadcast %broadcast_in_dim3A_24 : vector<1x4096xf32> to vector<256x4096xf32>
    %broadcast_in_dim3A_26 = vector.broadcast %jit3A : f32 to vector<256x4096xf32>
    %select_n3A = arith.select %eq3A_23, %broadcast_in_dim3A_25, %broadcast_in_dim3A_26 : vector<256x4096xi1>, vector<256x4096xf32>
    %reduce_min3A = arith.constant dense<0x7F800000> : vector<256xf32>
    %reduce_min3A_27 = vector.multi_reduction <minimumf>, %select_n3A, %reduce_min3A [1] : vector<256x4096xf32> to vector<256xf32>
    %broadcast_in_dim3A_28 = vector.shape_cast %reduce_min3A_27 : vector<256xf32> to vector<256x1xf32>
    %jit3A_29 = arith.constant 0xFF800000 : f32
    %broadcast_in_dim3A_30 = vector.broadcast %jit3A_29 : f32 to vector<256x4096xf32>
    %select_n3A_31 = arith.select %eq3A_23, %broadcast_in_dim3A_30, %sub3A_20 : vector<256x4096xi1>, vector<256x4096xf32>
    %reduce_max3A_32 = arith.constant dense<0xFF800000> : vector<256xf32>
    %reduce_max3A_33 = vector.multi_reduction <maximumf>, %select_n3A_31, %reduce_max3A_32 [1] : vector<256x4096xf32> to vector<256xf32>
    %broadcast_in_dim3A_34 = vector.shape_cast %reduce_max3A_33 : vector<256xf32> to vector<256x1xf32>
    %eq3A_35 = vector.broadcast %broadcast_in_dim3A_34 : vector<256x1xf32> to vector<256x4096xf32>
    %eq3A_36 = arith.cmpf oeq, %select_n3A_31, %eq3A_35 : vector<256x4096xf32>
    %jit3A_37 = arith.constant 8.192000e+03 : f32
    %broadcast_in_dim3A_38 = vector.shape_cast %convert_element_type3A : vector<1x4096xf32> to vector<1x4096xf32>
    %broadcast_in_dim3A_39 = vector.broadcast %broadcast_in_dim3A_38 : vector<1x4096xf32> to vector<256x4096xf32>
    %broadcast_in_dim3A_40 = vector.broadcast %jit3A_37 : f32 to vector<256x4096xf32>
    %select_n3A_41 = arith.select %eq3A_36, %broadcast_in_dim3A_39, %broadcast_in_dim3A_40 : vector<256x4096xi1>, vector<256x4096xf32>
    %reduce_min3A_42 = arith.constant dense<0x7F800000> : vector<256xf32>
    %reduce_min3A_43 = vector.multi_reduction <minimumf>, %select_n3A_41, %reduce_min3A_42 [1] : vector<256x4096xf32> to vector<256xf32>
    %broadcast_in_dim3A_44 = vector.shape_cast %reduce_min3A_43 : vector<256xf32> to vector<256x1xf32>
    %jit3A_45 = arith.constant 0xFF800000 : f32
    %broadcast_in_dim3A_46 = vector.broadcast %jit3A_45 : f32 to vector<256x4096xf32>
    %select_n3A_47 = arith.select %eq3A_36, %broadcast_in_dim3A_46, %select_n3A_31 : vector<256x4096xi1>, vector<256x4096xf32>
    %reduce_max3A_48 = arith.constant dense<0xFF800000> : vector<256xf32>
    %reduce_max3A_49 = vector.multi_reduction <maximumf>, %select_n3A_47, %reduce_max3A_48 [1] : vector<256x4096xf32> to vector<256xf32>
    %broadcast_in_dim3A_50 = vector.shape_cast %reduce_max3A_49 : vector<256xf32> to vector<256x1xf32>
    %eq3A_51 = vector.broadcast %broadcast_in_dim3A_50 : vector<256x1xf32> to vector<256x4096xf32>
    %eq3A_52 = arith.cmpf oeq, %select_n3A_47, %eq3A_51 : vector<256x4096xf32>
    %jit3A_53 = arith.constant 8.192000e+03 : f32
    %broadcast_in_dim3A_54 = vector.shape_cast %convert_element_type3A : vector<1x4096xf32> to vector<1x4096xf32>
    %broadcast_in_dim3A_55 = vector.broadcast %broadcast_in_dim3A_54 : vector<1x4096xf32> to vector<256x4096xf32>
    %broadcast_in_dim3A_56 = vector.broadcast %jit3A_53 : f32 to vector<256x4096xf32>
    %select_n3A_57 = arith.select %eq3A_52, %broadcast_in_dim3A_55, %broadcast_in_dim3A_56 : vector<256x4096xi1>, vector<256x4096xf32>
    %reduce_min3A_58 = arith.constant dense<0x7F800000> : vector<256xf32>
    %reduce_min3A_59 = vector.multi_reduction <minimumf>, %select_n3A_57, %reduce_min3A_58 [1] : vector<256x4096xf32> to vector<256xf32>
    %broadcast_in_dim3A_60 = vector.shape_cast %reduce_min3A_59 : vector<256xf32> to vector<256x1xf32>
    %jit3A_61 = arith.constant 0xFF800000 : f32
    %broadcast_in_dim3A_62 = vector.broadcast %jit3A_61 : f32 to vector<256x4096xf32>
    %select_n3A_63 = arith.select %eq3A_52, %broadcast_in_dim3A_62, %select_n3A_47 : vector<256x4096xi1>, vector<256x4096xf32>
    %reduce_max3A_64 = arith.constant dense<0xFF800000> : vector<256xf32>
    %reduce_max3A_65 = vector.multi_reduction <maximumf>, %select_n3A_63, %reduce_max3A_64 [1] : vector<256x4096xf32> to vector<256xf32>
    %broadcast_in_dim3A_66 = vector.shape_cast %reduce_max3A_65 : vector<256xf32> to vector<256x1xf32>
    %eq3A_67 = vector.broadcast %broadcast_in_dim3A_66 : vector<256x1xf32> to vector<256x4096xf32>
    %eq3A_68 = arith.cmpf oeq, %select_n3A_63, %eq3A_67 : vector<256x4096xf32>
    %jit3A_69 = arith.constant 8.192000e+03 : f32
    %broadcast_in_dim3A_70 = vector.shape_cast %convert_element_type3A : vector<1x4096xf32> to vector<1x4096xf32>
    %broadcast_in_dim3A_71 = vector.broadcast %broadcast_in_dim3A_70 : vector<1x4096xf32> to vector<256x4096xf32>
    %broadcast_in_dim3A_72 = vector.broadcast %jit3A_69 : f32 to vector<256x4096xf32>
    %select_n3A_73 = arith.select %eq3A_68, %broadcast_in_dim3A_71, %broadcast_in_dim3A_72 : vector<256x4096xi1>, vector<256x4096xf32>
    %reduce_min3A_74 = arith.constant dense<0x7F800000> : vector<256xf32>
    %reduce_min3A_75 = vector.multi_reduction <minimumf>, %select_n3A_73, %reduce_min3A_74 [1] : vector<256x4096xf32> to vector<256xf32>
    %broadcast_in_dim3A_76 = vector.shape_cast %reduce_min3A_75 : vector<256xf32> to vector<256x1xf32>
    %jit3A_77 = arith.constant 0xFF800000 : f32
    %broadcast_in_dim3A_78 = vector.broadcast %jit3A_77 : f32 to vector<256x4096xf32>
    %select_n3A_79 = arith.select %eq3A_68, %broadcast_in_dim3A_78, %select_n3A_63 : vector<256x4096xi1>, vector<256x4096xf32>
    %reduce_max3A_80 = arith.constant dense<0xFF800000> : vector<256xf32>
    %reduce_max3A_81 = vector.multi_reduction <maximumf>, %select_n3A_79, %reduce_max3A_80 [1] : vector<256x4096xf32> to vector<256xf32>
    %broadcast_in_dim3A_82 = vector.shape_cast %reduce_max3A_81 : vector<256xf32> to vector<256x1xf32>
    %eq3A_83 = vector.broadcast %broadcast_in_dim3A_82 : vector<256x1xf32> to vector<256x4096xf32>
    %eq3A_84 = arith.cmpf oeq, %select_n3A_79, %eq3A_83 : vector<256x4096xf32>
    %jit3A_85 = arith.constant 8.192000e+03 : f32
    %broadcast_in_dim3A_86 = vector.shape_cast %convert_element_type3A : vector<1x4096xf32> to vector<1x4096xf32>
    %broadcast_in_dim3A_87 = vector.broadcast %broadcast_in_dim3A_86 : vector<1x4096xf32> to vector<256x4096xf32>
    %broadcast_in_dim3A_88 = vector.broadcast %jit3A_85 : f32 to vector<256x4096xf32>
    %select_n3A_89 = arith.select %eq3A_84, %broadcast_in_dim3A_87, %broadcast_in_dim3A_88 : vector<256x4096xi1>, vector<256x4096xf32>
    %reduce_min3A_90 = arith.constant dense<0x7F800000> : vector<256xf32>
    %reduce_min3A_91 = vector.multi_reduction <minimumf>, %select_n3A_89, %reduce_min3A_90 [1] : vector<256x4096xf32> to vector<256xf32>
    %broadcast_in_dim3A_92 = vector.shape_cast %reduce_min3A_91 : vector<256xf32> to vector<256x1xf32>
    %jit3A_93 = arith.constant 0xFF800000 : f32
    %broadcast_in_dim3A_94 = vector.broadcast %jit3A_93 : f32 to vector<256x4096xf32>
    %select_n3A_95 = arith.select %eq3A_84, %broadcast_in_dim3A_94, %select_n3A_79 : vector<256x4096xi1>, vector<256x4096xf32>
    %reduce_max3A_96 = arith.constant dense<0xFF800000> : vector<256xf32>
    %reduce_max3A_97 = vector.multi_reduction <maximumf>, %select_n3A_95, %reduce_max3A_96 [1] : vector<256x4096xf32> to vector<256xf32>
    %broadcast_in_dim3A_98 = vector.shape_cast %reduce_max3A_97 : vector<256xf32> to vector<256x1xf32>
    %eq3A_99 = vector.broadcast %broadcast_in_dim3A_98 : vector<256x1xf32> to vector<256x4096xf32>
    %eq3A_100 = arith.cmpf oeq, %select_n3A_95, %eq3A_99 : vector<256x4096xf32>
    %jit3A_101 = arith.constant 8.192000e+03 : f32
    %broadcast_in_dim3A_102 = vector.shape_cast %convert_element_type3A : vector<1x4096xf32> to vector<1x4096xf32>
    %broadcast_in_dim3A_103 = vector.broadcast %broadcast_in_dim3A_102 : vector<1x4096xf32> to vector<256x4096xf32>
    %broadcast_in_dim3A_104 = vector.broadcast %jit3A_101 : f32 to vector<256x4096xf32>
    %select_n3A_105 = arith.select %eq3A_100, %broadcast_in_dim3A_103, %broadcast_in_dim3A_104 : vector<256x4096xi1>, vector<256x4096xf32>
    %reduce_min3A_106 = arith.constant dense<0x7F800000> : vector<256xf32>
    %reduce_min3A_107 = vector.multi_reduction <minimumf>, %select_n3A_105, %reduce_min3A_106 [1] : vector<256x4096xf32> to vector<256xf32>
    %broadcast_in_dim3A_108 = vector.shape_cast %reduce_min3A_107 : vector<256xf32> to vector<256x1xf32>
    %jit3A_109 = arith.constant 0xFF800000 : f32
    %broadcast_in_dim3A_110 = vector.broadcast %jit3A_109 : f32 to vector<256x4096xf32>
    %select_n3A_111 = arith.select %eq3A_100, %broadcast_in_dim3A_110, %select_n3A_95 : vector<256x4096xi1>, vector<256x4096xf32>
    %reduce_max3A_112 = arith.constant dense<0xFF800000> : vector<256xf32>
    %reduce_max3A_113 = vector.multi_reduction <maximumf>, %select_n3A_111, %reduce_max3A_112 [1] : vector<256x4096xf32> to vector<256xf32>
    %broadcast_in_dim3A_114 = vector.shape_cast %reduce_max3A_113 : vector<256xf32> to vector<256x1xf32>
    %eq3A_115 = vector.broadcast %broadcast_in_dim3A_114 : vector<256x1xf32> to vector<256x4096xf32>
    %eq3A_116 = arith.cmpf oeq, %select_n3A_111, %eq3A_115 : vector<256x4096xf32>
    %jit3A_117 = arith.constant 8.192000e+03 : f32
    %broadcast_in_dim3A_118 = vector.shape_cast %convert_element_type3A : vector<1x4096xf32> to vector<1x4096xf32>
    %broadcast_in_dim3A_119 = vector.broadcast %broadcast_in_dim3A_118 : vector<1x4096xf32> to vector<256x4096xf32>
    %broadcast_in_dim3A_120 = vector.broadcast %jit3A_117 : f32 to vector<256x4096xf32>
    %select_n3A_121 = arith.select %eq3A_116, %broadcast_in_dim3A_119, %broadcast_in_dim3A_120 : vector<256x4096xi1>, vector<256x4096xf32>
    %reduce_min3A_122 = arith.constant dense<0x7F800000> : vector<256xf32>
    %reduce_min3A_123 = vector.multi_reduction <minimumf>, %select_n3A_121, %reduce_min3A_122 [1] : vector<256x4096xf32> to vector<256xf32>
    %broadcast_in_dim3A_124 = vector.shape_cast %reduce_min3A_123 : vector<256xf32> to vector<256x1xf32>
    %jit3A_125 = arith.constant 0xFF800000 : f32
    %broadcast_in_dim3A_126 = vector.broadcast %jit3A_125 : f32 to vector<256x4096xf32>
    %select_n3A_127 = arith.select %eq3A_116, %broadcast_in_dim3A_126, %select_n3A_111 : vector<256x4096xi1>, vector<256x4096xf32>
    %reduce_max3A_128 = arith.constant dense<0xFF800000> : vector<256xf32>
    %reduce_max3A_129 = vector.multi_reduction <maximumf>, %select_n3A_127, %reduce_max3A_128 [1] : vector<256x4096xf32> to vector<256xf32>
    %broadcast_in_dim3A_130 = vector.shape_cast %reduce_max3A_129 : vector<256xf32> to vector<256x1xf32>
    %eq3A_131 = vector.broadcast %broadcast_in_dim3A_130 : vector<256x1xf32> to vector<256x4096xf32>
    %eq3A_132 = arith.cmpf oeq, %select_n3A_127, %eq3A_131 : vector<256x4096xf32>
    %jit3A_133 = arith.constant 8.192000e+03 : f32
    %broadcast_in_dim3A_134 = vector.shape_cast %convert_element_type3A : vector<1x4096xf32> to vector<1x4096xf32>
    %broadcast_in_dim3A_135 = vector.broadcast %broadcast_in_dim3A_134 : vector<1x4096xf32> to vector<256x4096xf32>
    %broadcast_in_dim3A_136 = vector.broadcast %jit3A_133 : f32 to vector<256x4096xf32>
    %select_n3A_137 = arith.select %eq3A_132, %broadcast_in_dim3A_135, %broadcast_in_dim3A_136 : vector<256x4096xi1>, vector<256x4096xf32>
    %reduce_min3A_138 = arith.constant dense<0x7F800000> : vector<256xf32>
    %reduce_min3A_139 = vector.multi_reduction <minimumf>, %select_n3A_137, %reduce_min3A_138 [1] : vector<256x4096xf32> to vector<256xf32>
    %broadcast_in_dim3A_140 = vector.shape_cast %reduce_min3A_139 : vector<256xf32> to vector<256x1xf32>
    %jit3A_141 = arith.constant 0xFF800000 : f32
    %broadcast_in_dim3A_142 = vector.broadcast %jit3A_141 : f32 to vector<256x4096xf32>
    %select_n3A_143 = arith.select %eq3A_132, %broadcast_in_dim3A_142, %select_n3A_127 : vector<256x4096xi1>, vector<256x4096xf32>
    %reduce_max3A_144 = arith.constant dense<0xFF800000> : vector<256xf32>
    %reduce_max3A_145 = vector.multi_reduction <maximumf>, %select_n3A_143, %reduce_max3A_144 [1] : vector<256x4096xf32> to vector<256xf32>
    %broadcast_in_dim3A_146 = vector.shape_cast %reduce_max3A_145 : vector<256xf32> to vector<256x1xf32>
    %eq3A_147 = vector.broadcast %broadcast_in_dim3A_146 : vector<256x1xf32> to vector<256x4096xf32>
    %eq3A_148 = arith.cmpf oeq, %select_n3A_143, %eq3A_147 : vector<256x4096xf32>
    %jit3A_149 = arith.constant 8.192000e+03 : f32
    %broadcast_in_dim3A_150 = vector.shape_cast %convert_element_type3A : vector<1x4096xf32> to vector<1x4096xf32>
    %broadcast_in_dim3A_151 = vector.broadcast %broadcast_in_dim3A_150 : vector<1x4096xf32> to vector<256x4096xf32>
    %broadcast_in_dim3A_152 = vector.broadcast %jit3A_149 : f32 to vector<256x4096xf32>
    %select_n3A_153 = arith.select %eq3A_148, %broadcast_in_dim3A_151, %broadcast_in_dim3A_152 : vector<256x4096xi1>, vector<256x4096xf32>
    %reduce_min3A_154 = arith.constant dense<0x7F800000> : vector<256xf32>
    %reduce_min3A_155 = vector.multi_reduction <minimumf>, %select_n3A_153, %reduce_min3A_154 [1] : vector<256x4096xf32> to vector<256xf32>
    %broadcast_in_dim3A_156 = vector.shape_cast %reduce_min3A_155 : vector<256xf32> to vector<256x1xf32>
    %jit3A_157 = arith.constant 0xFF800000 : f32
    %broadcast_in_dim3A_158 = vector.broadcast %jit3A_157 : f32 to vector<256x4096xf32>
    %select_n3A_159 = arith.select %eq3A_148, %broadcast_in_dim3A_158, %select_n3A_143 : vector<256x4096xi1>, vector<256x4096xf32>
    %reduce_max3A_160 = arith.constant dense<0xFF800000> : vector<256xf32>
    %reduce_max3A_161 = vector.multi_reduction <maximumf>, %select_n3A_159, %reduce_max3A_160 [1] : vector<256x4096xf32> to vector<256xf32>
    %broadcast_in_dim3A_162 = vector.shape_cast %reduce_max3A_161 : vector<256xf32> to vector<256x1xf32>
    %eq3A_163 = vector.broadcast %broadcast_in_dim3A_162 : vector<256x1xf32> to vector<256x4096xf32>
    %eq3A_164 = arith.cmpf oeq, %select_n3A_159, %eq3A_163 : vector<256x4096xf32>
    %jit3A_165 = arith.constant 8.192000e+03 : f32
    %broadcast_in_dim3A_166 = vector.shape_cast %convert_element_type3A : vector<1x4096xf32> to vector<1x4096xf32>
    %broadcast_in_dim3A_167 = vector.broadcast %broadcast_in_dim3A_166 : vector<1x4096xf32> to vector<256x4096xf32>
    %broadcast_in_dim3A_168 = vector.broadcast %jit3A_165 : f32 to vector<256x4096xf32>
    %select_n3A_169 = arith.select %eq3A_164, %broadcast_in_dim3A_167, %broadcast_in_dim3A_168 : vector<256x4096xi1>, vector<256x4096xf32>
    %reduce_min3A_170 = arith.constant dense<0x7F800000> : vector<256xf32>
    %reduce_min3A_171 = vector.multi_reduction <minimumf>, %select_n3A_169, %reduce_min3A_170 [1] : vector<256x4096xf32> to vector<256xf32>
    %broadcast_in_dim3A_172 = vector.shape_cast %reduce_min3A_171 : vector<256xf32> to vector<256x1xf32>
    %jit3A_173 = arith.constant 0xFF800000 : f32
    %broadcast_in_dim3A_174 = vector.broadcast %jit3A_173 : f32 to vector<256x4096xf32>
    %select_n3A_175 = arith.select %eq3A_164, %broadcast_in_dim3A_174, %select_n3A_159 : vector<256x4096xi1>, vector<256x4096xf32>
    %reduce_max3A_176 = arith.constant dense<0xFF800000> : vector<256xf32>
    %reduce_max3A_177 = vector.multi_reduction <maximumf>, %select_n3A_175, %reduce_max3A_176 [1] : vector<256x4096xf32> to vector<256xf32>
    %broadcast_in_dim3A_178 = vector.shape_cast %reduce_max3A_177 : vector<256xf32> to vector<256x1xf32>
    %eq3A_179 = vector.broadcast %broadcast_in_dim3A_178 : vector<256x1xf32> to vector<256x4096xf32>
    %eq3A_180 = arith.cmpf oeq, %select_n3A_175, %eq3A_179 : vector<256x4096xf32>
    %jit3A_181 = arith.constant 8.192000e+03 : f32
    %broadcast_in_dim3A_182 = vector.shape_cast %convert_element_type3A : vector<1x4096xf32> to vector<1x4096xf32>
    %broadcast_in_dim3A_183 = vector.broadcast %broadcast_in_dim3A_182 : vector<1x4096xf32> to vector<256x4096xf32>
    %broadcast_in_dim3A_184 = vector.broadcast %jit3A_181 : f32 to vector<256x4096xf32>
    %select_n3A_185 = arith.select %eq3A_180, %broadcast_in_dim3A_183, %broadcast_in_dim3A_184 : vector<256x4096xi1>, vector<256x4096xf32>
    %reduce_min3A_186 = arith.constant dense<0x7F800000> : vector<256xf32>
    %reduce_min3A_187 = vector.multi_reduction <minimumf>, %select_n3A_185, %reduce_min3A_186 [1] : vector<256x4096xf32> to vector<256xf32>
    %broadcast_in_dim3A_188 = vector.shape_cast %reduce_min3A_187 : vector<256xf32> to vector<256x1xf32>
    %jit3A_189 = arith.constant 0xFF800000 : f32
    %broadcast_in_dim3A_190 = vector.broadcast %jit3A_189 : f32 to vector<256x4096xf32>
    %select_n3A_191 = arith.select %eq3A_180, %broadcast_in_dim3A_190, %select_n3A_175 : vector<256x4096xi1>, vector<256x4096xf32>
    %reduce_max3A_192 = arith.constant dense<0xFF800000> : vector<256xf32>
    %reduce_max3A_193 = vector.multi_reduction <maximumf>, %select_n3A_191, %reduce_max3A_192 [1] : vector<256x4096xf32> to vector<256xf32>
    %broadcast_in_dim3A_194 = vector.shape_cast %reduce_max3A_193 : vector<256xf32> to vector<256x1xf32>
    %eq3A_195 = vector.broadcast %broadcast_in_dim3A_194 : vector<256x1xf32> to vector<256x4096xf32>
    %eq3A_196 = arith.cmpf oeq, %select_n3A_191, %eq3A_195 : vector<256x4096xf32>
    %jit3A_197 = arith.constant 8.192000e+03 : f32
    %broadcast_in_dim3A_198 = vector.shape_cast %convert_element_type3A : vector<1x4096xf32> to vector<1x4096xf32>
    %broadcast_in_dim3A_199 = vector.broadcast %broadcast_in_dim3A_198 : vector<1x4096xf32> to vector<256x4096xf32>
    %broadcast_in_dim3A_200 = vector.broadcast %jit3A_197 : f32 to vector<256x4096xf32>
    %select_n3A_201 = arith.select %eq3A_196, %broadcast_in_dim3A_199, %broadcast_in_dim3A_200 : vector<256x4096xi1>, vector<256x4096xf32>
    %reduce_min3A_202 = arith.constant dense<0x7F800000> : vector<256xf32>
    %reduce_min3A_203 = vector.multi_reduction <minimumf>, %select_n3A_201, %reduce_min3A_202 [1] : vector<256x4096xf32> to vector<256xf32>
    %broadcast_in_dim3A_204 = vector.shape_cast %reduce_min3A_203 : vector<256xf32> to vector<256x1xf32>
    %jit3A_205 = arith.constant 0xFF800000 : f32
    %broadcast_in_dim3A_206 = vector.broadcast %jit3A_205 : f32 to vector<256x4096xf32>
    %select_n3A_207 = arith.select %eq3A_196, %broadcast_in_dim3A_206, %select_n3A_191 : vector<256x4096xi1>, vector<256x4096xf32>
    %reduce_max3A_208 = arith.constant dense<0xFF800000> : vector<256xf32>
    %reduce_max3A_209 = vector.multi_reduction <maximumf>, %select_n3A_207, %reduce_max3A_208 [1] : vector<256x4096xf32> to vector<256xf32>
    %broadcast_in_dim3A_210 = vector.shape_cast %reduce_max3A_209 : vector<256xf32> to vector<256x1xf32>
    %eq3A_211 = vector.broadcast %broadcast_in_dim3A_210 : vector<256x1xf32> to vector<256x4096xf32>
    %eq3A_212 = arith.cmpf oeq, %select_n3A_207, %eq3A_211 : vector<256x4096xf32>
    %jit3A_213 = arith.constant 8.192000e+03 : f32
    %broadcast_in_dim3A_214 = vector.shape_cast %convert_element_type3A : vector<1x4096xf32> to vector<1x4096xf32>
    %broadcast_in_dim3A_215 = vector.broadcast %broadcast_in_dim3A_214 : vector<1x4096xf32> to vector<256x4096xf32>
    %broadcast_in_dim3A_216 = vector.broadcast %jit3A_213 : f32 to vector<256x4096xf32>
    %select_n3A_217 = arith.select %eq3A_212, %broadcast_in_dim3A_215, %broadcast_in_dim3A_216 : vector<256x4096xi1>, vector<256x4096xf32>
    %reduce_min3A_218 = arith.constant dense<0x7F800000> : vector<256xf32>
    %reduce_min3A_219 = vector.multi_reduction <minimumf>, %select_n3A_217, %reduce_min3A_218 [1] : vector<256x4096xf32> to vector<256xf32>
    %broadcast_in_dim3A_220 = vector.shape_cast %reduce_min3A_219 : vector<256xf32> to vector<256x1xf32>
    %jit3A_221 = arith.constant 0xFF800000 : f32
    %broadcast_in_dim3A_222 = vector.broadcast %jit3A_221 : f32 to vector<256x4096xf32>
    %select_n3A_223 = arith.select %eq3A_212, %broadcast_in_dim3A_222, %select_n3A_207 : vector<256x4096xi1>, vector<256x4096xf32>
    %reduce_max3A_224 = arith.constant dense<0xFF800000> : vector<256xf32>
    %reduce_max3A_225 = vector.multi_reduction <maximumf>, %select_n3A_223, %reduce_max3A_224 [1] : vector<256x4096xf32> to vector<256xf32>
    %broadcast_in_dim3A_226 = vector.shape_cast %reduce_max3A_225 : vector<256xf32> to vector<256x1xf32>
    %eq3A_227 = vector.broadcast %broadcast_in_dim3A_226 : vector<256x1xf32> to vector<256x4096xf32>
    %eq3A_228 = arith.cmpf oeq, %select_n3A_223, %eq3A_227 : vector<256x4096xf32>
    %jit3A_229 = arith.constant 8.192000e+03 : f32
    %broadcast_in_dim3A_230 = vector.shape_cast %convert_element_type3A : vector<1x4096xf32> to vector<1x4096xf32>
    %broadcast_in_dim3A_231 = vector.broadcast %broadcast_in_dim3A_230 : vector<1x4096xf32> to vector<256x4096xf32>
    %broadcast_in_dim3A_232 = vector.broadcast %jit3A_229 : f32 to vector<256x4096xf32>
    %select_n3A_233 = arith.select %eq3A_228, %broadcast_in_dim3A_231, %broadcast_in_dim3A_232 : vector<256x4096xi1>, vector<256x4096xf32>
    %reduce_min3A_234 = arith.constant dense<0x7F800000> : vector<256xf32>
    %reduce_min3A_235 = vector.multi_reduction <minimumf>, %select_n3A_233, %reduce_min3A_234 [1] : vector<256x4096xf32> to vector<256xf32>
    %broadcast_in_dim3A_236 = vector.shape_cast %reduce_min3A_235 : vector<256xf32> to vector<256x1xf32>
    %jit3A_237 = arith.constant 0xFF800000 : f32
    %broadcast_in_dim3A_238 = vector.broadcast %jit3A_237 : f32 to vector<256x4096xf32>
    %select_n3A_239 = arith.select %eq3A_228, %broadcast_in_dim3A_238, %select_n3A_223 : vector<256x4096xi1>, vector<256x4096xf32>
    %reduce_max3A_240 = arith.constant dense<0xFF800000> : vector<256xf32>
    %reduce_max3A_241 = vector.multi_reduction <maximumf>, %select_n3A_239, %reduce_max3A_240 [1] : vector<256x4096xf32> to vector<256xf32>
    %broadcast_in_dim3A_242 = vector.shape_cast %reduce_max3A_241 : vector<256xf32> to vector<256x1xf32>
    %eq3A_243 = vector.broadcast %broadcast_in_dim3A_242 : vector<256x1xf32> to vector<256x4096xf32>
    %eq3A_244 = arith.cmpf oeq, %select_n3A_239, %eq3A_243 : vector<256x4096xf32>
    %jit3A_245 = arith.constant 8.192000e+03 : f32
    %broadcast_in_dim3A_246 = vector.shape_cast %convert_element_type3A : vector<1x4096xf32> to vector<1x4096xf32>
    %broadcast_in_dim3A_247 = vector.broadcast %broadcast_in_dim3A_246 : vector<1x4096xf32> to vector<256x4096xf32>
    %broadcast_in_dim3A_248 = vector.broadcast %jit3A_245 : f32 to vector<256x4096xf32>
    %select_n3A_249 = arith.select %eq3A_244, %broadcast_in_dim3A_247, %broadcast_in_dim3A_248 : vector<256x4096xi1>, vector<256x4096xf32>
    %reduce_min3A_250 = arith.constant dense<0x7F800000> : vector<256xf32>
    %reduce_min3A_251 = vector.multi_reduction <minimumf>, %select_n3A_249, %reduce_min3A_250 [1] : vector<256x4096xf32> to vector<256xf32>
    %broadcast_in_dim3A_252 = vector.shape_cast %reduce_min3A_251 : vector<256xf32> to vector<256x1xf32>
    %jit3A_253 = arith.constant 0xFF800000 : f32
    %broadcast_in_dim3A_254 = vector.broadcast %jit3A_253 : f32 to vector<256x4096xf32>
    %select_n3A_255 = arith.select %eq3A_244, %broadcast_in_dim3A_254, %select_n3A_239 : vector<256x4096xi1>, vector<256x4096xf32>
    %reduce_max3A_256 = arith.constant dense<0xFF800000> : vector<256xf32>
    %reduce_max3A_257 = vector.multi_reduction <maximumf>, %select_n3A_255, %reduce_max3A_256 [1] : vector<256x4096xf32> to vector<256xf32>
    %broadcast_in_dim3A_258 = vector.shape_cast %reduce_max3A_257 : vector<256xf32> to vector<256x1xf32>
    %eq3A_259 = vector.broadcast %broadcast_in_dim3A_258 : vector<256x1xf32> to vector<256x4096xf32>
    %eq3A_260 = arith.cmpf oeq, %select_n3A_255, %eq3A_259 : vector<256x4096xf32>
    %jit3A_261 = arith.constant 8.192000e+03 : f32
    %broadcast_in_dim3A_262 = vector.shape_cast %convert_element_type3A : vector<1x4096xf32> to vector<1x4096xf32>
    %broadcast_in_dim3A_263 = vector.broadcast %broadcast_in_dim3A_262 : vector<1x4096xf32> to vector<256x4096xf32>
    %broadcast_in_dim3A_264 = vector.broadcast %jit3A_261 : f32 to vector<256x4096xf32>
    %select_n3A_265 = arith.select %eq3A_260, %broadcast_in_dim3A_263, %broadcast_in_dim3A_264 : vector<256x4096xi1>, vector<256x4096xf32>
    %reduce_min3A_266 = arith.constant dense<0x7F800000> : vector<256xf32>
    %reduce_min3A_267 = vector.multi_reduction <minimumf>, %select_n3A_265, %reduce_min3A_266 [1] : vector<256x4096xf32> to vector<256xf32>
    %broadcast_in_dim3A_268 = vector.shape_cast %reduce_min3A_267 : vector<256xf32> to vector<256x1xf32>
    %concatenate3A = tpu.concatenate %broadcast_in_dim3A_28, %broadcast_in_dim3A_44, %broadcast_in_dim3A_60, %broadcast_in_dim3A_76, %broadcast_in_dim3A_92, %broadcast_in_dim3A_108, %broadcast_in_dim3A_124, %broadcast_in_dim3A_140, %broadcast_in_dim3A_156, %broadcast_in_dim3A_172, %broadcast_in_dim3A_188, %broadcast_in_dim3A_204, %broadcast_in_dim3A_220, %broadcast_in_dim3A_236, %broadcast_in_dim3A_252, %broadcast_in_dim3A_268 in 1 : vector<256x1xf32>, vector<256x1xf32>, vector<256x1xf32>, vector<256x1xf32>, vector<256x1xf32>, vector<256x1xf32>, vector<256x1xf32>, vector<256x1xf32>, vector<256x1xf32>, vector<256x1xf32>, vector<256x1xf32>, vector<256x1xf32>, vector<256x1xf32>, vector<256x1xf32>, vector<256x1xf32>, vector<256x1xf32> -> vector<256x16xf32>
    %convert_element_type3A_269 = arith.fptosi %concatenate3A : vector<256x16xf32> to vector<256x16xi32>
    %mul3A_270 = arith.constant 4096 : i32
    %mul3A_271 = arith.muli %arg0, %mul3A_270 : i32
    %add3A = vector.broadcast %mul3A_271 : i32 to vector<256x16xi32>
    %add3A_272 = arith.addi %convert_element_type3A_269, %add3A : vector<256x16xi32>
    %swap3A = arith.constant 0 : index
    %swap3A_273 = arith.constant 0 : index
    %swap3A_274 = arith.constant 0 : index
    %swap3A_275 = vector.load %arg4[%swap3A, %swap3A_273, %swap3A_274] : memref<1x256x16xi32, #tpu.memory_space<vmem>>, vector<1x256x16xi32>
    %swap3A_276 = vector.shape_cast %swap3A_275 : vector<1x256x16xi32> to vector<256x16xi32>
    %swap3A_277 = vector.shape_cast %add3A_272 : vector<256x16xi32> to vector<1x256x16xi32>
    tpu.vector_store %arg4[%swap3A, %swap3A_273, %swap3A_274], %swap3A_277 {strides = array<i32>} : memref<1x256x16xi32, #tpu.memory_space<vmem>>, vector<1x256x16xi32>,
    return
  }
  func.func @transform_0(%arg0: i32, %arg1: i32) -> (i32, i32, i32) {
    %c0_i32 = arith.constant 0 : i32
    %c0_i32_0 = arith.constant 0 : i32
    %c0_i32_1 = arith.constant 0 : i32
    return %arg0, %c0_i32, %c0_i32_0 : i32, i32, i32
  }
  func.func @transform_1(%arg0: i32, %arg1: i32) -> (i32, i32, i32) {
    %c0_i32 = arith.constant 0 : i32
    %c0_i32_0 = arith.constant 0 : i32
    return %arg0, %c0_i32, %arg1 : i32, i32, i32
  }
  func.func @transform_2(%arg0: i32, %arg1: i32) -> (i32, i32, i32) {
    %c0_i32 = arith.constant 0 : i32
    %c0_i32_0 = arith.constant 0 : i32
    return %arg0, %arg1, %c0_i32 : i32, i32, i32
  }
}

module attributes {stable_mosaic.version = 14 : i64} {
  func.func @_proj_body(%arg0: i32, %arg1: i32, %arg2: memref<1x32x3x512xf32, #tpu.memory_space<vmem>>, %arg3: memref<1x32x3x512xf32, #tpu.memory_space<vmem>>, %arg4: memref<32x32xf32, #tpu.memory_space<vmem>>, %arg5: memref<32x32xf32, #tpu.memory_space<vmem>>, %arg6: memref<32x64xf32, #tpu.memory_space<vmem>>, %arg7: memref<32x64xf32, #tpu.memory_space<vmem>>, %arg8: memref<32x64xf32, #tpu.memory_space<vmem>>, %arg9: memref<32x64xf32, #tpu.memory_space<vmem>>, %arg10: memref<1x512x256xf32, #tpu.memory_space<vmem>>, %arg11: memref<1x384x512xf32, #tpu.memory_space<vmem>>, %arg12: memref<1x32x3x512xf32, #tpu.memory_space<vmem>>) attributes {dimension_semantics = [#tpu.dimension_semantics<arbitrary>, #tpu.dimension_semantics<arbitrary>], iteration_bounds = array<i64: 2, 8>, scalar_prefetch = 0 : i64, scratch_operands = 0 : i64, tpu.core_type = #tpu.core_type<tc>, window_params = [{transform_indices = @transform_0, window_bounds = array<i64: 1, 32, 3, 512>}, {transform_indices = @transform_1, window_bounds = array<i64: 1, 32, 3, 512>}, {pipeline_mode = #tpu.pipeline_mode<synchronous>, transform_indices = @transform_2, window_bounds = array<i64: 32, 32>}, {pipeline_mode = #tpu.pipeline_mode<synchronous>, transform_indices = @transform_3, window_bounds = array<i64: 32, 32>}, {pipeline_mode = #tpu.pipeline_mode<synchronous>, transform_indices = @transform_4, window_bounds = array<i64: 32, 64>}, {pipeline_mode = #tpu.pipeline_mode<synchronous>, transform_indices = @transform_5, window_bounds = array<i64: 32, 64>}, {pipeline_mode = #tpu.pipeline_mode<synchronous>, transform_indices = @transform_6, window_bounds = array<i64: 32, 64>}, {pipeline_mode = #tpu.pipeline_mode<synchronous>, transform_indices = @transform_7, window_bounds = array<i64: 32, 64>}, {transform_indices = @transform_8, window_bounds = array<i64: 1, 512, 256>}, {transform_indices = @transform_9, window_bounds = array<i64: 1, 384, 512>}, {transform_indices = @transform_10, window_bounds = array<i64: 1, 32, 3, 512>}]} {
    %get3A = arith.constant 0 : index
    %get3A_0 = arith.constant 0 : index
    %get3A_1 = vector.load %arg6[%get3A, %get3A_0] : memref<32x64xf32, #tpu.memory_space<vmem>>, vector<32x64xf32>
    %get3A_2 = arith.constant 0 : index
    %get3A_3 = arith.constant 0 : index
    %get3A_4 = vector.load %arg7[%get3A_2, %get3A_3] : memref<32x64xf32, #tpu.memory_space<vmem>>, vector<32x64xf32>
    %get3A_5 = arith.constant 0 : index
    %get3A_6 = arith.constant 0 : index
    %get3A_7 = vector.load %arg8[%get3A_5, %get3A_6] : memref<32x64xf32, #tpu.memory_space<vmem>>, vector<32x64xf32>
    %get3A_8 = arith.constant 0 : index
    %get3A_9 = arith.constant 0 : index
    %get3A_10 = vector.load %arg9[%get3A_8, %get3A_9] : memref<32x64xf32, #tpu.memory_space<vmem>>, vector<32x64xf32>
    %slice3A = vector.extract_strided_slice %get3A_1 {offsets = [0, 0], sizes = [32, 32], strides = [1, 1]} : vector<32x64xf32> to vector<32x32xf32>
    %slice3A_11 = vector.extract_strided_slice %get3A_4 {offsets = [0, 0], sizes = [32, 32], strides = [1, 1]} : vector<32x64xf32> to vector<32x32xf32>
    %slice3A_12 = vector.extract_strided_slice %get3A_7 {offsets = [0, 0], sizes = [32, 32], strides = [1, 1]} : vector<32x64xf32> to vector<32x32xf32>
    %slice3A_13 = vector.extract_strided_slice %get3A_10 {offsets = [0, 0], sizes = [32, 32], strides = [1, 1]} : vector<32x64xf32> to vector<32x32xf32>
    %concatenate3A = tpu.concatenate %slice3A, %slice3A_11, %slice3A_12, %slice3A_13 in 0 : vector<32x32xf32>, vector<32x32xf32>, vector<32x32xf32>, vector<32x32xf32> -> vector<128x32xf32>
    %slice3A_14 = vector.extract_strided_slice %get3A_1 {offsets = [0, 32], sizes = [32, 32], strides = [1, 1]} : vector<32x64xf32> to vector<32x32xf32>
    %slice3A_15 = vector.extract_strided_slice %get3A_1 {offsets = [0, 0], sizes = [32, 32], strides = [1, 1]} : vector<32x64xf32> to vector<32x32xf32>
    %sub3A = arith.subf %slice3A_14, %slice3A_15 : vector<32x32xf32>
    %slice3A_16 = vector.extract_strided_slice %get3A_4 {offsets = [0, 32], sizes = [32, 32], strides = [1, 1]} : vector<32x64xf32> to vector<32x32xf32>
    %slice3A_17 = vector.extract_strided_slice %get3A_4 {offsets = [0, 0], sizes = [32, 32], strides = [1, 1]} : vector<32x64xf32> to vector<32x32xf32>
    %sub3A_18 = arith.subf %slice3A_16, %slice3A_17 : vector<32x32xf32>
    %slice3A_19 = vector.extract_strided_slice %get3A_7 {offsets = [0, 32], sizes = [32, 32], strides = [1, 1]} : vector<32x64xf32> to vector<32x32xf32>
    %slice3A_20 = vector.extract_strided_slice %get3A_7 {offsets = [0, 0], sizes = [32, 32], strides = [1, 1]} : vector<32x64xf32> to vector<32x32xf32>
    %sub3A_21 = arith.subf %slice3A_19, %slice3A_20 : vector<32x32xf32>
    %slice3A_22 = vector.extract_strided_slice %get3A_10 {offsets = [0, 32], sizes = [32, 32], strides = [1, 1]} : vector<32x64xf32> to vector<32x32xf32>
    %slice3A_23 = vector.extract_strided_slice %get3A_10 {offsets = [0, 0], sizes = [32, 32], strides = [1, 1]} : vector<32x64xf32> to vector<32x32xf32>
    %sub3A_24 = arith.subf %slice3A_22, %slice3A_23 : vector<32x32xf32>
    %concatenate3A_25 = tpu.concatenate %sub3A, %sub3A_18, %sub3A_21, %sub3A_24 in 0 : vector<32x32xf32>, vector<32x32xf32>, vector<32x32xf32>, vector<32x32xf32> -> vector<128x32xf32>
    %get3A_26 = arith.constant 0 : index
    %get3A_27 = arith.constant 0 : index
    %get3A_28 = vector.load %arg4[%get3A_26, %get3A_27] : memref<32x32xf32, #tpu.memory_space<vmem>>, vector<32x32xf32>
    %get3A_29 = arith.constant 0 : index
    %get3A_30 = arith.constant 0 : index
    %get3A_31 = vector.load %arg5[%get3A_29, %get3A_30] : memref<32x32xf32, #tpu.memory_space<vmem>>, vector<32x32xf32>
    %get3A_32 = arith.constant 0 : index
    %get3A_33 = arith.constant 0 : index
    %get3A_34 = arith.constant 0 : index
    %get3A_35 = arith.constant 0 : index
    %get3A_36 = vector.load %arg2[%get3A_32, %get3A_33, %get3A_34, %get3A_35] : memref<1x32x3x512xf32, #tpu.memory_space<vmem>>, vector<1x32x1x512xf32>
    %get3A_37 = vector.shape_cast %get3A_36 : vector<1x32x1x512xf32> to vector<32x512xf32>
    %transpose3A = tpu.transpose %get3A_37, [1, 0] : vector<32x512xf32> -> vector<512x32xf32>
    %get3A_38 = arith.constant 0 : index
    %get3A_39 = arith.constant 0 : index
    %get3A_40 = arith.constant 0 : index
    %get3A_41 = arith.constant 0 : index
    %get3A_42 = vector.load %arg3[%get3A_38, %get3A_39, %get3A_40, %get3A_41] : memref<1x32x3x512xf32, #tpu.memory_space<vmem>>, vector<1x32x1x512xf32>
    %get3A_43 = vector.shape_cast %get3A_42 : vector<1x32x1x512xf32> to vector<32x512xf32>
    %transpose3A_44 = tpu.transpose %get3A_43, [1, 0] : vector<32x512xf32> -> vector<512x32xf32>
    %dot_general3A = arith.constant dense<0.000000e+00> : vector<512x128xf32>
    %dot_general3A_45 = tpu.matmul %transpose3A, %concatenate3A, %dot_general3A {dimension_numbers = #tpu.dot_dimension_numbers<[1], [1], [0], [0], [0, 0, 1, 0], [], []>, transpose_lhs_hint = false} : vector<512x32xf32>, vector<128x32xf32>, vector<512x128xf32> -> vector<512x128xf32>
    %slice3A_46 = vector.extract_strided_slice %dot_general3A_45 {offsets = [0, 0], sizes = [512, 16], strides = [1, 1]} : vector<512x128xf32> to vector<512x16xf32>
    %slice3A_47 = vector.extract_strided_slice %dot_general3A_45 {offsets = [0, 16], sizes = [512, 16], strides = [1, 1]} : vector<512x128xf32> to vector<512x16xf32>
    %bitcast_convert_type3A = tpu.bitcast %slice3A_46 : vector<512x16xf32> -> vector<512x16xi32>
    %bitcast_convert_type3A_48 = tpu.bitcast %slice3A_47 : vector<512x16xf32> -> vector<512x16xi32>
    %add3A = arith.constant 32767 : i32
    %add3A_49 = vector.broadcast %add3A : i32 to vector<512x16xi32>
    %add3A_50 = arith.addi %bitcast_convert_type3A, %add3A_49 : vector<512x16xi32>
    %shift_right_logical3A = arith.constant 16 : i32
    %shift_right_logical3A_51 = vector.broadcast %shift_right_logical3A : i32 to vector<512x16xi32>
    %shift_right_logical3A_52 = arith.shrui %bitcast_convert_type3A, %shift_right_logical3A_51 : vector<512x16xi32>
    %and3A = arith.constant 1 : i32
    %and3A_53 = vector.broadcast %and3A : i32 to vector<512x16xi32>
    %and3A_54 = arith.andi %shift_right_logical3A_52, %and3A_53 : vector<512x16xi32>
    %add3A_55 = arith.addi %add3A_50, %and3A_54 : vector<512x16xi32>
    %and3A_56 = arith.constant -65536 : i32
    %and3A_57 = vector.broadcast %and3A_56 : i32 to vector<512x16xi32>
    %and3A_58 = arith.andi %add3A_55, %and3A_57 : vector<512x16xi32>
    %add3A_59 = arith.constant 32767 : i32
    %add3A_60 = vector.broadcast %add3A_59 : i32 to vector<512x16xi32>
    %add3A_61 = arith.addi %bitcast_convert_type3A_48, %add3A_60 : vector<512x16xi32>
    %shift_right_logical3A_62 = arith.constant 16 : i32
    %shift_right_logical3A_63 = vector.broadcast %shift_right_logical3A_62 : i32 to vector<512x16xi32>
    %shift_right_logical3A_64 = arith.shrui %bitcast_convert_type3A_48, %shift_right_logical3A_63 : vector<512x16xi32>
    %and3A_65 = arith.constant 1 : i32
    %and3A_66 = vector.broadcast %and3A_65 : i32 to vector<512x16xi32>
    %and3A_67 = arith.andi %shift_right_logical3A_64, %and3A_66 : vector<512x16xi32>
    %add3A_68 = arith.addi %add3A_61, %and3A_67 : vector<512x16xi32>
    %shift_right_logical3A_69 = arith.constant 16 : i32
    %shift_right_logical3A_70 = vector.broadcast %shift_right_logical3A_69 : i32 to vector<512x16xi32>
    %shift_right_logical3A_71 = arith.shrui %add3A_68, %shift_right_logical3A_70 : vector<512x16xi32>
    %or3A = arith.ori %and3A_58, %shift_right_logical3A_71 : vector<512x16xi32>
    %bitcast_convert_type3A_72 = tpu.bitcast %or3A : vector<512x16xi32> -> vector<512x16xf32>
    %slice3A_73 = vector.extract_strided_slice %dot_general3A_45 {offsets = [0, 32], sizes = [512, 16], strides = [1, 1]} : vector<512x128xf32> to vector<512x16xf32>
    %slice3A_74 = vector.extract_strided_slice %dot_general3A_45 {offsets = [0, 48], sizes = [512, 16], strides = [1, 1]} : vector<512x128xf32> to vector<512x16xf32>
    %bitcast_convert_type3A_75 = tpu.bitcast %slice3A_73 : vector<512x16xf32> -> vector<512x16xi32>
    %bitcast_convert_type3A_76 = tpu.bitcast %slice3A_74 : vector<512x16xf32> -> vector<512x16xi32>
    %add3A_77 = arith.constant 32767 : i32
    %add3A_78 = vector.broadcast %add3A_77 : i32 to vector<512x16xi32>
    %add3A_79 = arith.addi %bitcast_convert_type3A_75, %add3A_78 : vector<512x16xi32>
    %shift_right_logical3A_80 = arith.constant 16 : i32
    %shift_right_logical3A_81 = vector.broadcast %shift_right_logical3A_80 : i32 to vector<512x16xi32>
    %shift_right_logical3A_82 = arith.shrui %bitcast_convert_type3A_75, %shift_right_logical3A_81 : vector<512x16xi32>
    %and3A_83 = arith.constant 1 : i32
    %and3A_84 = vector.broadcast %and3A_83 : i32 to vector<512x16xi32>
    %and3A_85 = arith.andi %shift_right_logical3A_82, %and3A_84 : vector<512x16xi32>
    %add3A_86 = arith.addi %add3A_79, %and3A_85 : vector<512x16xi32>
    %and3A_87 = arith.constant -65536 : i32
    %and3A_88 = vector.broadcast %and3A_87 : i32 to vector<512x16xi32>
    %and3A_89 = arith.andi %add3A_86, %and3A_88 : vector<512x16xi32>
    %add3A_90 = arith.constant 32767 : i32
    %add3A_91 = vector.broadcast %add3A_90 : i32 to vector<512x16xi32>
    %add3A_92 = arith.addi %bitcast_convert_type3A_76, %add3A_91 : vector<512x16xi32>
    %shift_right_logical3A_93 = arith.constant 16 : i32
    %shift_right_logical3A_94 = vector.broadcast %shift_right_logical3A_93 : i32 to vector<512x16xi32>
    %shift_right_logical3A_95 = arith.shrui %bitcast_convert_type3A_76, %shift_right_logical3A_94 : vector<512x16xi32>
    %and3A_96 = arith.constant 1 : i32
    %and3A_97 = vector.broadcast %and3A_96 : i32 to vector<512x16xi32>
    %and3A_98 = arith.andi %shift_right_logical3A_95, %and3A_97 : vector<512x16xi32>
    %add3A_99 = arith.addi %add3A_92, %and3A_98 : vector<512x16xi32>
    %shift_right_logical3A_100 = arith.constant 16 : i32
    %shift_right_logical3A_101 = vector.broadcast %shift_right_logical3A_100 : i32 to vector<512x16xi32>
    %shift_right_logical3A_102 = arith.shrui %add3A_99, %shift_right_logical3A_101 : vector<512x16xi32>
    %or3A_103 = arith.ori %and3A_89, %shift_right_logical3A_102 : vector<512x16xi32>
    %bitcast_convert_type3A_104 = tpu.bitcast %or3A_103 : vector<512x16xi32> -> vector<512x16xf32>
    %slice3A_105 = vector.extract_strided_slice %dot_general3A_45 {offsets = [0, 64], sizes = [512, 16], strides = [1, 1]} : vector<512x128xf32> to vector<512x16xf32>
    %slice3A_106 = vector.extract_strided_slice %dot_general3A_45 {offsets = [0, 80], sizes = [512, 16], strides = [1, 1]} : vector<512x128xf32> to vector<512x16xf32>
    %bitcast_convert_type3A_107 = tpu.bitcast %slice3A_105 : vector<512x16xf32> -> vector<512x16xi32>
    %bitcast_convert_type3A_108 = tpu.bitcast %slice3A_106 : vector<512x16xf32> -> vector<512x16xi32>
    %add3A_109 = arith.constant 32767 : i32
    %add3A_110 = vector.broadcast %add3A_109 : i32 to vector<512x16xi32>
    %add3A_111 = arith.addi %bitcast_convert_type3A_107, %add3A_110 : vector<512x16xi32>
    %shift_right_logical3A_112 = arith.constant 16 : i32
    %shift_right_logical3A_113 = vector.broadcast %shift_right_logical3A_112 : i32 to vector<512x16xi32>
    %shift_right_logical3A_114 = arith.shrui %bitcast_convert_type3A_107, %shift_right_logical3A_113 : vector<512x16xi32>
    %and3A_115 = arith.constant 1 : i32
    %and3A_116 = vector.broadcast %and3A_115 : i32 to vector<512x16xi32>
    %and3A_117 = arith.andi %shift_right_logical3A_114, %and3A_116 : vector<512x16xi32>
    %add3A_118 = arith.addi %add3A_111, %and3A_117 : vector<512x16xi32>
    %and3A_119 = arith.constant -65536 : i32
    %and3A_120 = vector.broadcast %and3A_119 : i32 to vector<512x16xi32>
    %and3A_121 = arith.andi %add3A_118, %and3A_120 : vector<512x16xi32>
    %add3A_122 = arith.constant 32767 : i32
    %add3A_123 = vector.broadcast %add3A_122 : i32 to vector<512x16xi32>
    %add3A_124 = arith.addi %bitcast_convert_type3A_108, %add3A_123 : vector<512x16xi32>
    %shift_right_logical3A_125 = arith.constant 16 : i32
    %shift_right_logical3A_126 = vector.broadcast %shift_right_logical3A_125 : i32 to vector<512x16xi32>
    %shift_right_logical3A_127 = arith.shrui %bitcast_convert_type3A_108, %shift_right_logical3A_126 : vector<512x16xi32>
    %and3A_128 = arith.constant 1 : i32
    %and3A_129 = vector.broadcast %and3A_128 : i32 to vector<512x16xi32>
    %and3A_130 = arith.andi %shift_right_logical3A_127, %and3A_129 : vector<512x16xi32>
    %add3A_131 = arith.addi %add3A_124, %and3A_130 : vector<512x16xi32>
    %shift_right_logical3A_132 = arith.constant 16 : i32
    %shift_right_logical3A_133 = vector.broadcast %shift_right_logical3A_132 : i32 to vector<512x16xi32>
    %shift_right_logical3A_134 = arith.shrui %add3A_131, %shift_right_logical3A_133 : vector<512x16xi32>
    %or3A_135 = arith.ori %and3A_121, %shift_right_logical3A_134 : vector<512x16xi32>
    %bitcast_convert_type3A_136 = tpu.bitcast %or3A_135 : vector<512x16xi32> -> vector<512x16xf32>
    %slice3A_137 = vector.extract_strided_slice %dot_general3A_45 {offsets = [0, 96], sizes = [512, 16], strides = [1, 1]} : vector<512x128xf32> to vector<512x16xf32>
    %slice3A_138 = vector.extract_strided_slice %dot_general3A_45 {offsets = [0, 112], sizes = [512, 16], strides = [1, 1]} : vector<512x128xf32> to vector<512x16xf32>
    %bitcast_convert_type3A_139 = tpu.bitcast %slice3A_137 : vector<512x16xf32> -> vector<512x16xi32>
    %bitcast_convert_type3A_140 = tpu.bitcast %slice3A_138 : vector<512x16xf32> -> vector<512x16xi32>
    %add3A_141 = arith.constant 32767 : i32
    %add3A_142 = vector.broadcast %add3A_141 : i32 to vector<512x16xi32>
    %add3A_143 = arith.addi %bitcast_convert_type3A_139, %add3A_142 : vector<512x16xi32>
    %shift_right_logical3A_144 = arith.constant 16 : i32
    %shift_right_logical3A_145 = vector.broadcast %shift_right_logical3A_144 : i32 to vector<512x16xi32>
    %shift_right_logical3A_146 = arith.shrui %bitcast_convert_type3A_139, %shift_right_logical3A_145 : vector<512x16xi32>
    %and3A_147 = arith.constant 1 : i32
    %and3A_148 = vector.broadcast %and3A_147 : i32 to vector<512x16xi32>
    %and3A_149 = arith.andi %shift_right_logical3A_146, %and3A_148 : vector<512x16xi32>
    %add3A_150 = arith.addi %add3A_143, %and3A_149 : vector<512x16xi32>
    %and3A_151 = arith.constant -65536 : i32
    %and3A_152 = vector.broadcast %and3A_151 : i32 to vector<512x16xi32>
    %and3A_153 = arith.andi %add3A_150, %and3A_152 : vector<512x16xi32>
    %add3A_154 = arith.constant 32767 : i32
    %add3A_155 = vector.broadcast %add3A_154 : i32 to vector<512x16xi32>
    %add3A_156 = arith.addi %bitcast_convert_type3A_140, %add3A_155 : vector<512x16xi32>
    %shift_right_logical3A_157 = arith.constant 16 : i32
    %shift_right_logical3A_158 = vector.broadcast %shift_right_logical3A_157 : i32 to vector<512x16xi32>
    %shift_right_logical3A_159 = arith.shrui %bitcast_convert_type3A_140, %shift_right_logical3A_158 : vector<512x16xi32>
    %and3A_160 = arith.constant 1 : i32
    %and3A_161 = vector.broadcast %and3A_160 : i32 to vector<512x16xi32>
    %and3A_162 = arith.andi %shift_right_logical3A_159, %and3A_161 : vector<512x16xi32>
    %add3A_163 = arith.addi %add3A_156, %and3A_162 : vector<512x16xi32>
    %shift_right_logical3A_164 = arith.constant 16 : i32
    %shift_right_logical3A_165 = vector.broadcast %shift_right_logical3A_164 : i32 to vector<512x16xi32>
    %shift_right_logical3A_166 = arith.shrui %add3A_163, %shift_right_logical3A_165 : vector<512x16xi32>
    %or3A_167 = arith.ori %and3A_153, %shift_right_logical3A_166 : vector<512x16xi32>
    %bitcast_convert_type3A_168 = tpu.bitcast %or3A_167 : vector<512x16xi32> -> vector<512x16xf32>
    %dot_general3A_169 = arith.constant dense<0.000000e+00> : vector<512x128xf32>
    %dot_general3A_170 = tpu.matmul %transpose3A, %concatenate3A_25, %dot_general3A_169 {dimension_numbers = #tpu.dot_dimension_numbers<[1], [1], [0], [0], [0, 0, 1, 0], [], []>, transpose_lhs_hint = false} : vector<512x32xf32>, vector<128x32xf32>, vector<512x128xf32> -> vector<512x128xf32>
    %transpose3A_171 = tpu.transpose %dot_general3A_170, [1, 0] : vector<512x128xf32> -> vector<128x512xf32>
    %swap3A = arith.constant 0 : index
    %swap3A_172 = arith.constant 0 : index
    %swap3A_173 = arith.constant 0 : index
    %swap3A_174 = vector.load %arg11[%swap3A, %swap3A_172, %swap3A_173] : memref<1x384x512xf32, #tpu.memory_space<vmem>>, vector<1x128x512xf32>
    %swap3A_175 = vector.shape_cast %swap3A_174 : vector<1x128x512xf32> to vector<128x512xf32>
    %swap3A_176 = vector.shape_cast %transpose3A_171 : vector<128x512xf32> to vector<1x128x512xf32>
    tpu.vector_store %arg11[%swap3A, %swap3A_172, %swap3A_173], %swap3A_176 {strides = array<i32>} : memref<1x384x512xf32, #tpu.memory_space<vmem>>, vector<1x128x512xf32>,
    %dot_general3A_177 = arith.constant dense<0.000000e+00> : vector<512x32xf32>
    %dot_general3A_178 = tpu.matmul %transpose3A_44, %get3A_28, %dot_general3A_177 {dimension_numbers = #tpu.dot_dimension_numbers<[1], [1], [0], [0], [0, 0, 1, 0], [], []>, transpose_lhs_hint = false} : vector<512x32xf32>, vector<32x32xf32>, vector<512x32xf32> -> vector<512x32xf32>
    %dot_general3A_179 = arith.constant dense<0.000000e+00> : vector<512x32xf32>
    %dot_general3A_180 = tpu.matmul %transpose3A_44, %get3A_31, %dot_general3A_179 {dimension_numbers = #tpu.dot_dimension_numbers<[1], [1], [0], [0], [0, 0, 1, 0], [], []>, transpose_lhs_hint = false} : vector<512x32xf32>, vector<32x32xf32>, vector<512x32xf32> -> vector<512x32xf32>
    %get3A_181 = arith.constant 0 : index
    %get3A_182 = arith.constant 0 : index
    %get3A_183 = arith.constant 1 : index
    %get3A_184 = arith.constant 0 : index
    %get3A_185 = vector.load %arg2[%get3A_181, %get3A_182, %get3A_183, %get3A_184] : memref<1x32x3x512xf32, #tpu.memory_space<vmem>>, vector<1x32x1x512xf32>
    %get3A_186 = vector.shape_cast %get3A_185 : vector<1x32x1x512xf32> to vector<32x512xf32>
    %transpose3A_187 = tpu.transpose %get3A_186, [1, 0] : vector<32x512xf32> -> vector<512x32xf32>
    %get3A_188 = arith.constant 0 : index
    %get3A_189 = arith.constant 0 : index
    %get3A_190 = arith.constant 1 : index
    %get3A_191 = arith.constant 0 : index
    %get3A_192 = vector.load %arg3[%get3A_188, %get3A_189, %get3A_190, %get3A_191] : memref<1x32x3x512xf32, #tpu.memory_space<vmem>>, vector<1x32x1x512xf32>
    %get3A_193 = vector.shape_cast %get3A_192 : vector<1x32x1x512xf32> to vector<32x512xf32>
    %transpose3A_194 = tpu.transpose %get3A_193, [1, 0] : vector<32x512xf32> -> vector<512x32xf32>
    %dot_general3A_195 = arith.constant dense<0.000000e+00> : vector<512x128xf32>
    %dot_general3A_196 = tpu.matmul %transpose3A_187, %concatenate3A, %dot_general3A_195 {dimension_numbers = #tpu.dot_dimension_numbers<[1], [1], [0], [0], [0, 0, 1, 0], [], []>, transpose_lhs_hint = false} : vector<512x32xf32>, vector<128x32xf32>, vector<512x128xf32> -> vector<512x128xf32>
    %slice3A_197 = vector.extract_strided_slice %dot_general3A_196 {offsets = [0, 0], sizes = [512, 16], strides = [1, 1]} : vector<512x128xf32> to vector<512x16xf32>
    %slice3A_198 = vector.extract_strided_slice %dot_general3A_196 {offsets = [0, 16], sizes = [512, 16], strides = [1, 1]} : vector<512x128xf32> to vector<512x16xf32>
    %bitcast_convert_type3A_199 = tpu.bitcast %slice3A_197 : vector<512x16xf32> -> vector<512x16xi32>
    %bitcast_convert_type3A_200 = tpu.bitcast %slice3A_198 : vector<512x16xf32> -> vector<512x16xi32>
    %add3A_201 = arith.constant 32767 : i32
    %add3A_202 = vector.broadcast %add3A_201 : i32 to vector<512x16xi32>
    %add3A_203 = arith.addi %bitcast_convert_type3A_199, %add3A_202 : vector<512x16xi32>
    %shift_right_logical3A_204 = arith.constant 16 : i32
    %shift_right_logical3A_205 = vector.broadcast %shift_right_logical3A_204 : i32 to vector<512x16xi32>
    %shift_right_logical3A_206 = arith.shrui %bitcast_convert_type3A_199, %shift_right_logical3A_205 : vector<512x16xi32>
    %and3A_207 = arith.constant 1 : i32
    %and3A_208 = vector.broadcast %and3A_207 : i32 to vector<512x16xi32>
    %and3A_209 = arith.andi %shift_right_logical3A_206, %and3A_208 : vector<512x16xi32>
    %add3A_210 = arith.addi %add3A_203, %and3A_209 : vector<512x16xi32>
    %and3A_211 = arith.constant -65536 : i32
    %and3A_212 = vector.broadcast %and3A_211 : i32 to vector<512x16xi32>
    %and3A_213 = arith.andi %add3A_210, %and3A_212 : vector<512x16xi32>
    %add3A_214 = arith.constant 32767 : i32
    %add3A_215 = vector.broadcast %add3A_214 : i32 to vector<512x16xi32>
    %add3A_216 = arith.addi %bitcast_convert_type3A_200, %add3A_215 : vector<512x16xi32>
    %shift_right_logical3A_217 = arith.constant 16 : i32
    %shift_right_logical3A_218 = vector.broadcast %shift_right_logical3A_217 : i32 to vector<512x16xi32>
    %shift_right_logical3A_219 = arith.shrui %bitcast_convert_type3A_200, %shift_right_logical3A_218 : vector<512x16xi32>
    %and3A_220 = arith.constant 1 : i32
    %and3A_221 = vector.broadcast %and3A_220 : i32 to vector<512x16xi32>
    %and3A_222 = arith.andi %shift_right_logical3A_219, %and3A_221 : vector<512x16xi32>
    %add3A_223 = arith.addi %add3A_216, %and3A_222 : vector<512x16xi32>
    %shift_right_logical3A_224 = arith.constant 16 : i32
    %shift_right_logical3A_225 = vector.broadcast %shift_right_logical3A_224 : i32 to vector<512x16xi32>
    %shift_right_logical3A_226 = arith.shrui %add3A_223, %shift_right_logical3A_225 : vector<512x16xi32>
    %or3A_227 = arith.ori %and3A_213, %shift_right_logical3A_226 : vector<512x16xi32>
    %bitcast_convert_type3A_228 = tpu.bitcast %or3A_227 : vector<512x16xi32> -> vector<512x16xf32>
    %slice3A_229 = vector.extract_strided_slice %dot_general3A_196 {offsets = [0, 32], sizes = [512, 16], strides = [1, 1]} : vector<512x128xf32> to vector<512x16xf32>
    %slice3A_230 = vector.extract_strided_slice %dot_general3A_196 {offsets = [0, 48], sizes = [512, 16], strides = [1, 1]} : vector<512x128xf32> to vector<512x16xf32>
    %bitcast_convert_type3A_231 = tpu.bitcast %slice3A_229 : vector<512x16xf32> -> vector<512x16xi32>
    %bitcast_convert_type3A_232 = tpu.bitcast %slice3A_230 : vector<512x16xf32> -> vector<512x16xi32>
    %add3A_233 = arith.constant 32767 : i32
    %add3A_234 = vector.broadcast %add3A_233 : i32 to vector<512x16xi32>
    %add3A_235 = arith.addi %bitcast_convert_type3A_231, %add3A_234 : vector<512x16xi32>
    %shift_right_logical3A_236 = arith.constant 16 : i32
    %shift_right_logical3A_237 = vector.broadcast %shift_right_logical3A_236 : i32 to vector<512x16xi32>
    %shift_right_logical3A_238 = arith.shrui %bitcast_convert_type3A_231, %shift_right_logical3A_237 : vector<512x16xi32>
    %and3A_239 = arith.constant 1 : i32
    %and3A_240 = vector.broadcast %and3A_239 : i32 to vector<512x16xi32>
    %and3A_241 = arith.andi %shift_right_logical3A_238, %and3A_240 : vector<512x16xi32>
    %add3A_242 = arith.addi %add3A_235, %and3A_241 : vector<512x16xi32>
    %and3A_243 = arith.constant -65536 : i32
    %and3A_244 = vector.broadcast %and3A_243 : i32 to vector<512x16xi32>
    %and3A_245 = arith.andi %add3A_242, %and3A_244 : vector<512x16xi32>
    %add3A_246 = arith.constant 32767 : i32
    %add3A_247 = vector.broadcast %add3A_246 : i32 to vector<512x16xi32>
    %add3A_248 = arith.addi %bitcast_convert_type3A_232, %add3A_247 : vector<512x16xi32>
    %shift_right_logical3A_249 = arith.constant 16 : i32
    %shift_right_logical3A_250 = vector.broadcast %shift_right_logical3A_249 : i32 to vector<512x16xi32>
    %shift_right_logical3A_251 = arith.shrui %bitcast_convert_type3A_232, %shift_right_logical3A_250 : vector<512x16xi32>
    %and3A_252 = arith.constant 1 : i32
    %and3A_253 = vector.broadcast %and3A_252 : i32 to vector<512x16xi32>
    %and3A_254 = arith.andi %shift_right_logical3A_251, %and3A_253 : vector<512x16xi32>
    %add3A_255 = arith.addi %add3A_248, %and3A_254 : vector<512x16xi32>
    %shift_right_logical3A_256 = arith.constant 16 : i32
    %shift_right_logical3A_257 = vector.broadcast %shift_right_logical3A_256 : i32 to vector<512x16xi32>
    %shift_right_logical3A_258 = arith.shrui %add3A_255, %shift_right_logical3A_257 : vector<512x16xi32>
    %or3A_259 = arith.ori %and3A_245, %shift_right_logical3A_258 : vector<512x16xi32>
    %bitcast_convert_type3A_260 = tpu.bitcast %or3A_259 : vector<512x16xi32> -> vector<512x16xf32>
    %slice3A_261 = vector.extract_strided_slice %dot_general3A_196 {offsets = [0, 64], sizes = [512, 16], strides = [1, 1]} : vector<512x128xf32> to vector<512x16xf32>
    %slice3A_262 = vector.extract_strided_slice %dot_general3A_196 {offsets = [0, 80], sizes = [512, 16], strides = [1, 1]} : vector<512x128xf32> to vector<512x16xf32>
    %bitcast_convert_type3A_263 = tpu.bitcast %slice3A_261 : vector<512x16xf32> -> vector<512x16xi32>
    %bitcast_convert_type3A_264 = tpu.bitcast %slice3A_262 : vector<512x16xf32> -> vector<512x16xi32>
    %add3A_265 = arith.constant 32767 : i32
    %add3A_266 = vector.broadcast %add3A_265 : i32 to vector<512x16xi32>
    %add3A_267 = arith.addi %bitcast_convert_type3A_263, %add3A_266 : vector<512x16xi32>
    %shift_right_logical3A_268 = arith.constant 16 : i32
    %shift_right_logical3A_269 = vector.broadcast %shift_right_logical3A_268 : i32 to vector<512x16xi32>
    %shift_right_logical3A_270 = arith.shrui %bitcast_convert_type3A_263, %shift_right_logical3A_269 : vector<512x16xi32>
    %and3A_271 = arith.constant 1 : i32
    %and3A_272 = vector.broadcast %and3A_271 : i32 to vector<512x16xi32>
    %and3A_273 = arith.andi %shift_right_logical3A_270, %and3A_272 : vector<512x16xi32>
    %add3A_274 = arith.addi %add3A_267, %and3A_273 : vector<512x16xi32>
    %and3A_275 = arith.constant -65536 : i32
    %and3A_276 = vector.broadcast %and3A_275 : i32 to vector<512x16xi32>
    %and3A_277 = arith.andi %add3A_274, %and3A_276 : vector<512x16xi32>
    %add3A_278 = arith.constant 32767 : i32
    %add3A_279 = vector.broadcast %add3A_278 : i32 to vector<512x16xi32>
    %add3A_280 = arith.addi %bitcast_convert_type3A_264, %add3A_279 : vector<512x16xi32>
    %shift_right_logical3A_281 = arith.constant 16 : i32
    %shift_right_logical3A_282 = vector.broadcast %shift_right_logical3A_281 : i32 to vector<512x16xi32>
    %shift_right_logical3A_283 = arith.shrui %bitcast_convert_type3A_264, %shift_right_logical3A_282 : vector<512x16xi32>
    %and3A_284 = arith.constant 1 : i32
    %and3A_285 = vector.broadcast %and3A_284 : i32 to vector<512x16xi32>
    %and3A_286 = arith.andi %shift_right_logical3A_283, %and3A_285 : vector<512x16xi32>
    %add3A_287 = arith.addi %add3A_280, %and3A_286 : vector<512x16xi32>
    %shift_right_logical3A_288 = arith.constant 16 : i32
    %shift_right_logical3A_289 = vector.broadcast %shift_right_logical3A_288 : i32 to vector<512x16xi32>
    %shift_right_logical3A_290 = arith.shrui %add3A_287, %shift_right_logical3A_289 : vector<512x16xi32>
    %or3A_291 = arith.ori %and3A_277, %shift_right_logical3A_290 : vector<512x16xi32>
    %bitcast_convert_type3A_292 = tpu.bitcast %or3A_291 : vector<512x16xi32> -> vector<512x16xf32>
    %slice3A_293 = vector.extract_strided_slice %dot_general3A_196 {offsets = [0, 96], sizes = [512, 16], strides = [1, 1]} : vector<512x128xf32> to vector<512x16xf32>
    %slice3A_294 = vector.extract_strided_slice %dot_general3A_196 {offsets = [0, 112], sizes = [512, 16], strides = [1, 1]} : vector<512x128xf32> to vector<512x16xf32>
    %bitcast_convert_type3A_295 = tpu.bitcast %slice3A_293 : vector<512x16xf32> -> vector<512x16xi32>
    %bitcast_convert_type3A_296 = tpu.bitcast %slice3A_294 : vector<512x16xf32> -> vector<512x16xi32>
    %add3A_297 = arith.constant 32767 : i32
    %add3A_298 = vector.broadcast %add3A_297 : i32 to vector<512x16xi32>
    %add3A_299 = arith.addi %bitcast_convert_type3A_295, %add3A_298 : vector<512x16xi32>
    %shift_right_logical3A_300 = arith.constant 16 : i32
    %shift_right_logical3A_301 = vector.broadcast %shift_right_logical3A_300 : i32 to vector<512x16xi32>
    %shift_right_logical3A_302 = arith.shrui %bitcast_convert_type3A_295, %shift_right_logical3A_301 : vector<512x16xi32>
    %and3A_303 = arith.constant 1 : i32
    %and3A_304 = vector.broadcast %and3A_303 : i32 to vector<512x16xi32>
    %and3A_305 = arith.andi %shift_right_logical3A_302, %and3A_304 : vector<512x16xi32>
    %add3A_306 = arith.addi %add3A_299, %and3A_305 : vector<512x16xi32>
    %and3A_307 = arith.constant -65536 : i32
    %and3A_308 = vector.broadcast %and3A_307 : i32 to vector<512x16xi32>
    %and3A_309 = arith.andi %add3A_306, %and3A_308 : vector<512x16xi32>
    %add3A_310 = arith.constant 32767 : i32
    %add3A_311 = vector.broadcast %add3A_310 : i32 to vector<512x16xi32>
    %add3A_312 = arith.addi %bitcast_convert_type3A_296, %add3A_311 : vector<512x16xi32>
    %shift_right_logical3A_313 = arith.constant 16 : i32
    %shift_right_logical3A_314 = vector.broadcast %shift_right_logical3A_313 : i32 to vector<512x16xi32>
    %shift_right_logical3A_315 = arith.shrui %bitcast_convert_type3A_296, %shift_right_logical3A_314 : vector<512x16xi32>
    %and3A_316 = arith.constant 1 : i32
    %and3A_317 = vector.broadcast %and3A_316 : i32 to vector<512x16xi32>
    %and3A_318 = arith.andi %shift_right_logical3A_315, %and3A_317 : vector<512x16xi32>
    %add3A_319 = arith.addi %add3A_312, %and3A_318 : vector<512x16xi32>
    %shift_right_logical3A_320 = arith.constant 16 : i32
    %shift_right_logical3A_321 = vector.broadcast %shift_right_logical3A_320 : i32 to vector<512x16xi32>
    %shift_right_logical3A_322 = arith.shrui %add3A_319, %shift_right_logical3A_321 : vector<512x16xi32>
    %or3A_323 = arith.ori %and3A_309, %shift_right_logical3A_322 : vector<512x16xi32>
    %bitcast_convert_type3A_324 = tpu.bitcast %or3A_323 : vector<512x16xi32> -> vector<512x16xf32>
    %dot_general3A_325 = arith.constant dense<0.000000e+00> : vector<512x128xf32>
    %dot_general3A_326 = tpu.matmul %transpose3A_187, %concatenate3A_25, %dot_general3A_325 {dimension_numbers = #tpu.dot_dimension_numbers<[1], [1], [0], [0], [0, 0, 1, 0], [], []>, transpose_lhs_hint = false} : vector<512x32xf32>, vector<128x32xf32>, vector<512x128xf32> -> vector<512x128xf32>
    %transpose3A_327 = tpu.transpose %dot_general3A_326, [1, 0] : vector<512x128xf32> -> vector<128x512xf32>
    %swap3A_328 = arith.constant 0 : index
    %swap3A_329 = arith.constant 128 : index
    %swap3A_330 = arith.constant 0 : index
    %swap3A_331 = vector.load %arg11[%swap3A_328, %swap3A_329, %swap3A_330] : memref<1x384x512xf32, #tpu.memory_space<vmem>>, vector<1x128x512xf32>
    %swap3A_332 = vector.shape_cast %swap3A_331 : vector<1x128x512xf32> to vector<128x512xf32>
    %swap3A_333 = vector.shape_cast %transpose3A_327 : vector<128x512xf32> to vector<1x128x512xf32>
    tpu.vector_store %arg11[%swap3A_328, %swap3A_329, %swap3A_330], %swap3A_333 {strides = array<i32>} : memref<1x384x512xf32, #tpu.memory_space<vmem>>, vector<1x128x512xf32>,
    %dot_general3A_334 = arith.constant dense<0.000000e+00> : vector<512x32xf32>
    %dot_general3A_335 = tpu.matmul %transpose3A_194, %get3A_28, %dot_general3A_334 {dimension_numbers = #tpu.dot_dimension_numbers<[1], [1], [0], [0], [0, 0, 1, 0], [], []>, transpose_lhs_hint = false} : vector<512x32xf32>, vector<32x32xf32>, vector<512x32xf32> -> vector<512x32xf32>
    %dot_general3A_336 = arith.constant dense<0.000000e+00> : vector<512x32xf32>
    %dot_general3A_337 = tpu.matmul %transpose3A_194, %get3A_31, %dot_general3A_336 {dimension_numbers = #tpu.dot_dimension_numbers<[1], [1], [0], [0], [0, 0, 1, 0], [], []>, transpose_lhs_hint = false} : vector<512x32xf32>, vector<32x32xf32>, vector<512x32xf32> -> vector<512x32xf32>
    %get3A_338 = arith.constant 0 : index
    %get3A_339 = arith.constant 0 : index
    %get3A_340 = arith.constant 2 : index
    %get3A_341 = arith.constant 0 : index
    %get3A_342 = vector.load %arg2[%get3A_338, %get3A_339, %get3A_340, %get3A_341] : memref<1x32x3x512xf32, #tpu.memory_space<vmem>>, vector<1x32x1x512xf32>
    %get3A_343 = vector.shape_cast %get3A_342 : vector<1x32x1x512xf32> to vector<32x512xf32>
    %transpose3A_344 = tpu.transpose %get3A_343, [1, 0] : vector<32x512xf32> -> vector<512x32xf32>
    %get3A_345 = arith.constant 0 : index
    %get3A_346 = arith.constant 0 : index
    %get3A_347 = arith.constant 2 : index
    %get3A_348 = arith.constant 0 : index
    %get3A_349 = vector.load %arg3[%get3A_345, %get3A_346, %get3A_347, %get3A_348] : memref<1x32x3x512xf32, #tpu.memory_space<vmem>>, vector<1x32x1x512xf32>
    %get3A_350 = vector.shape_cast %get3A_349 : vector<1x32x1x512xf32> to vector<32x512xf32>
    %transpose3A_351 = tpu.transpose %get3A_350, [1, 0] : vector<32x512xf32> -> vector<512x32xf32>
    %dot_general3A_352 = arith.constant dense<0.000000e+00> : vector<512x128xf32>
    %dot_general3A_353 = tpu.matmul %transpose3A_344, %concatenate3A, %dot_general3A_352 {dimension_numbers = #tpu.dot_dimension_numbers<[1], [1], [0], [0], [0, 0, 1, 0], [], []>, transpose_lhs_hint = false} : vector<512x32xf32>, vector<128x32xf32>, vector<512x128xf32> -> vector<512x128xf32>
    %slice3A_354 = vector.extract_strided_slice %dot_general3A_353 {offsets = [0, 0], sizes = [512, 16], strides = [1, 1]} : vector<512x128xf32> to vector<512x16xf32>
    %slice3A_355 = vector.extract_strided_slice %dot_general3A_353 {offsets = [0, 16], sizes = [512, 16], strides = [1, 1]} : vector<512x128xf32> to vector<512x16xf32>
    %bitcast_convert_type3A_356 = tpu.bitcast %slice3A_354 : vector<512x16xf32> -> vector<512x16xi32>
    %bitcast_convert_type3A_357 = tpu.bitcast %slice3A_355 : vector<512x16xf32> -> vector<512x16xi32>
    %add3A_358 = arith.constant 32767 : i32
    %add3A_359 = vector.broadcast %add3A_358 : i32 to vector<512x16xi32>
    %add3A_360 = arith.addi %bitcast_convert_type3A_356, %add3A_359 : vector<512x16xi32>
    %shift_right_logical3A_361 = arith.constant 16 : i32
    %shift_right_logical3A_362 = vector.broadcast %shift_right_logical3A_361 : i32 to vector<512x16xi32>
    %shift_right_logical3A_363 = arith.shrui %bitcast_convert_type3A_356, %shift_right_logical3A_362 : vector<512x16xi32>
    %and3A_364 = arith.constant 1 : i32
    %and3A_365 = vector.broadcast %and3A_364 : i32 to vector<512x16xi32>
    %and3A_366 = arith.andi %shift_right_logical3A_363, %and3A_365 : vector<512x16xi32>
    %add3A_367 = arith.addi %add3A_360, %and3A_366 : vector<512x16xi32>
    %and3A_368 = arith.constant -65536 : i32
    %and3A_369 = vector.broadcast %and3A_368 : i32 to vector<512x16xi32>
    %and3A_370 = arith.andi %add3A_367, %and3A_369 : vector<512x16xi32>
    %add3A_371 = arith.constant 32767 : i32
    %add3A_372 = vector.broadcast %add3A_371 : i32 to vector<512x16xi32>
    %add3A_373 = arith.addi %bitcast_convert_type3A_357, %add3A_372 : vector<512x16xi32>
    %shift_right_logical3A_374 = arith.constant 16 : i32
    %shift_right_logical3A_375 = vector.broadcast %shift_right_logical3A_374 : i32 to vector<512x16xi32>
    %shift_right_logical3A_376 = arith.shrui %bitcast_convert_type3A_357, %shift_right_logical3A_375 : vector<512x16xi32>
    %and3A_377 = arith.constant 1 : i32
    %and3A_378 = vector.broadcast %and3A_377 : i32 to vector<512x16xi32>
    %and3A_379 = arith.andi %shift_right_logical3A_376, %and3A_378 : vector<512x16xi32>
    %add3A_380 = arith.addi %add3A_373, %and3A_379 : vector<512x16xi32>
    %shift_right_logical3A_381 = arith.constant 16 : i32
    %shift_right_logical3A_382 = vector.broadcast %shift_right_logical3A_381 : i32 to vector<512x16xi32>
    %shift_right_logical3A_383 = arith.shrui %add3A_380, %shift_right_logical3A_382 : vector<512x16xi32>
    %or3A_384 = arith.ori %and3A_370, %shift_right_logical3A_383 : vector<512x16xi32>
    %bitcast_convert_type3A_385 = tpu.bitcast %or3A_384 : vector<512x16xi32> -> vector<512x16xf32>
    %slice3A_386 = vector.extract_strided_slice %dot_general3A_353 {offsets = [0, 32], sizes = [512, 16], strides = [1, 1]} : vector<512x128xf32> to vector<512x16xf32>
    %slice3A_387 = vector.extract_strided_slice %dot_general3A_353 {offsets = [0, 48], sizes = [512, 16], strides = [1, 1]} : vector<512x128xf32> to vector<512x16xf32>
    %bitcast_convert_type3A_388 = tpu.bitcast %slice3A_386 : vector<512x16xf32> -> vector<512x16xi32>
    %bitcast_convert_type3A_389 = tpu.bitcast %slice3A_387 : vector<512x16xf32> -> vector<512x16xi32>
    %add3A_390 = arith.constant 32767 : i32
    %add3A_391 = vector.broadcast %add3A_390 : i32 to vector<512x16xi32>
    %add3A_392 = arith.addi %bitcast_convert_type3A_388, %add3A_391 : vector<512x16xi32>
    %shift_right_logical3A_393 = arith.constant 16 : i32
    %shift_right_logical3A_394 = vector.broadcast %shift_right_logical3A_393 : i32 to vector<512x16xi32>
    %shift_right_logical3A_395 = arith.shrui %bitcast_convert_type3A_388, %shift_right_logical3A_394 : vector<512x16xi32>
    %and3A_396 = arith.constant 1 : i32
    %and3A_397 = vector.broadcast %and3A_396 : i32 to vector<512x16xi32>
    %and3A_398 = arith.andi %shift_right_logical3A_395, %and3A_397 : vector<512x16xi32>
    %add3A_399 = arith.addi %add3A_392, %and3A_398 : vector<512x16xi32>
    %and3A_400 = arith.constant -65536 : i32
    %and3A_401 = vector.broadcast %and3A_400 : i32 to vector<512x16xi32>
    %and3A_402 = arith.andi %add3A_399, %and3A_401 : vector<512x16xi32>
    %add3A_403 = arith.constant 32767 : i32
    %add3A_404 = vector.broadcast %add3A_403 : i32 to vector<512x16xi32>
    %add3A_405 = arith.addi %bitcast_convert_type3A_389, %add3A_404 : vector<512x16xi32>
    %shift_right_logical3A_406 = arith.constant 16 : i32
    %shift_right_logical3A_407 = vector.broadcast %shift_right_logical3A_406 : i32 to vector<512x16xi32>
    %shift_right_logical3A_408 = arith.shrui %bitcast_convert_type3A_389, %shift_right_logical3A_407 : vector<512x16xi32>
    %and3A_409 = arith.constant 1 : i32
    %and3A_410 = vector.broadcast %and3A_409 : i32 to vector<512x16xi32>
    %and3A_411 = arith.andi %shift_right_logical3A_408, %and3A_410 : vector<512x16xi32>
    %add3A_412 = arith.addi %add3A_405, %and3A_411 : vector<512x16xi32>
    %shift_right_logical3A_413 = arith.constant 16 : i32
    %shift_right_logical3A_414 = vector.broadcast %shift_right_logical3A_413 : i32 to vector<512x16xi32>
    %shift_right_logical3A_415 = arith.shrui %add3A_412, %shift_right_logical3A_414 : vector<512x16xi32>
    %or3A_416 = arith.ori %and3A_402, %shift_right_logical3A_415 : vector<512x16xi32>
    %bitcast_convert_type3A_417 = tpu.bitcast %or3A_416 : vector<512x16xi32> -> vector<512x16xf32>
    %slice3A_418 = vector.extract_strided_slice %dot_general3A_353 {offsets = [0, 64], sizes = [512, 16], strides = [1, 1]} : vector<512x128xf32> to vector<512x16xf32>
    %slice3A_419 = vector.extract_strided_slice %dot_general3A_353 {offsets = [0, 80], sizes = [512, 16], strides = [1, 1]} : vector<512x128xf32> to vector<512x16xf32>
    %bitcast_convert_type3A_420 = tpu.bitcast %slice3A_418 : vector<512x16xf32> -> vector<512x16xi32>
    %bitcast_convert_type3A_421 = tpu.bitcast %slice3A_419 : vector<512x16xf32> -> vector<512x16xi32>
    %add3A_422 = arith.constant 32767 : i32
    %add3A_423 = vector.broadcast %add3A_422 : i32 to vector<512x16xi32>
    %add3A_424 = arith.addi %bitcast_convert_type3A_420, %add3A_423 : vector<512x16xi32>
    %shift_right_logical3A_425 = arith.constant 16 : i32
    %shift_right_logical3A_426 = vector.broadcast %shift_right_logical3A_425 : i32 to vector<512x16xi32>
    %shift_right_logical3A_427 = arith.shrui %bitcast_convert_type3A_420, %shift_right_logical3A_426 : vector<512x16xi32>
    %and3A_428 = arith.constant 1 : i32
    %and3A_429 = vector.broadcast %and3A_428 : i32 to vector<512x16xi32>
    %and3A_430 = arith.andi %shift_right_logical3A_427, %and3A_429 : vector<512x16xi32>
    %add3A_431 = arith.addi %add3A_424, %and3A_430 : vector<512x16xi32>
    %and3A_432 = arith.constant -65536 : i32
    %and3A_433 = vector.broadcast %and3A_432 : i32 to vector<512x16xi32>
    %and3A_434 = arith.andi %add3A_431, %and3A_433 : vector<512x16xi32>
    %add3A_435 = arith.constant 32767 : i32
    %add3A_436 = vector.broadcast %add3A_435 : i32 to vector<512x16xi32>
    %add3A_437 = arith.addi %bitcast_convert_type3A_421, %add3A_436 : vector<512x16xi32>
    %shift_right_logical3A_438 = arith.constant 16 : i32
    %shift_right_logical3A_439 = vector.broadcast %shift_right_logical3A_438 : i32 to vector<512x16xi32>
    %shift_right_logical3A_440 = arith.shrui %bitcast_convert_type3A_421, %shift_right_logical3A_439 : vector<512x16xi32>
    %and3A_441 = arith.constant 1 : i32
    %and3A_442 = vector.broadcast %and3A_441 : i32 to vector<512x16xi32>
    %and3A_443 = arith.andi %shift_right_logical3A_440, %and3A_442 : vector<512x16xi32>
    %add3A_444 = arith.addi %add3A_437, %and3A_443 : vector<512x16xi32>
    %shift_right_logical3A_445 = arith.constant 16 : i32
    %shift_right_logical3A_446 = vector.broadcast %shift_right_logical3A_445 : i32 to vector<512x16xi32>
    %shift_right_logical3A_447 = arith.shrui %add3A_444, %shift_right_logical3A_446 : vector<512x16xi32>
    %or3A_448 = arith.ori %and3A_434, %shift_right_logical3A_447 : vector<512x16xi32>
    %bitcast_convert_type3A_449 = tpu.bitcast %or3A_448 : vector<512x16xi32> -> vector<512x16xf32>
    %slice3A_450 = vector.extract_strided_slice %dot_general3A_353 {offsets = [0, 96], sizes = [512, 16], strides = [1, 1]} : vector<512x128xf32> to vector<512x16xf32>
    %slice3A_451 = vector.extract_strided_slice %dot_general3A_353 {offsets = [0, 112], sizes = [512, 16], strides = [1, 1]} : vector<512x128xf32> to vector<512x16xf32>
    %bitcast_convert_type3A_452 = tpu.bitcast %slice3A_450 : vector<512x16xf32> -> vector<512x16xi32>
    %bitcast_convert_type3A_453 = tpu.bitcast %slice3A_451 : vector<512x16xf32> -> vector<512x16xi32>
    %add3A_454 = arith.constant 32767 : i32
    %add3A_455 = vector.broadcast %add3A_454 : i32 to vector<512x16xi32>
    %add3A_456 = arith.addi %bitcast_convert_type3A_452, %add3A_455 : vector<512x16xi32>
    %shift_right_logical3A_457 = arith.constant 16 : i32
    %shift_right_logical3A_458 = vector.broadcast %shift_right_logical3A_457 : i32 to vector<512x16xi32>
    %shift_right_logical3A_459 = arith.shrui %bitcast_convert_type3A_452, %shift_right_logical3A_458 : vector<512x16xi32>
    %and3A_460 = arith.constant 1 : i32
    %and3A_461 = vector.broadcast %and3A_460 : i32 to vector<512x16xi32>
    %and3A_462 = arith.andi %shift_right_logical3A_459, %and3A_461 : vector<512x16xi32>
    %add3A_463 = arith.addi %add3A_456, %and3A_462 : vector<512x16xi32>
    %and3A_464 = arith.constant -65536 : i32
    %and3A_465 = vector.broadcast %and3A_464 : i32 to vector<512x16xi32>
    %and3A_466 = arith.andi %add3A_463, %and3A_465 : vector<512x16xi32>
    %add3A_467 = arith.constant 32767 : i32
    %add3A_468 = vector.broadcast %add3A_467 : i32 to vector<512x16xi32>
    %add3A_469 = arith.addi %bitcast_convert_type3A_453, %add3A_468 : vector<512x16xi32>
    %shift_right_logical3A_470 = arith.constant 16 : i32
    %shift_right_logical3A_471 = vector.broadcast %shift_right_logical3A_470 : i32 to vector<512x16xi32>
    %shift_right_logical3A_472 = arith.shrui %bitcast_convert_type3A_453, %shift_right_logical3A_471 : vector<512x16xi32>
    %and3A_473 = arith.constant 1 : i32
    %and3A_474 = vector.broadcast %and3A_473 : i32 to vector<512x16xi32>
    %and3A_475 = arith.andi %shift_right_logical3A_472, %and3A_474 : vector<512x16xi32>
    %add3A_476 = arith.addi %add3A_469, %and3A_475 : vector<512x16xi32>
    %shift_right_logical3A_477 = arith.constant 16 : i32
    %shift_right_logical3A_478 = vector.broadcast %shift_right_logical3A_477 : i32 to vector<512x16xi32>
    %shift_right_logical3A_479 = arith.shrui %add3A_476, %shift_right_logical3A_478 : vector<512x16xi32>
    %or3A_480 = arith.ori %and3A_466, %shift_right_logical3A_479 : vector<512x16xi32>
    %bitcast_convert_type3A_481 = tpu.bitcast %or3A_480 : vector<512x16xi32> -> vector<512x16xf32>
    %dot_general3A_482 = arith.constant dense<0.000000e+00> : vector<512x128xf32>
    %dot_general3A_483 = tpu.matmul %transpose3A_344, %concatenate3A_25, %dot_general3A_482 {dimension_numbers = #tpu.dot_dimension_numbers<[1], [1], [0], [0], [0, 0, 1, 0], [], []>, transpose_lhs_hint = false} : vector<512x32xf32>, vector<128x32xf32>, vector<512x128xf32> -> vector<512x128xf32>
    %transpose3A_484 = tpu.transpose %dot_general3A_483, [1, 0] : vector<512x128xf32> -> vector<128x512xf32>
    %swap3A_485 = arith.constant 0 : index
    %swap3A_486 = arith.constant 256 : index
    %swap3A_487 = arith.constant 0 : index
    %swap3A_488 = vector.load %arg11[%swap3A_485, %swap3A_486, %swap3A_487] : memref<1x384x512xf32, #tpu.memory_space<vmem>>, vector<1x128x512xf32>
    %swap3A_489 = vector.shape_cast %swap3A_488 : vector<1x128x512xf32> to vector<128x512xf32>
    %swap3A_490 = vector.shape_cast %transpose3A_484 : vector<128x512xf32> to vector<1x128x512xf32>
    tpu.vector_store %arg11[%swap3A_485, %swap3A_486, %swap3A_487], %swap3A_490 {strides = array<i32>} : memref<1x384x512xf32, #tpu.memory_space<vmem>>, vector<1x128x512xf32>,
    %dot_general3A_491 = arith.constant dense<0.000000e+00> : vector<512x32xf32>
    %dot_general3A_492 = tpu.matmul %transpose3A_351, %get3A_28, %dot_general3A_491 {dimension_numbers = #tpu.dot_dimension_numbers<[1], [1], [0], [0], [0, 0, 1, 0], [], []>, transpose_lhs_hint = false} : vector<512x32xf32>, vector<32x32xf32>, vector<512x32xf32> -> vector<512x32xf32>
    %dot_general3A_493 = arith.constant dense<0.000000e+00> : vector<512x32xf32>
    %dot_general3A_494 = tpu.matmul %transpose3A_351, %get3A_31, %dot_general3A_493 {dimension_numbers = #tpu.dot_dimension_numbers<[1], [1], [0], [0], [0, 0, 1, 0], [], []>, transpose_lhs_hint = false} : vector<512x32xf32>, vector<32x32xf32>, vector<512x32xf32> -> vector<512x32xf32>
    %concatenate3A_495 = tpu.concatenate %bitcast_convert_type3A_72, %bitcast_convert_type3A_104, %bitcast_convert_type3A_136, %bitcast_convert_type3A_168, %bitcast_convert_type3A_228, %bitcast_convert_type3A_260, %bitcast_convert_type3A_292, %bitcast_convert_type3A_324, %bitcast_convert_type3A_385, %bitcast_convert_type3A_417, %bitcast_convert_type3A_449, %bitcast_convert_type3A_481 in 1 : vector<512x16xf32>, vector<512x16xf32>, vector<512x16xf32>, vector<512x16xf32>, vector<512x16xf32>, vector<512x16xf32>, vector<512x16xf32>, vector<512x16xf32>, vector<512x16xf32>, vector<512x16xf32>, vector<512x16xf32>, vector<512x16xf32> -> vector<512x192xf32>
    %swap3A_496 = arith.constant 0 : index
    %swap3A_497 = arith.constant 0 : index
    %swap3A_498 = arith.constant 0 : index
    %swap3A_499 = vector.load %arg10[%swap3A_496, %swap3A_497, %swap3A_498] : memref<1x512x256xf32, #tpu.memory_space<vmem>>, vector<1x512x192xf32>
    %swap3A_500 = vector.shape_cast %swap3A_499 : vector<1x512x192xf32> to vector<512x192xf32>
    %swap3A_501 = vector.shape_cast %concatenate3A_495 : vector<512x192xf32> to vector<1x512x192xf32>
    tpu.vector_store %arg10[%swap3A_496, %swap3A_497, %swap3A_498], %swap3A_501 {strides = array<i32>} : memref<1x512x256xf32, #tpu.memory_space<vmem>>, vector<1x512x192xf32>,
    %mul3A = arith.mulf %dot_general3A_178, %dot_general3A_180 : vector<512x32xf32>
    %add3A_502 = arith.constant 0.000000e+00 : f32
    %add3A_503 = vector.broadcast %add3A_502 : f32 to vector<512x32xf32>
    %add3A_504 = arith.addf %add3A_503, %mul3A : vector<512x32xf32>
    %mul3A_505 = arith.mulf %dot_general3A_335, %dot_general3A_337 : vector<512x32xf32>
    %add3A_506 = arith.addf %add3A_504, %mul3A_505 : vector<512x32xf32>
    %mul3A_507 = arith.mulf %dot_general3A_492, %dot_general3A_494 : vector<512x32xf32>
    %add3A_508 = arith.addf %add3A_506, %mul3A_507 : vector<512x32xf32>
    %mul3A_509 = arith.mulf %dot_general3A_180, %dot_general3A_180 : vector<512x32xf32>
    %add3A_510 = arith.constant 0.000000e+00 : f32
    %add3A_511 = vector.broadcast %add3A_510 : f32 to vector<512x32xf32>
    %add3A_512 = arith.addf %add3A_511, %mul3A_509 : vector<512x32xf32>
    %mul3A_513 = arith.mulf %dot_general3A_337, %dot_general3A_337 : vector<512x32xf32>
    %add3A_514 = arith.addf %add3A_512, %mul3A_513 : vector<512x32xf32>
    %mul3A_515 = arith.mulf %dot_general3A_494, %dot_general3A_494 : vector<512x32xf32>
    %add3A_516 = arith.addf %add3A_514, %mul3A_515 : vector<512x32xf32>
    %lt3A = arith.constant 0.000000e+00 : f32
    %lt3A_517 = vector.broadcast %lt3A : f32 to vector<512x32xf32>
    %lt3A_518 = arith.cmpf olt, %add3A_508, %lt3A_517 : vector<512x32xf32>
    %mul3A_519 = arith.constant 8.000000e-01 : f32
    %mul3A_520 = vector.broadcast %mul3A_519 : f32 to vector<512x32xf32>
    %mul3A_521 = arith.mulf %mul3A_520, %add3A_508 : vector<512x32xf32>
    %add3A_522 = arith.constant 9.99999997E-7 : f32
    %add3A_523 = vector.broadcast %add3A_522 : f32 to vector<512x32xf32>
    %add3A_524 = arith.addf %add3A_516, %add3A_523 : vector<512x32xf32>
    %div3A = arith.divf %mul3A_521, %add3A_524 : vector<512x32xf32>
    %jit3A = arith.constant 0.000000e+00 : f32
    %broadcast_in_dim3A = vector.broadcast %jit3A : f32 to vector<512x32xf32>
    %select_n3A = arith.select %lt3A_518, %div3A, %broadcast_in_dim3A : vector<512x32xi1>, vector<512x32xf32>
    %mul3A_525 = arith.mulf %select_n3A, %dot_general3A_180 : vector<512x32xf32>
    %sub3A_526 = arith.subf %dot_general3A_178, %mul3A_525 : vector<512x32xf32>
    %mul3A_527 = arith.mulf %select_n3A, %dot_general3A_337 : vector<512x32xf32>
    %sub3A_528 = arith.subf %dot_general3A_335, %mul3A_527 : vector<512x32xf32>
    %mul3A_529 = arith.mulf %select_n3A, %dot_general3A_494 : vector<512x32xf32>
    %sub3A_530 = arith.subf %dot_general3A_492, %mul3A_529 : vector<512x32xf32>
    %mul3A_531 = arith.mulf %sub3A_526, %sub3A_526 : vector<512x32xf32>
    %add3A_532 = arith.constant 0.000000e+00 : f32
    %add3A_533 = vector.broadcast %add3A_532 : f32 to vector<512x32xf32>
    %add3A_534 = arith.addf %add3A_533, %mul3A_531 : vector<512x32xf32>
    %mul3A_535 = arith.mulf %sub3A_528, %sub3A_528 : vector<512x32xf32>
    %add3A_536 = arith.addf %add3A_534, %mul3A_535 : vector<512x32xf32>
    %mul3A_537 = arith.mulf %sub3A_530, %sub3A_530 : vector<512x32xf32>
    %add3A_538 = arith.addf %add3A_536, %mul3A_537 : vector<512x32xf32>
    %sqrt3A = math.sqrt %add3A_538 : vector<512x32xf32>
    %mul3A_539 = arith.mulf %sqrt3A, %sqrt3A : vector<512x32xf32>
    %reduce_sum3A = arith.constant dense<0.000000e+00> : vector<512xf32>
    %reduce_sum3A_540 = vector.multi_reduction <add>, %mul3A_539, %reduce_sum3A [1] : vector<512x32xf32> to vector<512xf32>
    %broadcast_in_dim3A_541 = vector.shape_cast %reduce_sum3A_540 : vector<512xf32> to vector<512x1xf32>
    %sqrt3A_542 = math.sqrt %broadcast_in_dim3A_541 : vector<512x1xf32>
    %max3A = arith.constant 9.99999996E-13 : f32
    %max3A_543 = vector.broadcast %max3A : f32 to vector<512x32xf32>
    %max3A_544 = arith.maximumf %sqrt3A, %max3A_543 : vector<512x32xf32>
    %div3A_545 = arith.divf %sqrt3A, %max3A_544 : vector<512x32xf32>
    %max3A_546 = arith.constant 9.99999996E-13 : f32
    %max3A_547 = vector.broadcast %max3A_546 : f32 to vector<512x1xf32>
    %max3A_548 = arith.maximumf %sqrt3A_542, %max3A_547 : vector<512x1xf32>
    %div3A_549 = vector.broadcast %max3A_548 : vector<512x1xf32> to vector<512x32xf32>
    %div3A_550 = arith.divf %div3A_545, %div3A_549 : vector<512x32xf32>
    %sqrt3A_551 = arith.constant 9.600000e+01 : f32
    %sqrt3A_552 = math.sqrt %sqrt3A_551 : f32
    %div3A_553 = arith.constant 1.000000e+00 : f32
    %div3A_554 = arith.divf %div3A_553, %sqrt3A_552 : f32
    %mul3A_555 = vector.broadcast %div3A_554 : f32 to vector<512x32xf32>
    %mul3A_556 = arith.mulf %div3A_550, %mul3A_555 : vector<512x32xf32>
    %mul3A_557 = arith.mulf %sub3A_526, %mul3A_556 : vector<512x32xf32>
    %transpose3A_558 = tpu.transpose %mul3A_557, [1, 0] : vector<512x32xf32> -> vector<32x512xf32>
    %swap3A_559 = arith.constant 0 : index
    %swap3A_560 = arith.constant 0 : index
    %swap3A_561 = arith.constant 0 : index
    %swap3A_562 = arith.constant 0 : index
    %swap3A_563 = vector.load %arg12[%swap3A_559, %swap3A_560, %swap3A_561, %swap3A_562] : memref<1x32x3x512xf32, #tpu.memory_space<vmem>>, vector<1x32x1x512xf32>
    %swap3A_564 = vector.shape_cast %swap3A_563 : vector<1x32x1x512xf32> to vector<32x512xf32>
    %swap3A_565 = vector.shape_cast %transpose3A_558 : vector<32x512xf32> to vector<1x32x1x512xf32>
    tpu.vector_store %arg12[%swap3A_559, %swap3A_560, %swap3A_561, %swap3A_562], %swap3A_565 {strides = array<i32>} : memref<1x32x3x512xf32, #tpu.memory_space<vmem>>, vector<1x32x1x512xf32>,
    %mul3A_566 = arith.mulf %sub3A_528, %mul3A_556 : vector<512x32xf32>
    %transpose3A_567 = tpu.transpose %mul3A_566, [1, 0] : vector<512x32xf32> -> vector<32x512xf32>
    %swap3A_568 = arith.constant 0 : index
    %swap3A_569 = arith.constant 0 : index
    %swap3A_570 = arith.constant 1 : index
    %swap3A_571 = arith.constant 0 : index
    %swap3A_572 = vector.load %arg12[%swap3A_568, %swap3A_569, %swap3A_570, %swap3A_571] : memref<1x32x3x512xf32, #tpu.memory_space<vmem>>, vector<1x32x1x512xf32>
    %swap3A_573 = vector.shape_cast %swap3A_572 : vector<1x32x1x512xf32> to vector<32x512xf32>
    %swap3A_574 = vector.shape_cast %transpose3A_567 : vector<32x512xf32> to vector<1x32x1x512xf32>
    tpu.vector_store %arg12[%swap3A_568, %swap3A_569, %swap3A_570, %swap3A_571], %swap3A_574 {strides = array<i32>} : memref<1x32x3x512xf32, #tpu.memory_space<vmem>>, vector<1x32x1x512xf32>,
    %mul3A_575 = arith.mulf %sub3A_530, %mul3A_556 : vector<512x32xf32>
    %transpose3A_576 = tpu.transpose %mul3A_575, [1, 0] : vector<512x32xf32> -> vector<32x512xf32>
    %swap3A_577 = arith.constant 0 : index
    %swap3A_578 = arith.constant 0 : index
    %swap3A_579 = arith.constant 2 : index
    %swap3A_580 = arith.constant 0 : index
    %swap3A_581 = vector.load %arg12[%swap3A_577, %swap3A_578, %swap3A_579, %swap3A_580] : memref<1x32x3x512xf32, #tpu.memory_space<vmem>>, vector<1x32x1x512xf32>
    %swap3A_582 = vector.shape_cast %swap3A_581 : vector<1x32x1x512xf32> to vector<32x512xf32>
    %swap3A_583 = vector.shape_cast %transpose3A_576 : vector<32x512xf32> to vector<1x32x1x512xf32>
    tpu.vector_store %arg12[%swap3A_577, %swap3A_578, %swap3A_579, %swap3A_580], %swap3A_583 {strides = array<i32>} : memref<1x32x3x512xf32, #tpu.memory_space<vmem>>, vector<1x32x1x512xf32>,
    return
  }
  func.func @transform_0(%arg0: i32, %arg1: i32) -> (i32, i32, i32, i32) {
    %c0_i32 = arith.constant 0 : i32
    %c0_i32_0 = arith.constant 0 : i32
    %c0_i32_1 = arith.constant 0 : i32
    return %arg0, %c0_i32, %c0_i32_0, %arg1 : i32, i32, i32, i32
  }
  func.func @transform_1(%arg0: i32, %arg1: i32) -> (i32, i32, i32, i32) {
    %c0_i32 = arith.constant 0 : i32
    %c0_i32_0 = arith.constant 0 : i32
    %c0_i32_1 = arith.constant 0 : i32
    return %arg0, %c0_i32, %c0_i32_0, %arg1 : i32, i32, i32, i32
  }
  func.func @transform_2(%arg0: i32, %arg1: i32) -> (i32, i32) {
    %c0_i32 = arith.constant 0 : i32
    %c0_i32_0 = arith.constant 0 : i32
    %c0_i32_1 = arith.constant 0 : i32
    return %c0_i32, %c0_i32_0 : i32, i32
  }
  func.func @transform_3(%arg0: i32, %arg1: i32) -> (i32, i32) {
    %c0_i32 = arith.constant 0 : i32
    %c0_i32_0 = arith.constant 0 : i32
    %c0_i32_1 = arith.constant 0 : i32
    return %c0_i32, %c0_i32_0 : i32, i32
  }
  func.func @transform_4(%arg0: i32, %arg1: i32) -> (i32, i32) {
    %c0_i32 = arith.constant 0 : i32
    %c0_i32_0 = arith.constant 0 : i32
    %c0_i32_1 = arith.constant 0 : i32
    return %c0_i32, %c0_i32_0 : i32, i32
  }
  func.func @transform_5(%arg0: i32, %arg1: i32) -> (i32, i32) {
    %c0_i32 = arith.constant 0 : i32
    %c0_i32_0 = arith.constant 0 : i32
    %c0_i32_1 = arith.constant 0 : i32
    return %c0_i32, %c0_i32_0 : i32, i32
  }
  func.func @transform_6(%arg0: i32, %arg1: i32) -> (i32, i32) {
    %c0_i32 = arith.constant 0 : i32
    %c0_i32_0 = arith.constant 0 : i32
    %c0_i32_1 = arith.constant 0 : i32
    return %c0_i32, %c0_i32_0 : i32, i32
  }
  func.func @transform_7(%arg0: i32, %arg1: i32) -> (i32, i32) {
    %c0_i32 = arith.constant 0 : i32
    %c0_i32_0 = arith.constant 0 : i32
    %c0_i32_1 = arith.constant 0 : i32
    return %c0_i32, %c0_i32_0 : i32, i32
  }
  func.func @transform_8(%arg0: i32, %arg1: i32) -> (i32, i32, i32) {
    %c0_i32 = arith.constant 0 : i32
    %c0_i32_0 = arith.constant 0 : i32
    return %arg0, %arg1, %c0_i32 : i32, i32, i32
  }
  func.func @transform_9(%arg0: i32, %arg1: i32) -> (i32, i32, i32) {
    %c0_i32 = arith.constant 0 : i32
    %c0_i32_0 = arith.constant 0 : i32
    return %arg0, %c0_i32, %arg1 : i32, i32, i32
  }
  func.func @transform_10(%arg0: i32, %arg1: i32) -> (i32, i32, i32, i32) {
    %c0_i32 = arith.constant 0 : i32
    %c0_i32_0 = arith.constant 0 : i32
    %c0_i32_1 = arith.constant 0 : i32
    return %arg0, %c0_i32, %c0_i32_0, %arg1 : i32, i32, i32, i32
  }
}

module attributes {stable_mosaic.version = 14 : i64} {
  func.func @_attend_body(%arg0: i32, %arg1: i32, %arg2: memref<1x2048x256xf32, #tpu.memory_space<vmem>>, %arg3: memref<1x384x128xf32, #tpu.memory_space<vmem>>, %arg4: memref<1x32x3x128xf32, #tpu.memory_space<vmem>>, %arg5: memref<1x32x3x128xf32, #tpu.memory_space<vmem>>, %arg6: memref<1x32x3x128xf32, #tpu.memory_space<vmem>>) attributes {dimension_semantics = [#tpu.dimension_semantics<arbitrary>, #tpu.dimension_semantics<arbitrary>], iteration_bounds = array<i64: 1, 32>, scalar_prefetch = 0 : i64, scratch_operands = 0 : i64, tpu.core_type = #tpu.core_type<tc>, window_params = [{transform_indices = @transform_0, window_bounds = array<i64: 1, 2048, 256>}, {transform_indices = @transform_1, window_bounds = array<i64: 1, 384, 128>}, {transform_indices = @transform_2, window_bounds = array<i64: 1, 32, 3, 128>}, {transform_indices = @transform_3, window_bounds = array<i64: 1, 32, 3, 128>}, {transform_indices = @transform_4, window_bounds = array<i64: 1, 32, 3, 128>}]} {
    %get3A = arith.constant 0 : index
    %get3A_0 = arith.constant 0 : index
    %get3A_1 = arith.constant 0 : index
    %get3A_2 = vector.load %arg2[%get3A, %get3A_0, %get3A_1] : memref<1x2048x256xf32, #tpu.memory_space<vmem>>, vector<1x2048x192xf32>
    %get3A_3 = vector.shape_cast %get3A_2 : vector<1x2048x192xf32> to vector<2048x192xf32>
    %transpose3A = tpu.transpose %get3A_3, [1, 0] : vector<2048x192xf32> -> vector<192x2048xf32>
    %slice3A = vector.extract_strided_slice %transpose3A {offsets = [0, 0], sizes = [16, 2048], strides = [1, 1]} : vector<192x2048xf32> to vector<16x2048xf32>
    %bitcast_convert_type3A = tpu.bitcast %slice3A : vector<16x2048xf32> -> vector<16x2048xi32>
    %and3A = arith.constant -65536 : i32
    %and3A_4 = vector.broadcast %and3A : i32 to vector<16x2048xi32>
    %and3A_5 = arith.andi %bitcast_convert_type3A, %and3A_4 : vector<16x2048xi32>
    %bitcast_convert_type3A_6 = tpu.bitcast %and3A_5 : vector<16x2048xi32> -> vector<16x2048xf32>
    %shift_left3A = arith.constant 16 : i32
    %shift_left3A_7 = vector.broadcast %shift_left3A : i32 to vector<16x2048xi32>
    %shift_left3A_8 = arith.shli %bitcast_convert_type3A, %shift_left3A_7 : vector<16x2048xi32>
    %bitcast_convert_type3A_9 = tpu.bitcast %shift_left3A_8 : vector<16x2048xi32> -> vector<16x2048xf32>
    %concatenate3A = tpu.concatenate %bitcast_convert_type3A_6, %bitcast_convert_type3A_9 in 0 : vector<16x2048xf32>, vector<16x2048xf32> -> vector<32x2048xf32>
    %reshape3A = vector.shape_cast %concatenate3A : vector<32x2048xf32> to vector<32x16x128xf32>
    %get3A_10 = arith.constant 0 : index
    %get3A_11 = arith.constant 0 : index
    %get3A_12 = arith.constant 0 : index
    %get3A_13 = vector.load %arg3[%get3A_10, %get3A_11, %get3A_12] : memref<1x384x128xf32, #tpu.memory_space<vmem>>, vector<1x32x128xf32>
    %get3A_14 = vector.shape_cast %get3A_13 : vector<1x32x128xf32> to vector<32x128xf32>
    %broadcast_in_dim3A = vector.shape_cast %get3A_14 : vector<32x128xf32> to vector<32x1x128xf32>
    %add3A = vector.broadcast %broadcast_in_dim3A : vector<32x1x128xf32> to vector<32x16x128xf32>
    %add3A_15 = arith.addf %reshape3A, %add3A : vector<32x16x128xf32>
    %slice3A_16 = vector.extract_strided_slice %transpose3A {offsets = [64, 0], sizes = [16, 2048], strides = [1, 1]} : vector<192x2048xf32> to vector<16x2048xf32>
    %bitcast_convert_type3A_17 = tpu.bitcast %slice3A_16 : vector<16x2048xf32> -> vector<16x2048xi32>
    %and3A_18 = arith.constant -65536 : i32
    %and3A_19 = vector.broadcast %and3A_18 : i32 to vector<16x2048xi32>
    %and3A_20 = arith.andi %bitcast_convert_type3A_17, %and3A_19 : vector<16x2048xi32>
    %bitcast_convert_type3A_21 = tpu.bitcast %and3A_20 : vector<16x2048xi32> -> vector<16x2048xf32>
    %shift_left3A_22 = arith.constant 16 : i32
    %shift_left3A_23 = vector.broadcast %shift_left3A_22 : i32 to vector<16x2048xi32>
    %shift_left3A_24 = arith.shli %bitcast_convert_type3A_17, %shift_left3A_23 : vector<16x2048xi32>
    %bitcast_convert_type3A_25 = tpu.bitcast %shift_left3A_24 : vector<16x2048xi32> -> vector<16x2048xf32>
    %concatenate3A_26 = tpu.concatenate %bitcast_convert_type3A_21, %bitcast_convert_type3A_25 in 0 : vector<16x2048xf32>, vector<16x2048xf32> -> vector<32x2048xf32>
    %reshape3A_27 = vector.shape_cast %concatenate3A_26 : vector<32x2048xf32> to vector<32x16x128xf32>
    %get3A_28 = arith.constant 0 : index
    %get3A_29 = arith.constant 128 : index
    %get3A_30 = arith.constant 0 : index
    %get3A_31 = vector.load %arg3[%get3A_28, %get3A_29, %get3A_30] : memref<1x384x128xf32, #tpu.memory_space<vmem>>, vector<1x32x128xf32>
    %get3A_32 = vector.shape_cast %get3A_31 : vector<1x32x128xf32> to vector<32x128xf32>
    %broadcast_in_dim3A_33 = vector.shape_cast %get3A_32 : vector<32x128xf32> to vector<32x1x128xf32>
    %add3A_34 = vector.broadcast %broadcast_in_dim3A_33 : vector<32x1x128xf32> to vector<32x16x128xf32>
    %add3A_35 = arith.addf %reshape3A_27, %add3A_34 : vector<32x16x128xf32>
    %slice3A_36 = vector.extract_strided_slice %transpose3A {offsets = [128, 0], sizes = [16, 2048], strides = [1, 1]} : vector<192x2048xf32> to vector<16x2048xf32>
    %bitcast_convert_type3A_37 = tpu.bitcast %slice3A_36 : vector<16x2048xf32> -> vector<16x2048xi32>
    %and3A_38 = arith.constant -65536 : i32
    %and3A_39 = vector.broadcast %and3A_38 : i32 to vector<16x2048xi32>
    %and3A_40 = arith.andi %bitcast_convert_type3A_37, %and3A_39 : vector<16x2048xi32>
    %bitcast_convert_type3A_41 = tpu.bitcast %and3A_40 : vector<16x2048xi32> -> vector<16x2048xf32>
    %shift_left3A_42 = arith.constant 16 : i32
    %shift_left3A_43 = vector.broadcast %shift_left3A_42 : i32 to vector<16x2048xi32>
    %shift_left3A_44 = arith.shli %bitcast_convert_type3A_37, %shift_left3A_43 : vector<16x2048xi32>
    %bitcast_convert_type3A_45 = tpu.bitcast %shift_left3A_44 : vector<16x2048xi32> -> vector<16x2048xf32>
    %concatenate3A_46 = tpu.concatenate %bitcast_convert_type3A_41, %bitcast_convert_type3A_45 in 0 : vector<16x2048xf32>, vector<16x2048xf32> -> vector<32x2048xf32>
    %reshape3A_47 = vector.shape_cast %concatenate3A_46 : vector<32x2048xf32> to vector<32x16x128xf32>
    %get3A_48 = arith.constant 0 : index
    %get3A_49 = arith.constant 256 : index
    %get3A_50 = arith.constant 0 : index
    %get3A_51 = vector.load %arg3[%get3A_48, %get3A_49, %get3A_50] : memref<1x384x128xf32, #tpu.memory_space<vmem>>, vector<1x32x128xf32>
    %get3A_52 = vector.shape_cast %get3A_51 : vector<1x32x128xf32> to vector<32x128xf32>
    %broadcast_in_dim3A_53 = vector.shape_cast %get3A_52 : vector<32x128xf32> to vector<32x1x128xf32>
    %add3A_54 = vector.broadcast %broadcast_in_dim3A_53 : vector<32x1x128xf32> to vector<32x16x128xf32>
    %add3A_55 = arith.addf %reshape3A_47, %add3A_54 : vector<32x16x128xf32>
    %slice3A_56 = vector.extract_strided_slice %transpose3A {offsets = [16, 0], sizes = [16, 2048], strides = [1, 1]} : vector<192x2048xf32> to vector<16x2048xf32>
    %bitcast_convert_type3A_57 = tpu.bitcast %slice3A_56 : vector<16x2048xf32> -> vector<16x2048xi32>
    %and3A_58 = arith.constant -65536 : i32
    %and3A_59 = vector.broadcast %and3A_58 : i32 to vector<16x2048xi32>
    %and3A_60 = arith.andi %bitcast_convert_type3A_57, %and3A_59 : vector<16x2048xi32>
    %bitcast_convert_type3A_61 = tpu.bitcast %and3A_60 : vector<16x2048xi32> -> vector<16x2048xf32>
    %shift_left3A_62 = arith.constant 16 : i32
    %shift_left3A_63 = vector.broadcast %shift_left3A_62 : i32 to vector<16x2048xi32>
    %shift_left3A_64 = arith.shli %bitcast_convert_type3A_57, %shift_left3A_63 : vector<16x2048xi32>
    %bitcast_convert_type3A_65 = tpu.bitcast %shift_left3A_64 : vector<16x2048xi32> -> vector<16x2048xf32>
    %concatenate3A_66 = tpu.concatenate %bitcast_convert_type3A_61, %bitcast_convert_type3A_65 in 0 : vector<16x2048xf32>, vector<16x2048xf32> -> vector<32x2048xf32>
    %reshape3A_67 = vector.shape_cast %concatenate3A_66 : vector<32x2048xf32> to vector<32x16x128xf32>
    %get3A_68 = arith.constant 0 : index
    %get3A_69 = arith.constant 32 : index
    %get3A_70 = arith.constant 0 : index
    %get3A_71 = vector.load %arg3[%get3A_68, %get3A_69, %get3A_70] : memref<1x384x128xf32, #tpu.memory_space<vmem>>, vector<1x32x128xf32>
    %get3A_72 = vector.shape_cast %get3A_71 : vector<1x32x128xf32> to vector<32x128xf32>
    %broadcast_in_dim3A_73 = vector.shape_cast %get3A_72 : vector<32x128xf32> to vector<32x1x128xf32>
    %add3A_74 = vector.broadcast %broadcast_in_dim3A_73 : vector<32x1x128xf32> to vector<32x16x128xf32>
    %add3A_75 = arith.addf %reshape3A_67, %add3A_74 : vector<32x16x128xf32>
    %slice3A_76 = vector.extract_strided_slice %transpose3A {offsets = [80, 0], sizes = [16, 2048], strides = [1, 1]} : vector<192x2048xf32> to vector<16x2048xf32>
    %bitcast_convert_type3A_77 = tpu.bitcast %slice3A_76 : vector<16x2048xf32> -> vector<16x2048xi32>
    %and3A_78 = arith.constant -65536 : i32
    %and3A_79 = vector.broadcast %and3A_78 : i32 to vector<16x2048xi32>
    %and3A_80 = arith.andi %bitcast_convert_type3A_77, %and3A_79 : vector<16x2048xi32>
    %bitcast_convert_type3A_81 = tpu.bitcast %and3A_80 : vector<16x2048xi32> -> vector<16x2048xf32>
    %shift_left3A_82 = arith.constant 16 : i32
    %shift_left3A_83 = vector.broadcast %shift_left3A_82 : i32 to vector<16x2048xi32>
    %shift_left3A_84 = arith.shli %bitcast_convert_type3A_77, %shift_left3A_83 : vector<16x2048xi32>
    %bitcast_convert_type3A_85 = tpu.bitcast %shift_left3A_84 : vector<16x2048xi32> -> vector<16x2048xf32>
    %concatenate3A_86 = tpu.concatenate %bitcast_convert_type3A_81, %bitcast_convert_type3A_85 in 0 : vector<16x2048xf32>, vector<16x2048xf32> -> vector<32x2048xf32>
    %reshape3A_87 = vector.shape_cast %concatenate3A_86 : vector<32x2048xf32> to vector<32x16x128xf32>
    %get3A_88 = arith.constant 0 : index
    %get3A_89 = arith.constant 160 : index
    %get3A_90 = arith.constant 0 : index
    %get3A_91 = vector.load %arg3[%get3A_88, %get3A_89, %get3A_90] : memref<1x384x128xf32, #tpu.memory_space<vmem>>, vector<1x32x128xf32>
    %get3A_92 = vector.shape_cast %get3A_91 : vector<1x32x128xf32> to vector<32x128xf32>
    %broadcast_in_dim3A_93 = vector.shape_cast %get3A_92 : vector<32x128xf32> to vector<32x1x128xf32>
    %add3A_94 = vector.broadcast %broadcast_in_dim3A_93 : vector<32x1x128xf32> to vector<32x16x128xf32>
    %add3A_95 = arith.addf %reshape3A_87, %add3A_94 : vector<32x16x128xf32>
    %slice3A_96 = vector.extract_strided_slice %transpose3A {offsets = [144, 0], sizes = [16, 2048], strides = [1, 1]} : vector<192x2048xf32> to vector<16x2048xf32>
    %bitcast_convert_type3A_97 = tpu.bitcast %slice3A_96 : vector<16x2048xf32> -> vector<16x2048xi32>
    %and3A_98 = arith.constant -65536 : i32
    %and3A_99 = vector.broadcast %and3A_98 : i32 to vector<16x2048xi32>
    %and3A_100 = arith.andi %bitcast_convert_type3A_97, %and3A_99 : vector<16x2048xi32>
    %bitcast_convert_type3A_101 = tpu.bitcast %and3A_100 : vector<16x2048xi32> -> vector<16x2048xf32>
    %shift_left3A_102 = arith.constant 16 : i32
    %shift_left3A_103 = vector.broadcast %shift_left3A_102 : i32 to vector<16x2048xi32>
    %shift_left3A_104 = arith.shli %bitcast_convert_type3A_97, %shift_left3A_103 : vector<16x2048xi32>
    %bitcast_convert_type3A_105 = tpu.bitcast %shift_left3A_104 : vector<16x2048xi32> -> vector<16x2048xf32>
    %concatenate3A_106 = tpu.concatenate %bitcast_convert_type3A_101, %bitcast_convert_type3A_105 in 0 : vector<16x2048xf32>, vector<16x2048xf32> -> vector<32x2048xf32>
    %reshape3A_107 = vector.shape_cast %concatenate3A_106 : vector<32x2048xf32> to vector<32x16x128xf32>
    %get3A_108 = arith.constant 0 : index
    %get3A_109 = arith.constant 288 : index
    %get3A_110 = arith.constant 0 : index
    %get3A_111 = vector.load %arg3[%get3A_108, %get3A_109, %get3A_110] : memref<1x384x128xf32, #tpu.memory_space<vmem>>, vector<1x32x128xf32>
    %get3A_112 = vector.shape_cast %get3A_111 : vector<1x32x128xf32> to vector<32x128xf32>
    %broadcast_in_dim3A_113 = vector.shape_cast %get3A_112 : vector<32x128xf32> to vector<32x1x128xf32>
    %add3A_114 = vector.broadcast %broadcast_in_dim3A_113 : vector<32x1x128xf32> to vector<32x16x128xf32>
    %add3A_115 = arith.addf %reshape3A_107, %add3A_114 : vector<32x16x128xf32>
    %slice3A_116 = vector.extract_strided_slice %transpose3A {offsets = [32, 0], sizes = [16, 2048], strides = [1, 1]} : vector<192x2048xf32> to vector<16x2048xf32>
    %bitcast_convert_type3A_117 = tpu.bitcast %slice3A_116 : vector<16x2048xf32> -> vector<16x2048xi32>
    %and3A_118 = arith.constant -65536 : i32
    %and3A_119 = vector.broadcast %and3A_118 : i32 to vector<16x2048xi32>
    %and3A_120 = arith.andi %bitcast_convert_type3A_117, %and3A_119 : vector<16x2048xi32>
    %bitcast_convert_type3A_121 = tpu.bitcast %and3A_120 : vector<16x2048xi32> -> vector<16x2048xf32>
    %shift_left3A_122 = arith.constant 16 : i32
    %shift_left3A_123 = vector.broadcast %shift_left3A_122 : i32 to vector<16x2048xi32>
    %shift_left3A_124 = arith.shli %bitcast_convert_type3A_117, %shift_left3A_123 : vector<16x2048xi32>
    %bitcast_convert_type3A_125 = tpu.bitcast %shift_left3A_124 : vector<16x2048xi32> -> vector<16x2048xf32>
    %concatenate3A_126 = tpu.concatenate %bitcast_convert_type3A_121, %bitcast_convert_type3A_125 in 0 : vector<16x2048xf32>, vector<16x2048xf32> -> vector<32x2048xf32>
    %reshape3A_127 = vector.shape_cast %concatenate3A_126 : vector<32x2048xf32> to vector<32x16x128xf32>
    %get3A_128 = arith.constant 0 : index
    %get3A_129 = arith.constant 64 : index
    %get3A_130 = arith.constant 0 : index
    %get3A_131 = vector.load %arg3[%get3A_128, %get3A_129, %get3A_130] : memref<1x384x128xf32, #tpu.memory_space<vmem>>, vector<1x32x128xf32>
    %get3A_132 = vector.shape_cast %get3A_131 : vector<1x32x128xf32> to vector<32x128xf32>
    %broadcast_in_dim3A_133 = vector.shape_cast %get3A_132 : vector<32x128xf32> to vector<32x1x128xf32>
    %add3A_134 = vector.broadcast %broadcast_in_dim3A_133 : vector<32x1x128xf32> to vector<32x16x128xf32>
    %add3A_135 = arith.addf %reshape3A_127, %add3A_134 : vector<32x16x128xf32>
    %slice3A_136 = vector.extract_strided_slice %transpose3A {offsets = [96, 0], sizes = [16, 2048], strides = [1, 1]} : vector<192x2048xf32> to vector<16x2048xf32>
    %bitcast_convert_type3A_137 = tpu.bitcast %slice3A_136 : vector<16x2048xf32> -> vector<16x2048xi32>
    %and3A_138 = arith.constant -65536 : i32
    %and3A_139 = vector.broadcast %and3A_138 : i32 to vector<16x2048xi32>
    %and3A_140 = arith.andi %bitcast_convert_type3A_137, %and3A_139 : vector<16x2048xi32>
    %bitcast_convert_type3A_141 = tpu.bitcast %and3A_140 : vector<16x2048xi32> -> vector<16x2048xf32>
    %shift_left3A_142 = arith.constant 16 : i32
    %shift_left3A_143 = vector.broadcast %shift_left3A_142 : i32 to vector<16x2048xi32>
    %shift_left3A_144 = arith.shli %bitcast_convert_type3A_137, %shift_left3A_143 : vector<16x2048xi32>
    %bitcast_convert_type3A_145 = tpu.bitcast %shift_left3A_144 : vector<16x2048xi32> -> vector<16x2048xf32>
    %concatenate3A_146 = tpu.concatenate %bitcast_convert_type3A_141, %bitcast_convert_type3A_145 in 0 : vector<16x2048xf32>, vector<16x2048xf32> -> vector<32x2048xf32>
    %reshape3A_147 = vector.shape_cast %concatenate3A_146 : vector<32x2048xf32> to vector<32x16x128xf32>
    %get3A_148 = arith.constant 0 : index
    %get3A_149 = arith.constant 192 : index
    %get3A_150 = arith.constant 0 : index
    %get3A_151 = vector.load %arg3[%get3A_148, %get3A_149, %get3A_150] : memref<1x384x128xf32, #tpu.memory_space<vmem>>, vector<1x32x128xf32>
    %get3A_152 = vector.shape_cast %get3A_151 : vector<1x32x128xf32> to vector<32x128xf32>
    %broadcast_in_dim3A_153 = vector.shape_cast %get3A_152 : vector<32x128xf32> to vector<32x1x128xf32>
    %add3A_154 = vector.broadcast %broadcast_in_dim3A_153 : vector<32x1x128xf32> to vector<32x16x128xf32>
    %add3A_155 = arith.addf %reshape3A_147, %add3A_154 : vector<32x16x128xf32>
    %slice3A_156 = vector.extract_strided_slice %transpose3A {offsets = [160, 0], sizes = [16, 2048], strides = [1, 1]} : vector<192x2048xf32> to vector<16x2048xf32>
    %bitcast_convert_type3A_157 = tpu.bitcast %slice3A_156 : vector<16x2048xf32> -> vector<16x2048xi32>
    %and3A_158 = arith.constant -65536 : i32
    %and3A_159 = vector.broadcast %and3A_158 : i32 to vector<16x2048xi32>
    %and3A_160 = arith.andi %bitcast_convert_type3A_157, %and3A_159 : vector<16x2048xi32>
    %bitcast_convert_type3A_161 = tpu.bitcast %and3A_160 : vector<16x2048xi32> -> vector<16x2048xf32>
    %shift_left3A_162 = arith.constant 16 : i32
    %shift_left3A_163 = vector.broadcast %shift_left3A_162 : i32 to vector<16x2048xi32>
    %shift_left3A_164 = arith.shli %bitcast_convert_type3A_157, %shift_left3A_163 : vector<16x2048xi32>
    %bitcast_convert_type3A_165 = tpu.bitcast %shift_left3A_164 : vector<16x2048xi32> -> vector<16x2048xf32>
    %concatenate3A_166 = tpu.concatenate %bitcast_convert_type3A_161, %bitcast_convert_type3A_165 in 0 : vector<16x2048xf32>, vector<16x2048xf32> -> vector<32x2048xf32>
    %reshape3A_167 = vector.shape_cast %concatenate3A_166 : vector<32x2048xf32> to vector<32x16x128xf32>
    %get3A_168 = arith.constant 0 : index
    %get3A_169 = arith.constant 320 : index
    %get3A_170 = arith.constant 0 : index
    %get3A_171 = vector.load %arg3[%get3A_168, %get3A_169, %get3A_170] : memref<1x384x128xf32, #tpu.memory_space<vmem>>, vector<1x32x128xf32>
    %get3A_172 = vector.shape_cast %get3A_171 : vector<1x32x128xf32> to vector<32x128xf32>
    %broadcast_in_dim3A_173 = vector.shape_cast %get3A_172 : vector<32x128xf32> to vector<32x1x128xf32>
    %add3A_174 = vector.broadcast %broadcast_in_dim3A_173 : vector<32x1x128xf32> to vector<32x16x128xf32>
    %add3A_175 = arith.addf %reshape3A_167, %add3A_174 : vector<32x16x128xf32>
    %slice3A_176 = vector.extract_strided_slice %transpose3A {offsets = [48, 0], sizes = [16, 2048], strides = [1, 1]} : vector<192x2048xf32> to vector<16x2048xf32>
    %bitcast_convert_type3A_177 = tpu.bitcast %slice3A_176 : vector<16x2048xf32> -> vector<16x2048xi32>
    %and3A_178 = arith.constant -65536 : i32
    %and3A_179 = vector.broadcast %and3A_178 : i32 to vector<16x2048xi32>
    %and3A_180 = arith.andi %bitcast_convert_type3A_177, %and3A_179 : vector<16x2048xi32>
    %bitcast_convert_type3A_181 = tpu.bitcast %and3A_180 : vector<16x2048xi32> -> vector<16x2048xf32>
    %shift_left3A_182 = arith.constant 16 : i32
    %shift_left3A_183 = vector.broadcast %shift_left3A_182 : i32 to vector<16x2048xi32>
    %shift_left3A_184 = arith.shli %bitcast_convert_type3A_177, %shift_left3A_183 : vector<16x2048xi32>
    %bitcast_convert_type3A_185 = tpu.bitcast %shift_left3A_184 : vector<16x2048xi32> -> vector<16x2048xf32>
    %concatenate3A_186 = tpu.concatenate %bitcast_convert_type3A_181, %bitcast_convert_type3A_185 in 0 : vector<16x2048xf32>, vector<16x2048xf32> -> vector<32x2048xf32>
    %reshape3A_187 = vector.shape_cast %concatenate3A_186 : vector<32x2048xf32> to vector<32x16x128xf32>
    %get3A_188 = arith.constant 0 : index
    %get3A_189 = arith.constant 96 : index
    %get3A_190 = arith.constant 0 : index
    %get3A_191 = vector.load %arg3[%get3A_188, %get3A_189, %get3A_190] : memref<1x384x128xf32, #tpu.memory_space<vmem>>, vector<1x32x128xf32>
    %get3A_192 = vector.shape_cast %get3A_191 : vector<1x32x128xf32> to vector<32x128xf32>
    %broadcast_in_dim3A_193 = vector.shape_cast %get3A_192 : vector<32x128xf32> to vector<32x1x128xf32>
    %add3A_194 = vector.broadcast %broadcast_in_dim3A_193 : vector<32x1x128xf32> to vector<32x16x128xf32>
    %add3A_195 = arith.addf %reshape3A_187, %add3A_194 : vector<32x16x128xf32>
    %slice3A_196 = vector.extract_strided_slice %transpose3A {offsets = [112, 0], sizes = [16, 2048], strides = [1, 1]} : vector<192x2048xf32> to vector<16x2048xf32>
    %bitcast_convert_type3A_197 = tpu.bitcast %slice3A_196 : vector<16x2048xf32> -> vector<16x2048xi32>
    %and3A_198 = arith.constant -65536 : i32
    %and3A_199 = vector.broadcast %and3A_198 : i32 to vector<16x2048xi32>
    %and3A_200 = arith.andi %bitcast_convert_type3A_197, %and3A_199 : vector<16x2048xi32>
    %bitcast_convert_type3A_201 = tpu.bitcast %and3A_200 : vector<16x2048xi32> -> vector<16x2048xf32>
    %shift_left3A_202 = arith.constant 16 : i32
    %shift_left3A_203 = vector.broadcast %shift_left3A_202 : i32 to vector<16x2048xi32>
    %shift_left3A_204 = arith.shli %bitcast_convert_type3A_197, %shift_left3A_203 : vector<16x2048xi32>
    %bitcast_convert_type3A_205 = tpu.bitcast %shift_left3A_204 : vector<16x2048xi32> -> vector<16x2048xf32>
    %concatenate3A_206 = tpu.concatenate %bitcast_convert_type3A_201, %bitcast_convert_type3A_205 in 0 : vector<16x2048xf32>, vector<16x2048xf32> -> vector<32x2048xf32>
    %reshape3A_207 = vector.shape_cast %concatenate3A_206 : vector<32x2048xf32> to vector<32x16x128xf32>
    %get3A_208 = arith.constant 0 : index
    %get3A_209 = arith.constant 224 : index
    %get3A_210 = arith.constant 0 : index
    %get3A_211 = vector.load %arg3[%get3A_208, %get3A_209, %get3A_210] : memref<1x384x128xf32, #tpu.memory_space<vmem>>, vector<1x32x128xf32>
    %get3A_212 = vector.shape_cast %get3A_211 : vector<1x32x128xf32> to vector<32x128xf32>
    %broadcast_in_dim3A_213 = vector.shape_cast %get3A_212 : vector<32x128xf32> to vector<32x1x128xf32>
    %add3A_214 = vector.broadcast %broadcast_in_dim3A_213 : vector<32x1x128xf32> to vector<32x16x128xf32>
    %add3A_215 = arith.addf %reshape3A_207, %add3A_214 : vector<32x16x128xf32>
    %slice3A_216 = vector.extract_strided_slice %transpose3A {offsets = [176, 0], sizes = [16, 2048], strides = [1, 1]} : vector<192x2048xf32> to vector<16x2048xf32>
    %bitcast_convert_type3A_217 = tpu.bitcast %slice3A_216 : vector<16x2048xf32> -> vector<16x2048xi32>
    %and3A_218 = arith.constant -65536 : i32
    %and3A_219 = vector.broadcast %and3A_218 : i32 to vector<16x2048xi32>
    %and3A_220 = arith.andi %bitcast_convert_type3A_217, %and3A_219 : vector<16x2048xi32>
    %bitcast_convert_type3A_221 = tpu.bitcast %and3A_220 : vector<16x2048xi32> -> vector<16x2048xf32>
    %shift_left3A_222 = arith.constant 16 : i32
    %shift_left3A_223 = vector.broadcast %shift_left3A_222 : i32 to vector<16x2048xi32>
    %shift_left3A_224 = arith.shli %bitcast_convert_type3A_217, %shift_left3A_223 : vector<16x2048xi32>
    %bitcast_convert_type3A_225 = tpu.bitcast %shift_left3A_224 : vector<16x2048xi32> -> vector<16x2048xf32>
    %concatenate3A_226 = tpu.concatenate %bitcast_convert_type3A_221, %bitcast_convert_type3A_225 in 0 : vector<16x2048xf32>, vector<16x2048xf32> -> vector<32x2048xf32>
    %reshape3A_227 = vector.shape_cast %concatenate3A_226 : vector<32x2048xf32> to vector<32x16x128xf32>
    %get3A_228 = arith.constant 0 : index
    %get3A_229 = arith.constant 352 : index
    %get3A_230 = arith.constant 0 : index
    %get3A_231 = vector.load %arg3[%get3A_228, %get3A_229, %get3A_230] : memref<1x384x128xf32, #tpu.memory_space<vmem>>, vector<1x32x128xf32>
    %get3A_232 = vector.shape_cast %get3A_231 : vector<1x32x128xf32> to vector<32x128xf32>
    %broadcast_in_dim3A_233 = vector.shape_cast %get3A_232 : vector<32x128xf32> to vector<32x1x128xf32>
    %add3A_234 = vector.broadcast %broadcast_in_dim3A_233 : vector<32x1x128xf32> to vector<32x16x128xf32>
    %add3A_235 = arith.addf %reshape3A_227, %add3A_234 : vector<32x16x128xf32>
    %mul3A = arith.mulf %add3A_15, %add3A_75 : vector<32x16x128xf32>
    %add3A_236 = arith.constant 0.000000e+00 : f32
    %add3A_237 = vector.broadcast %add3A_236 : f32 to vector<32x16x128xf32>
    %add3A_238 = arith.addf %add3A_237, %mul3A : vector<32x16x128xf32>
    %mul3A_239 = arith.mulf %add3A_35, %add3A_95 : vector<32x16x128xf32>
    %add3A_240 = arith.addf %add3A_238, %mul3A_239 : vector<32x16x128xf32>
    %mul3A_241 = arith.mulf %add3A_55, %add3A_115 : vector<32x16x128xf32>
    %add3A_242 = arith.addf %add3A_240, %mul3A_241 : vector<32x16x128xf32>
    %mul3A_243 = arith.mulf %add3A_75, %add3A_75 : vector<32x16x128xf32>
    %add3A_244 = arith.constant 0.000000e+00 : f32
    %add3A_245 = vector.broadcast %add3A_244 : f32 to vector<32x16x128xf32>
    %add3A_246 = arith.addf %add3A_245, %mul3A_243 : vector<32x16x128xf32>
    %mul3A_247 = arith.mulf %add3A_95, %add3A_95 : vector<32x16x128xf32>
    %add3A_248 = arith.addf %add3A_246, %mul3A_247 : vector<32x16x128xf32>
    %mul3A_249 = arith.mulf %add3A_115, %add3A_115 : vector<32x16x128xf32>
    %add3A_250 = arith.addf %add3A_248, %mul3A_249 : vector<32x16x128xf32>
    %lt3A = arith.constant 0.000000e+00 : f32
    %lt3A_251 = vector.broadcast %lt3A : f32 to vector<32x16x128xf32>
    %lt3A_252 = arith.cmpf olt, %add3A_242, %lt3A_251 : vector<32x16x128xf32>
    %mul3A_253 = arith.constant 8.000000e-01 : f32
    %mul3A_254 = vector.broadcast %mul3A_253 : f32 to vector<32x16x128xf32>
    %mul3A_255 = arith.mulf %mul3A_254, %add3A_242 : vector<32x16x128xf32>
    %add3A_256 = arith.constant 9.99999997E-7 : f32
    %add3A_257 = vector.broadcast %add3A_256 : f32 to vector<32x16x128xf32>
    %add3A_258 = arith.addf %add3A_250, %add3A_257 : vector<32x16x128xf32>
    %div3A = arith.divf %mul3A_255, %add3A_258 : vector<32x16x128xf32>
    %jit3A = arith.constant 0.000000e+00 : f32
    %broadcast_in_dim3A_259 = vector.broadcast %jit3A : f32 to vector<32x16x128xf32>
    %select_n3A = arith.select %lt3A_252, %div3A, %broadcast_in_dim3A_259 : vector<32x16x128xi1>, vector<32x16x128xf32>
    %mul3A_260 = arith.mulf %select_n3A, %add3A_75 : vector<32x16x128xf32>
    %sub3A = arith.subf %add3A_15, %mul3A_260 : vector<32x16x128xf32>
    %mul3A_261 = arith.mulf %select_n3A, %add3A_95 : vector<32x16x128xf32>
    %sub3A_262 = arith.subf %add3A_35, %mul3A_261 : vector<32x16x128xf32>
    %mul3A_263 = arith.mulf %select_n3A, %add3A_115 : vector<32x16x128xf32>
    %sub3A_264 = arith.subf %add3A_55, %mul3A_263 : vector<32x16x128xf32>
    %mul3A_265 = arith.mulf %sub3A, %sub3A : vector<32x16x128xf32>
    %add3A_266 = arith.constant 0.000000e+00 : f32
    %add3A_267 = vector.broadcast %add3A_266 : f32 to vector<32x16x128xf32>
    %add3A_268 = arith.addf %add3A_267, %mul3A_265 : vector<32x16x128xf32>
    %mul3A_269 = arith.mulf %sub3A_262, %sub3A_262 : vector<32x16x128xf32>
    %add3A_270 = arith.addf %add3A_268, %mul3A_269 : vector<32x16x128xf32>
    %mul3A_271 = arith.mulf %sub3A_264, %sub3A_264 : vector<32x16x128xf32>
    %add3A_272 = arith.addf %add3A_270, %mul3A_271 : vector<32x16x128xf32>
    %reduce_sum3A = arith.constant dense<0.000000e+00> : vector<16x128xf32>
    %reduce_sum3A_273 = vector.multi_reduction <add>, %add3A_272, %reduce_sum3A [0] : vector<32x16x128xf32> to vector<16x128xf32>
    %broadcast_in_dim3A_274 = vector.shape_cast %reduce_sum3A_273 : vector<16x128xf32> to vector<1x16x128xf32>
    %sqrt3A = math.sqrt %broadcast_in_dim3A_274 : vector<1x16x128xf32>
    %max3A = arith.constant 9.99999996E-13 : f32
    %max3A_275 = vector.broadcast %max3A : f32 to vector<1x16x128xf32>
    %max3A_276 = arith.maximumf %sqrt3A, %max3A_275 : vector<1x16x128xf32>
    %div3A_277 = arith.constant 1.000000e+00 : f32
    %div3A_278 = vector.broadcast %div3A_277 : f32 to vector<1x16x128xf32>
    %div3A_279 = arith.divf %div3A_278, %max3A_276 : vector<1x16x128xf32>
    %ge3A = arith.constant 1.000000e-24 : f32
    %ge3A_280 = vector.broadcast %ge3A : f32 to vector<32x16x128xf32>
    %ge3A_281 = arith.cmpf oge, %add3A_272, %ge3A_280 : vector<32x16x128xf32>
    %sqrt3A_282 = math.sqrt %add3A_272 : vector<32x16x128xf32>
    %mul3A_283 = arith.constant 9.99999995E+11 : f32
    %mul3A_284 = vector.broadcast %mul3A_283 : f32 to vector<1x16x128xf32>
    %mul3A_285 = arith.mulf %mul3A_284, %div3A_279 : vector<1x16x128xf32>
    %mul3A_286 = vector.broadcast %mul3A_285 : vector<1x16x128xf32> to vector<32x16x128xf32>
    %mul3A_287 = arith.mulf %sqrt3A_282, %mul3A_286 : vector<32x16x128xf32>
    %broadcast_in_dim3A_288 = vector.shape_cast %div3A_279 : vector<1x16x128xf32> to vector<1x16x128xf32>
    %broadcast_in_dim3A_289 = vector.broadcast %broadcast_in_dim3A_288 : vector<1x16x128xf32> to vector<32x16x128xf32>
    %select_n3A_290 = arith.select %ge3A_281, %broadcast_in_dim3A_289, %mul3A_287 : vector<32x16x128xi1>, vector<32x16x128xf32>
    %mul3A_291 = arith.mulf %sub3A, %select_n3A_290 : vector<32x16x128xf32>
    %get3A_292 = arith.constant 0 : index
    %get3A_293 = arith.constant 0 : index
    %get3A_294 = arith.constant 0 : index
    %get3A_295 = arith.constant 0 : index
    %get3A_296 = vector.load %arg4[%get3A_292, %get3A_293, %get3A_294, %get3A_295] : memref<1x32x3x128xf32, #tpu.memory_space<vmem>>, vector<1x32x1x128xf32>
    %get3A_297 = vector.shape_cast %get3A_296 : vector<1x32x1x128xf32> to vector<32x128xf32>
    %broadcast_in_dim3A_298 = vector.shape_cast %get3A_297 : vector<32x128xf32> to vector<32x1x128xf32>
    %mul3A_299 = vector.broadcast %broadcast_in_dim3A_298 : vector<32x1x128xf32> to vector<32x16x128xf32>
    %mul3A_300 = arith.mulf %mul3A_291, %mul3A_299 : vector<32x16x128xf32>
    %add3A_301 = arith.constant 0.000000e+00 : f32
    %add3A_302 = vector.broadcast %add3A_301 : f32 to vector<32x16x128xf32>
    %add3A_303 = arith.addf %add3A_302, %mul3A_300 : vector<32x16x128xf32>
    %mul3A_304 = arith.mulf %sub3A_262, %select_n3A_290 : vector<32x16x128xf32>
    %get3A_305 = arith.constant 0 : index
    %get3A_306 = arith.constant 0 : index
    %get3A_307 = arith.constant 1 : index
    %get3A_308 = arith.constant 0 : index
    %get3A_309 = vector.load %arg4[%get3A_305, %get3A_306, %get3A_307, %get3A_308] : memref<1x32x3x128xf32, #tpu.memory_space<vmem>>, vector<1x32x1x128xf32>
    %get3A_310 = vector.shape_cast %get3A_309 : vector<1x32x1x128xf32> to vector<32x128xf32>
    %broadcast_in_dim3A_311 = vector.shape_cast %get3A_310 : vector<32x128xf32> to vector<32x1x128xf32>
    %mul3A_312 = vector.broadcast %broadcast_in_dim3A_311 : vector<32x1x128xf32> to vector<32x16x128xf32>
    %mul3A_313 = arith.mulf %mul3A_304, %mul3A_312 : vector<32x16x128xf32>
    %add3A_314 = arith.addf %add3A_303, %mul3A_313 : vector<32x16x128xf32>
    %mul3A_315 = arith.mulf %sub3A_264, %select_n3A_290 : vector<32x16x128xf32>
    %get3A_316 = arith.constant 0 : index
    %get3A_317 = arith.constant 0 : index
    %get3A_318 = arith.constant 2 : index
    %get3A_319 = arith.constant 0 : index
    %get3A_320 = vector.load %arg4[%get3A_316, %get3A_317, %get3A_318, %get3A_319] : memref<1x32x3x128xf32, #tpu.memory_space<vmem>>, vector<1x32x1x128xf32>
    %get3A_321 = vector.shape_cast %get3A_320 : vector<1x32x1x128xf32> to vector<32x128xf32>
    %broadcast_in_dim3A_322 = vector.shape_cast %get3A_321 : vector<32x128xf32> to vector<32x1x128xf32>
    %mul3A_323 = vector.broadcast %broadcast_in_dim3A_322 : vector<32x1x128xf32> to vector<32x16x128xf32>
    %mul3A_324 = arith.mulf %mul3A_315, %mul3A_323 : vector<32x16x128xf32>
    %add3A_325 = arith.addf %add3A_314, %mul3A_324 : vector<32x16x128xf32>
    %exp3A = math.exp %add3A_325 : vector<32x16x128xf32>
    %reduce_sum3A_326 = arith.constant dense<0.000000e+00> : vector<32x128xf32>
    %reduce_sum3A_327 = vector.multi_reduction <add>, %exp3A, %reduce_sum3A_326 [1] : vector<32x16x128xf32> to vector<32x128xf32>
    %broadcast_in_dim3A_328 = vector.shape_cast %reduce_sum3A_327 : vector<32x128xf32> to vector<32x1x128xf32>
    %div3A_329 = arith.constant 1.000000e+00 : f32
    %div3A_330 = vector.broadcast %div3A_329 : f32 to vector<32x1x128xf32>
    %div3A_331 = arith.divf %div3A_330, %broadcast_in_dim3A_328 : vector<32x1x128xf32>
    %mul3A_332 = vector.broadcast %div3A_331 : vector<32x1x128xf32> to vector<32x16x128xf32>
    %mul3A_333 = arith.mulf %exp3A, %mul3A_332 : vector<32x16x128xf32>
    %mul3A_334 = arith.mulf %add3A_135, %add3A_195 : vector<32x16x128xf32>
    %add3A_335 = arith.constant 0.000000e+00 : f32
    %add3A_336 = vector.broadcast %add3A_335 : f32 to vector<32x16x128xf32>
    %add3A_337 = arith.addf %add3A_336, %mul3A_334 : vector<32x16x128xf32>
    %mul3A_338 = arith.mulf %add3A_155, %add3A_215 : vector<32x16x128xf32>
    %add3A_339 = arith.addf %add3A_337, %mul3A_338 : vector<32x16x128xf32>
    %mul3A_340 = arith.mulf %add3A_175, %add3A_235 : vector<32x16x128xf32>
    %add3A_341 = arith.addf %add3A_339, %mul3A_340 : vector<32x16x128xf32>
    %mul3A_342 = arith.mulf %add3A_195, %add3A_195 : vector<32x16x128xf32>
    %add3A_343 = arith.constant 0.000000e+00 : f32
    %add3A_344 = vector.broadcast %add3A_343 : f32 to vector<32x16x128xf32>
    %add3A_345 = arith.addf %add3A_344, %mul3A_342 : vector<32x16x128xf32>
    %mul3A_346 = arith.mulf %add3A_215, %add3A_215 : vector<32x16x128xf32>
    %add3A_347 = arith.addf %add3A_345, %mul3A_346 : vector<32x16x128xf32>
    %mul3A_348 = arith.mulf %add3A_235, %add3A_235 : vector<32x16x128xf32>
    %add3A_349 = arith.addf %add3A_347, %mul3A_348 : vector<32x16x128xf32>
    %lt3A_350 = arith.constant 0.000000e+00 : f32
    %lt3A_351 = vector.broadcast %lt3A_350 : f32 to vector<32x16x128xf32>
    %lt3A_352 = arith.cmpf olt, %add3A_341, %lt3A_351 : vector<32x16x128xf32>
    %mul3A_353 = arith.constant 8.000000e-01 : f32
    %mul3A_354 = vector.broadcast %mul3A_353 : f32 to vector<32x16x128xf32>
    %mul3A_355 = arith.mulf %mul3A_354, %add3A_341 : vector<32x16x128xf32>
    %add3A_356 = arith.constant 9.99999997E-7 : f32
    %add3A_357 = vector.broadcast %add3A_356 : f32 to vector<32x16x128xf32>
    %add3A_358 = arith.addf %add3A_349, %add3A_357 : vector<32x16x128xf32>
    %div3A_359 = arith.divf %mul3A_355, %add3A_358 : vector<32x16x128xf32>
    %jit3A_360 = arith.constant 0.000000e+00 : f32
    %broadcast_in_dim3A_361 = vector.broadcast %jit3A_360 : f32 to vector<32x16x128xf32>
    %select_n3A_362 = arith.select %lt3A_352, %div3A_359, %broadcast_in_dim3A_361 : vector<32x16x128xi1>, vector<32x16x128xf32>
    %mul3A_363 = arith.mulf %select_n3A_362, %add3A_195 : vector<32x16x128xf32>
    %sub3A_364 = arith.subf %add3A_135, %mul3A_363 : vector<32x16x128xf32>
    %mul3A_365 = arith.mulf %select_n3A_362, %add3A_215 : vector<32x16x128xf32>
    %sub3A_366 = arith.subf %add3A_155, %mul3A_365 : vector<32x16x128xf32>
    %mul3A_367 = arith.mulf %select_n3A_362, %add3A_235 : vector<32x16x128xf32>
    %sub3A_368 = arith.subf %add3A_175, %mul3A_367 : vector<32x16x128xf32>
    %get3A_369 = arith.constant 0 : index
    %get3A_370 = arith.constant 0 : index
    %get3A_371 = arith.constant 0 : index
    %get3A_372 = arith.constant 0 : index
    %get3A_373 = vector.load %arg5[%get3A_369, %get3A_370, %get3A_371, %get3A_372] : memref<1x32x3x128xf32, #tpu.memory_space<vmem>>, vector<1x32x1x128xf32>
    %get3A_374 = vector.shape_cast %get3A_373 : vector<1x32x1x128xf32> to vector<32x128xf32>
    %mul3A_375 = arith.mulf %mul3A_333, %sub3A_364 : vector<32x16x128xf32>
    %reduce_sum3A_376 = arith.constant dense<0.000000e+00> : vector<32x128xf32>
    %reduce_sum3A_377 = vector.multi_reduction <add>, %mul3A_375, %reduce_sum3A_376 [1] : vector<32x16x128xf32> to vector<32x128xf32>
    %add3A_378 = arith.addf %get3A_374, %reduce_sum3A_377 : vector<32x128xf32>
    %swap3A = arith.constant 0 : index
    %swap3A_379 = arith.constant 0 : index
    %swap3A_380 = arith.constant 0 : index
    %swap3A_381 = arith.constant 0 : index
    %swap3A_382 = vector.load %arg6[%swap3A, %swap3A_379, %swap3A_380, %swap3A_381] : memref<1x32x3x128xf32, #tpu.memory_space<vmem>>, vector<1x32x1x128xf32>
    %swap3A_383 = vector.shape_cast %swap3A_382 : vector<1x32x1x128xf32> to vector<32x128xf32>
    %swap3A_384 = vector.shape_cast %add3A_378 : vector<32x128xf32> to vector<1x32x1x128xf32>
    tpu.vector_store %arg6[%swap3A, %swap3A_379, %swap3A_380, %swap3A_381], %swap3A_384 {strides = array<i32>} : memref<1x32x3x128xf32, #tpu.memory_space<vmem>>, vector<1x32x1x128xf32>,
    %get3A_385 = arith.constant 0 : index
    %get3A_386 = arith.constant 0 : index
    %get3A_387 = arith.constant 1 : index
    %get3A_388 = arith.constant 0 : index
    %get3A_389 = vector.load %arg5[%get3A_385, %get3A_386, %get3A_387, %get3A_388] : memref<1x32x3x128xf32, #tpu.memory_space<vmem>>, vector<1x32x1x128xf32>
    %get3A_390 = vector.shape_cast %get3A_389 : vector<1x32x1x128xf32> to vector<32x128xf32>
    %mul3A_391 = arith.mulf %mul3A_333, %sub3A_366 : vector<32x16x128xf32>
    %reduce_sum3A_392 = arith.constant dense<0.000000e+00> : vector<32x128xf32>
    %reduce_sum3A_393 = vector.multi_reduction <add>, %mul3A_391, %reduce_sum3A_392 [1] : vector<32x16x128xf32> to vector<32x128xf32>
    %add3A_394 = arith.addf %get3A_390, %reduce_sum3A_393 : vector<32x128xf32>
    %swap3A_395 = arith.constant 0 : index
    %swap3A_396 = arith.constant 0 : index
    %swap3A_397 = arith.constant 1 : index
    %swap3A_398 = arith.constant 0 : index
    %swap3A_399 = vector.load %arg6[%swap3A_395, %swap3A_396, %swap3A_397, %swap3A_398] : memref<1x32x3x128xf32, #tpu.memory_space<vmem>>, vector<1x32x1x128xf32>
    %swap3A_400 = vector.shape_cast %swap3A_399 : vector<1x32x1x128xf32> to vector<32x128xf32>
    %swap3A_401 = vector.shape_cast %add3A_394 : vector<32x128xf32> to vector<1x32x1x128xf32>
    tpu.vector_store %arg6[%swap3A_395, %swap3A_396, %swap3A_397, %swap3A_398], %swap3A_401 {strides = array<i32>} : memref<1x32x3x128xf32, #tpu.memory_space<vmem>>, vector<1x32x1x128xf32>,
    %get3A_402 = arith.constant 0 : index
    %get3A_403 = arith.constant 0 : index
    %get3A_404 = arith.constant 2 : index
    %get3A_405 = arith.constant 0 : index
    %get3A_406 = vector.load %arg5[%get3A_402, %get3A_403, %get3A_404, %get3A_405] : memref<1x32x3x128xf32, #tpu.memory_space<vmem>>, vector<1x32x1x128xf32>
    %get3A_407 = vector.shape_cast %get3A_406 : vector<1x32x1x128xf32> to vector<32x128xf32>
    %mul3A_408 = arith.mulf %mul3A_333, %sub3A_368 : vector<32x16x128xf32>
    %reduce_sum3A_409 = arith.constant dense<0.000000e+00> : vector<32x128xf32>
    %reduce_sum3A_410 = vector.multi_reduction <add>, %mul3A_408, %reduce_sum3A_409 [1] : vector<32x16x128xf32> to vector<32x128xf32>
    %add3A_411 = arith.addf %get3A_407, %reduce_sum3A_410 : vector<32x128xf32>
    %swap3A_412 = arith.constant 0 : index
    %swap3A_413 = arith.constant 0 : index
    %swap3A_414 = arith.constant 2 : index
    %swap3A_415 = arith.constant 0 : index
    %swap3A_416 = vector.load %arg6[%swap3A_412, %swap3A_413, %swap3A_414, %swap3A_415] : memref<1x32x3x128xf32, #tpu.memory_space<vmem>>, vector<1x32x1x128xf32>
    %swap3A_417 = vector.shape_cast %swap3A_416 : vector<1x32x1x128xf32> to vector<32x128xf32>
    %swap3A_418 = vector.shape_cast %add3A_411 : vector<32x128xf32> to vector<1x32x1x128xf32>
    tpu.vector_store %arg6[%swap3A_412, %swap3A_413, %swap3A_414, %swap3A_415], %swap3A_418 {strides = array<i32>} : memref<1x32x3x128xf32, #tpu.memory_space<vmem>>, vector<1x32x1x128xf32>,
    return
  }
  func.func @transform_0(%arg0: i32, %arg1: i32) -> (i32, i32, i32) {
    %mul3A = arith.constant 32 : i32
    %mul3A_0 = arith.muli %arg0, %mul3A : i32
    %add3A = arith.addi %mul3A_0, %arg1 : i32
    %c0_i32 = arith.constant 0 : i32
    %c0_i32_1 = arith.constant 0 : i32
    %c0_i32_2 = arith.constant 0 : i32
    return %add3A, %c0_i32, %c0_i32_1 : i32, i32, i32
  }
  func.func @transform_1(%arg0: i32, %arg1: i32) -> (i32, i32, i32) {
    %c0_i32 = arith.constant 0 : i32
    %c0_i32_0 = arith.constant 0 : i32
    return %arg0, %c0_i32, %arg1 : i32, i32, i32
  }
  func.func @transform_2(%arg0: i32, %arg1: i32) -> (i32, i32, i32, i32) {
    %c0_i32 = arith.constant 0 : i32
    %c0_i32_0 = arith.constant 0 : i32
    %c0_i32_1 = arith.constant 0 : i32
    return %arg0, %c0_i32, %c0_i32_0, %arg1 : i32, i32, i32, i32
  }
  func.func @transform_3(%arg0: i32, %arg1: i32) -> (i32, i32, i32, i32) {
    %c0_i32 = arith.constant 0 : i32
    %c0_i32_0 = arith.constant 0 : i32
    %c0_i32_1 = arith.constant 0 : i32
    return %arg0, %c0_i32, %c0_i32_0, %arg1 : i32, i32, i32, i32
  }
  func.func @transform_4(%arg0: i32, %arg1: i32) -> (i32, i32, i32, i32) {
    %c0_i32 = arith.constant 0 : i32
    %c0_i32_0 = arith.constant 0 : i32
    %c0_i32_1 = arith.constant 0 : i32
    return %arg0, %c0_i32, %c0_i32_0, %arg1 : i32, i32, i32, i32
  }
}

</mosaic_0001>

<sc_bundles>
// kernel: kernel.12.cloned.1.call-start
scs
__scs_entry_jumppad:
0x0: {  	(pc) =	sbr.rel $0x88, $3  }
0x1: {  	(tag) =	ssettag $0x0;
	lr =	simm.s32 $0x1  }
0x2: {  	[smem:$0x3F99] =	sst lr;
	_ =	strace $0xD0000000  }
0x3: {  	_ = 	snop  }
0x4: {  	_ = 	snop  }
0x5: {  	_ = 	snop  }
0x6: {  	_ = 	snop  }
0x7: {  	_ = 	snop  }
__scs_overlays_trampoline_lowered:
0x8: {  	[smem:$0x3FA8] =	sst s0  }
0x9: {  	[smem:$0x3FA9] =	sst s1  }
0xa: {  	[smem:$0x3FAA] =	sst s2  }
0xb: {  	[smem:$0x3FAB] =	sst s3  }
0xc: {  	[smem:$0x3FAC] =	sst s4  }
0xd: {  	[smem:$0x3FAD] =	sst s5  }
0xe: {  	[smem:$0x3FAE] =	sst s6  }
0xf: {  	[smem:$0x3FAF] =	sst s7  }
0x10: {  	[smem:$0x3FB0] =	sst s8  }
0x11: {  	[smem:$0x3FB1] =	sst s9;
	s0 =	simm.s32 @!p0 $0x0  }
0x12: {  	s1 =	sld [smem:$0x3F97];
	s0 =	simm.s32 @p0 $0x1  }
0x13: {  	[smem:$0x3FB2] =	sst s0;
	s0 =	simm.s32 @!p1 $0x0  }
0x14: {  	s2 =	sld [smem:$0x3F96];
	s0 =	simm.s32 @p1 $0x1  }
0x15: {  	[smem:$0x3FB3] =	sst s0;
	s0 =	simm.s32 @!p2 $0x0  }
0x16: {  	s3 =	sld [smem:$0x3FDB];
	s0 =	simm.s32 @p2 $0x1  }
0x17: {  	s4 =	simm.s32 $0x1BF5;
	[smem:$0x3FB5] =	sst s0  }
0x18: {  	s0 =	sld [smem:$0x3F98];
	_ =	swait.ge [sflag:s4], $0x0  }
0x19: {  	s7 =	sld [smem:$0x3F99]  }
0x1a: {  	s8 =	sadd.s32 $0xFFFFE003, lr  }
0x1b: {  	s9 =	sadd.s32 $0xFFFFFEF7, lr;
	s5 =	simm.s32 $0xFFFFFFFF;
	p2 =	slt.u32 s8, $0xFFFFF086  }
0x1c: {  	p1 =	slt.u32 s9, $0xF7A;
	s5 =	simm.s32 @!p2 $0x0  }
0x1d: {  	s5 =	simm.s32 @p1 $0x1;
	p0 =	seq.s32 s7, s2  }
0x1e: {  	s7 =	smul.u32 @!p0 $0xF7A, s2;
	p2 =	seq.s32 @!p0 s5, $0x0  }
0x1f: {  	s9 =	smul.u32 $0xF7A, s1;
	s8 =	simm.s32 @!p0 $0x1BF5;
	p2 =	por !p2, p0  }
0x20: {  	[sflag:s8] =	ssyncset.s32 @!p0 $0xFFFFF086;
	s6 =	sadd.s32 @!p0 s3, s7;
	s7 =	simm.s32 @!p0 $0x108  }
0x21: {  	s3 =	sadd.s32 s3, s9;
	s6 =	sadd.s32 @!p0 $0x88, s6;
	s7 =	simm.s32 @p2 $0x1082  }
0x22: {  	[simem:s7], [sflag:s8] =	dma.local @!p0 [hbm:s6], $0xF7A  }
0x23: {  	s9 =	sor.u32 $0xD0000000, s2;
	s6 =	simm.s32 $0x108;
	_ =	swait.ge @!p0 [sflag:s8], $0x0  }
0x24: {  	s3 =	sadd.s32 $0x88, s3;
	s6 =	simm.s32 @!p1 $0x1082;
	[sflag:s4] =	ssyncset.s32 $0xFFFFF086  }
0x25: {  	[simem:s6], [sflag:s4] =	dma.local [hbm:s3], $0xF7A  }
0x26: {  	[smem:$0x3F99] =	sst s1;
	(tag) =	ssettag s2;
	_ =	strace s9  }
0x27: {  	s1 =	sld [smem:$0x3FA9]  }
0x28: {  	s2 =	sld [smem:$0x3FAA]  }
0x29: {  	s4 =	sld [smem:$0x3FAC]  }
0x2a: {  	p0 =	seq.s32 s5, $0x0;
	s5 =	sld [smem:$0x3FAD]  }
0x2b: {  	s6 =	sld [smem:$0x3FAE]  }
0x2c: {  	s7 =	sld [smem:$0x3FAF]  }
0x2d: {  	s3 =	simm.s32 $0x108;
	s8 =	sld [smem:$0x3FB0]  }
0x2e: {  	s3 =	simm.s32 @!p0 $0x1082;
	s9 =	sld [smem:$0x3FB1]  }
0x2f: {  	lr =	sadd.s32 s0, s3;
	s0 =	sld [smem:$0x3FA8]  }
0x30: {  	s3 =	sld [smem:$0x3FAB]  }
0x31: {  	[smem:$0x3FB4] =	sst s10  }
0x32: {  	s10 =	sld [smem:$0x3FB2];
	_ =	sdelay $0x3  }
0x33: {  	p0 =	seq.s32 s10, $0x1;
	s10 =	sld [smem:$0x3FB4];
	_ =	sdelay $0x3  }
0x34: {  	[smem:$0x3FB4] =	sst s10  }
0x35: {  	s10 =	sld [smem:$0x3FB3];
	_ =	sdelay $0x3  }
0x36: {  	p1 =	seq.s32 s10, $0x1;
	s10 =	sld [smem:$0x3FB4];
	_ =	sdelay $0x3  }
0x37: {  	[smem:$0x3FB4] =	sst s10  }
0x38: {  	s10 =	sld [smem:$0x3FB5]  }
0x39: {  	_ = 	snop;
	(pc) =	sbr.ind lr, $3  }
0x3a: {  	_ = 	snop  }
0x3b: {  	_ = 	snop  }
0x3c: {  	p2 =	seq.s32 s10, $0x1;
	s10 =	sld [smem:$0x3FB4]  }
0x3d: {  	_ =	shalt  }
0x3e: {  	_ =	shalt  }
0x3f: {  	_ =	shalt  }
0x40: {  	_ =	shalt  }
0x41: {  	_ =	shalt  }
0x42: {  	_ =	shalt  }
0x43: {  	_ =	shalt  }
0x44: {  	_ =	shalt  }
0x45: {  	_ =	shalt  }
0x46: {  	_ =	shalt  }
0x47: {  	_ =	shalt  }
0x48: {  	_ =	shalt  }
0x49: {  	_ =	shalt  }
0x4a: {  	_ =	shalt  }
0x4b: {  	_ =	shalt  }
0x4c: {  	_ =	shalt  }
0x4d: {  	_ =	shalt  }
0x4e: {  	_ =	shalt  }
0x4f: {  	_ =	shalt  }
0x50: {  	_ =	shalt  }
0x51: {  	_ =	shalt  }
0x52: {  	_ =	shalt  }
0x53: {  	_ =	shalt  }
0x54: {  	_ =	shalt  }
0x55: {  	_ =	shalt  }
0x56: {  	_ =	shalt  }
0x57: {  	_ =	shalt  }
0x58: {  	_ =	shalt  }
0x59: {  	_ =	shalt  }
0x5a: {  	_ =	shalt  }
0x5b: {  	_ =	shalt  }
0x5c: {  	_ =	shalt  }
0x5d: {  	_ =	shalt  }
0x5e: {  	_ =	shalt  }
0x5f: {  	_ =	shalt  }
0x60: {  	_ =	shalt  }
0x61: {  	_ =	shalt  }
0x62: {  	_ =	shalt  }
0x63: {  	_ =	shalt  }
0x64: {  	_ =	shalt  }
0x65: {  	_ =	shalt  }
0x66: {  	_ =	shalt  }
0x67: {  	_ =	shalt  }
0x68: {  	_ =	shalt  }
0x69: {  	_ =	shalt  }
0x6a: {  	_ =	shalt  }
0x6b: {  	_ =	shalt  }
0x6c: {  	_ =	shalt  }
0x6d: {  	_ =	shalt  }
0x6e: {  	_ =	shalt  }
0x6f: {  	_ =	shalt  }
0x70: {  	_ =	shalt  }
0x71: {  	_ =	shalt  }
0x72: {  	_ =	shalt  }
0x73: {  	_ =	shalt  }
0x74: {  	_ =	shalt  }
0x75: {  	_ =	shalt  }
0x76: {  	_ =	shalt  }
0x77: {  	_ =	shalt  }
0x78: {  	_ =	shalt  }
0x79: {  	_ =	shalt  }
0x7a: {  	_ =	shalt  }
0x7b: {  	_ =	shalt  }
0x7c: {  	_ =	shalt  }
0x7d: {  	_ =	shalt  }
0x7e: {  	_ =	shalt  }
0x7f: {  	_ =	shalt  }
0x80: {  	_ =	shalt  }
0x81: {  	_ =	shalt  }
0x82: {  	_ =	shalt  }
0x83: {  	_ =	shalt  }
0x84: {  	_ =	shalt  }
0x85: {  	_ =	shalt  }
0x86: {  	_ =	shalt  }
0x87: {  	_ =	shalt  }
.Lfunc_end0:
.L_simem_size_0:
called_computation.1_lowered:
.L_overlay_start_0:
0x88: {  	s2 =	sld [smem:$0x3FD9]  }
0x89: {  	s3 =	sld [smem:$0x3FFE];
	_ =	sdelay $0x1  }
0x8a: {  	s1 =	srdreg.scid  }
0x8b: {  	s0 =	sand.u32 $0x1, s1  }
0x8c: {  	s17 =	sshll.u32 s0, $0xA;
	s2 =	sadd.s32 s3, s2  }
0x8d: {  	s2 =	sadd.s32 s2, s17  }
0x8e: {  	[smem:$0x3FC0] =	sst s2  }
0x8f: {  	_ = 	snop  }
0x90: {  	s18 =	sld [smem:$0x3FD0];
	(tm) =	ssettm $0x1  }
0x91: {  	s19 =	sld [smem:$0x3FFB];
	_ =	sdelay $0x3  }
0x92: {  	_ =	strace s19  }
0x93: {  	s2 =	sld [smem:$0x3FFC];
	_ =	sdelay $0x3  }
0x94: {  	_ =	strace s2  }
0x95: {  	s2 =	sld [smem:$0x3FFD];
	_ =	sdelay $0x3  }
0x96: {  	_ =	strace s2  }
0x97: {  	_ =	strace $0x8FFFFFFF  }
0x98: {  	s20 =	sld [smem:$0x3FDB];
	_ =	sdelay $0x1  }
0x99: {  	s4 =	simm.s32 $_scs_section_size  }
0x9a: {  	s5 =	simm.s32 $_size__tile_overlayer_lowered;
	s6 =	simm.s32 $_tile_overlayer_lowered  }
0x9b: {  	s7 =	simm.s32 $0x1BFF;
	s21 =	sshll.u32 s6, $0x1;
	s4 =	sadd.s32 s4, s20  }
0x9c: {  	s22 =	simm.s32 $0x0;
	s5 =	sshll.u32 s5, $0x1;
	s6 =	sadd.s32 s21, s4  }
0x9d: {  	[timem:s22], [sflag:s7] =	dma.local [hbm:s6], s5  }
0x9e: {  	_ =	swait.ge [sflag:s7], s5  }
0x9f: {  	s5 =	ssub.s32 $0x0, s5;
	[sflag:s7] =	ssyncset.done $0x0  }
0xa0: {  	[sflag:s7] =	ssyncadd.s32 s5;
	_ =	sdelay $0x1  }
0xa1: {  	s23 =	simm.s32 $0x1B8B  }
0xa2: {  	_ =	swait.ge [sflag:s23], $0x1  }
0xa3: {  	[sflag:s23] =	ssyncset.done $0x0  }
0xa4: {  	[sflag:s23] =	ssyncadd.s32 $0xFFFFFFFF  }
0xa5: {  	s5 =	sld [smem:$0x0]  }
0xa6: {  	s6 =	sand.u32 $0xFFFFFFFE, s1  }
0xa7: {  	p0 =	sne.s32 s1, s6  }
0xa8: {  	s6 =	sshll.u32 @p0 s6, $0xE  }
0xa9: {  	s6 =	sadd.s32 @p0 $0x11B8D, s6;
	s7 =	sshll.u32 @p0 s5, $0x11  }
0xaa: {  	s6 =	sor.u32 @p0 s7, s6  }
0xab: {  	[sflag:s6] =	ssyncadd.remote.s32 @p0 $0x1;
	_ =	sdelay $0x1  }
0xac: {  	s6 =	simm.s32 @p0 $0x1B8D  }
0xad: {  	_ =	swait.eq @p0 [sflag:s6], $0x1  }
0xae: {  	[sflag:s6] =	ssyncadd.s32 @p0 $0xFFFFFFFF  }
0xaf: {  	s7 =	sshll.u32 @!p0 s1, $0xE  }
0xb0: {  	s7 =	sor.u32 @!p0 $0x4000, s7;
	s6 =	simm.s32 @!p0 $0x1B8D  }
0xb1: {  	s5 =	sshll.u32 @!p0 s5, $0x11;
	s7 =	sadd.s32 @!p0 $0x11B8D, s7;
	_ =	swait.eq @!p0 [sflag:s6], $0x1  }
0xb2: {  	s5 =	sor.u32 @!p0 s5, s7;
	[sflag:s6] =	ssyncadd.s32 @!p0 $0xFFFFFFFF  }
0xb3: {  	s25 =	simm.s32 $0x1B8E;
	s24 =	sld [smem:$0x3FFE];
	[sflag:s5] =	ssyncadd.remote.s32 @!p0 $0x1  }
0xb4: {  	s26 =	simm.s32 $execute0_lowered;
	[smem:$0x3FD2] =	sst s25  }
0xb5: {  	s6 =	sshll.u32 s26, $0x1;
	_ =	strace $0x80000049;
	[dreg:$0x1] =	wrdreg $0xFFFFFFFF  }
0xb6: {  	s28 =	simm.s32 $_size_execute0_lowered;
	s4 =	sadd.s32 s4, s6;
	[dreg:$0x0] =	wrdreg $0x0  }
0xb7: {  	s6 =	sshll.u32 s28, $0x1;
	[dreg:$0x2] =	wrdreg s4  }
0xb8: {  	[dreg:$0x3] =	wrdreg s6  }
0xb9: {  	[dreg:$0x4] =	wrdreg $0xC0  }
0xba: {  	_ =	task [dreg:s22], $0x5FFFF  }
0xbb: {  	[dreg:$0x1] =	wrdreg $0xFFFFFFFF  }
0xbc: {  	[dreg:$0x0] =	wrdreg $0x60  }
0xbd: {  	[dreg:$0x2] =	wrdreg s24  }
0xbe: {  	[dreg:$0x3] =	wrdreg s18  }
0xbf: {  	[dreg:$0x4] =	wrdreg $0xA  }
0xc0: {  	_ =	task.clear_ibuf [dreg:s22], $0x5FFFF;
	_ =	strace $0x90000049  }
0xc1: {  	s29 =	simm.s32 $0xA;
	_ =	strace $0x8000004B  }
0xc2: {  	_ =	swait.ge [sflag:s29], $0x1  }
0xc3: {  	[sflag:s29] =	ssyncadd.s32 $0xFFFFFFFF  }
0xc4: {  	_ =	strace $0x9000004B  }
0xc5: {  	_ =	sfence  }
0xc6: {  	s30 =	sld [smem:$0x0];
	_ =	sdelay $0x2  }
0xc7: {  	s31 =	sshll.u32 s1, $0xD;
	s1 =	sshrl.u32 s1, $0x2  }
0xc8: {  	s4 =	sand.u32 $0x4000, s31;
	s1 =	sadd.s32 s1, s30  }
0xc9: {  	s0 =	sor.u32 s4, s0;
	s1 =	sshll.u32 s1, $0x11  }
0xca: {  	s0 =	sor.u32 s1, s0  }
0xcb: {  	s0 =	sadd.s32 $0x8F2B, s0  }
0xcc: {  	[sflag:s0] =	ssyncadd.remote.s32 $0x1  }
0xcd: {  	_ =	sfence.sel $0xFFFF  }
0xce: {  	[dreg:$0x0] =	wrdreg $0xFFFFFFFF;
	(pc) =	sbr.abs _section_cstart, $3  }
0xcf: {  	[dreg:$0x1] =	wrdreg $0xFFFFFFFF  }
0xd0: {  	_ =	task.clear_ibuf [dreg:s22], $0x2FFFF;
	_ =	strace $0x9FFFFFFF  }
0xd1: {  	(tm) =	ssettm $0x7FFFFFFF  }
tec
execute0_lowered:
.L_overlay_start_1:
0x0: {  	(tag) =	ssettag $0x1  }
0x1: {  	s0 =	rddreg [dreg:$0x0]  }
0x2: {  	s4 =	rddreg [dreg:$0x1];
	s1 =	stileid.u32  }
0x3: {  	s2 =	srdreg.scid;
	s13 =	simm.s32 $0x1000;
	s14 =	simm.s32 $0x1800  }
0x4: {  	s15 =	simm.s32 $0x2000;
	s17 =	simm.s32 $0x2800;
	s18 =	simm.s32 $0x3000  }
0x5: {  	s19 =	simm.s32 $0x3800;
	s5 =	sand.u32 $0x1, s2;
	s2 =	simm.s32 $0x0  }
0x6: {  	s21 =	simm.s32 $0x4000;
	s22 =	simm.s32 $0x4800;
	[smem:$0x7FF] =	sst s2  }
0x7: {  	s23 =	simm.s32 $0x5000;
	_ =	strace $0x8000004A;
	[dreg:$0x4] =	wrdreg s13  }
0x8: {  	s25 =	simm.s32 $0x5800;
	s26 =	simm.s32 $0x6000;
	[dreg:$0x5] =	wrdreg s14  }
0x9: {  	s31 =	simm.s32 $0x6800;
	s8 =	simm.s32 $0x7000;
	[dreg:$0x6] =	wrdreg s15  }
0xa: {  	s9 =	simm.s32 $0x7800;
	s10 =	simm.s32 $0x8000;
	[dreg:$0x7] =	wrdreg s17  }
0xb: {  	s11 =	simm.s32 $0x8800;
	s12 =	simm.s32 $0x9000;
	[dreg:$0x8] =	wrdreg s18  }
0xc: {  	s28 =	simm.s32 $0x1;
	s29 =	simm.s32 $0x2;
	[dreg:$0x9] =	wrdreg s19  }
0xd: {  	s30 =	simm.s32 $0x0;
	s3 =	sshll.u32 s1, $0x11;
	[dreg:$0xa] =	wrdreg s21  }
0xe: {  	s20 =	sshll.u32 s1, $0x9;
	s3 =	sadd.s32 s3, s0;
	[dreg:$0xb] =	wrdreg s22  }
0xf: {  	s6 =	sshll.u32 s5, $0x10;
	s16 =	ssub.s32 $0x2, s5;
	[dreg:$0xc] =	wrdreg s23  }
0x10: {  	s5 =	sshll.u32 s5, $0x8;
	s3 =	sadd.s32 s6, s3;
	[dreg:$0xd] =	wrdreg s25  }
0x11: {  	s7 =	sshrl.u32 s16, $0x1;
	s5 =	sor.u32 s5, s20;
	[dreg:$0xe] =	wrdreg s26  }
0x12: {  	[dreg:$0xf] =	wrdreg s31;
	s13 =	simm.s32 $0x9800;
	s14 =	simm.s32 $0xA000  }
0x13: {  	s15 =	simm.s32 $0xA800;
	s17 =	simm.s32 $0xB800;
	s18 =	simm.s32 $0xC000  }
0x14: {  	s19 =	simm.s32 $0xC800;
	s20 =	simm.s32 $0xD000;
	s21 =	simm.s32 $0xD800  }
0x15: {  	s22 =	simm.s32 $0xE000;
	s23 =	simm.s32 $0xE800;
	s25 =	simm.s32 $0xF800  }
0x16: {  	s26 =	simm.s32 $0x10000;
	s3 =	sadd.s32 $0x2E4C00, s3;
	s6 =	ssub.s32 s16, s7  }
0x17: {  	v2 =	vlaneseq.u32;
	s24 =	sadd.s32 s4, s5;
	s7 =	simm.s32 $0x800;
	[dreg:$0x3] =	wrdreg s3  }
0x18: {  	vm0 =	vmmov $0xffff;
	v1 =	vshrl.u32 v2, $0x3;
	s16 =	simm.s32 $0xB000;
	s3 =	sadd.s32 $0xC4C00, s0;
	[dreg:$0x10] =	wrdreg s24  }
0x19: {  	v0 =	vand.u32 $0x7, v2;
	v2 =	vor.u32 $0x8, v2;
	v1 =	vmul.u32 $0x8, v1;
	s5 =	smax.u32 s6, $0x1;
	s6 =	simm.s32 $0x3;
	s24 =	simm.s32 $0xF000  }
.LBB2_1:
0x1a: {  	s0 =	rddreg [dreg:$0x10]  }
0x1b: {  	[tilespmem:s2], [sflag:$0x3] =	stream.linear.gather [hbm4b:s0+s2], $0x800, $0x38;
	[tilespmem:$0x10800] =	vst v63  }
0x1c: {  	_ =	swait.ge [sflag:s6], $0x800  }
0x1d: {  	[sflag:s6] =	ssyncset.done $0x0  }
0x1e: {  	s31 =	simm.s32 $0x80;
	s0 =	simm.s32 $0x0;
	[sflag:s6] =	ssyncadd.s32 $0xFFFFF800  }
.LBB2_2:
0x1f: {  	v3 =	vld [tilespmem:s31+$0xFFFFFF80];
	_ =	sdelay $0x4  }
0x20: {  	v4 =	vshll.u32 v3, $0x1  }
0x21: {  	v3 =	vand.u32 $0x7, v3;
	v4 =	vand.u32 $0xFFFFFFF0, v4  }
0x22: {  	v3 =	vor.u32 v3, v4  }
0x23: {  	v4 =	vperm.xlane v3, v0;
	_ =	sdelay $0x1  }
0x24: {  	v3 =	vperm.xlane v3, v2;
	v4 =	vadd.s32 v1, v4;
	_ =	sdelay $0x1  }
0x25: {  	v3 =	vadd.s32 v1, v3;
	_ =	sdelay $0x2  }
0x26: {  	[tilespmem:s7], [sflag:$0x1] =	stream.indirect_vreg.gather [hbm4b:s3+s2], $0x80, v4, vm0, $0xb8;
	[tilespmem:$0x10800] =	vst v63  }
0x27: {  	s1 =	rddreg [dreg:$0x4]  }
0x28: {  	[tilespmem:s1], [sflag:$0x1] =	stream.indirect_vreg.gather [hbm4b:s3+s2], $0x80, v3, vm0, $0xb8;
	[tilespmem:$0x10800] =	vst v63  }
0x29: {  	v3 =	vld [tilespmem:s31+$0xFFFFFF90];
	_ =	sdelay $0x4  }
0x2a: {  	v49 =	vshll.u32 v3, $0x1  }
0x2b: {  	v3 =	vand.u32 $0x7, v3;
	v4 =	vand.u32 $0xFFFFFFF0, v49  }
0x2c: {  	v3 =	vor.u32 v3, v4  }
0x2d: {  	v4 =	vperm.xlane v3, v0;
	_ =	sdelay $0x1  }
0x2e: {  	v3 =	vperm.xlane v3, v2;
	v4 =	vadd.s32 v1, v4;
	_ =	sdelay $0x1  }
0x2f: {  	v3 =	vadd.s32 v1, v3;
	_ =	sdelay $0x1  }
0x30: {  	s1 =	rddreg [dreg:$0x5]  }
0x31: {  	[tilespmem:s1], [sflag:$0x1] =	stream.indirect_vreg.gather [hbm4b:s3+s2], $0x80, v4, vm0, $0xb8;
	[tilespmem:$0x10800] =	vst v63  }
0x32: {  	s4 =	rddreg [dreg:$0x6]  }
0x33: {  	[tilespmem:s4], [sflag:$0x1] =	stream.indirect_vreg.gather [hbm4b:s3+s2], $0x80, v3, vm0, $0xb8;
	[tilespmem:$0x10800] =	vst v63  }
0x34: {  	v3 =	vld [tilespmem:s31+$0xFFFFFFA0];
	_ =	sdelay $0x4  }
0x35: {  	v50 =	vshll.u32 v3, $0x1  }
0x36: {  	v3 =	vand.u32 $0x7, v3;
	v4 =	vand.u32 $0xFFFFFFF0, v50  }
0x37: {  	v3 =	vor.u32 v3, v4  }
0x38: {  	v4 =	vperm.xlane v3, v0;
	_ =	sdelay $0x1  }
0x39: {  	v3 =	vperm.xlane v3, v2;
	v4 =	vadd.s32 v1, v4;
	_ =	sdelay $0x1  }
0x3a: {  	v3 =	vadd.s32 v1, v3;
	_ =	sdelay $0x1  }
0x3b: {  	s1 =	rddreg [dreg:$0x7]  }
0x3c: {  	[tilespmem:s1], [sflag:$0x1] =	stream.indirect_vreg.gather [hbm4b:s3+s2], $0x80, v4, vm0, $0xb8;
	[tilespmem:$0x10800] =	vst v63  }
0x3d: {  	s4 =	rddreg [dreg:$0x8]  }
0x3e: {  	[tilespmem:s4], [sflag:$0x1] =	stream.indirect_vreg.gather [hbm4b:s3+s2], $0x80, v3, vm0, $0xb8;
	[tilespmem:$0x10800] =	vst v63  }
0x3f: {  	v3 =	vld [tilespmem:s31+$0xFFFFFFB0];
	_ =	sdelay $0x4  }
0x40: {  	v51 =	vshll.u32 v3, $0x1  }
0x41: {  	v3 =	vand.u32 $0x7, v3;
	v4 =	vand.u32 $0xFFFFFFF0, v51  }
0x42: {  	v3 =	vor.u32 v3, v4  }
0x43: {  	v4 =	vperm.xlane v3, v0;
	_ =	sdelay $0x1  }
0x44: {  	v3 =	vperm.xlane v3, v2;
	v4 =	vadd.s32 v1, v4;
	_ =	sdelay $0x1  }
0x45: {  	v3 =	vadd.s32 v1, v3;
	_ =	sdelay $0x1  }
0x46: {  	s1 =	rddreg [dreg:$0x9]  }
0x47: {  	[tilespmem:s1], [sflag:$0x1] =	stream.indirect_vreg.gather [hbm4b:s3+s2], $0x80, v4, vm0, $0xb8;
	[tilespmem:$0x10800] =	vst v63  }
0x48: {  	s4 =	rddreg [dreg:$0xa]  }
0x49: {  	[tilespmem:s4], [sflag:$0x1] =	stream.indirect_vreg.gather [hbm4b:s3+s2], $0x80, v3, vm0, $0xb8;
	[tilespmem:$0x10800] =	vst v63  }
0x4a: {  	v3 =	vld [tilespmem:s31+$0xFFFFFFC0];
	_ =	sdelay $0x4  }
0x4b: {  	v52 =	vshll.u32 v3, $0x1  }
0x4c: {  	v3 =	vand.u32 $0x7, v3;
	v4 =	vand.u32 $0xFFFFFFF0, v52  }
0x4d: {  	v3 =	vor.u32 v3, v4  }
0x4e: {  	v4 =	vperm.xlane v3, v0;
	_ =	sdelay $0x1  }
0x4f: {  	v3 =	vperm.xlane v3, v2;
	v4 =	vadd.s32 v1, v4;
	_ =	sdelay $0x1  }
0x50: {  	v3 =	vadd.s32 v1, v3;
	_ =	sdelay $0x1  }
0x51: {  	s1 =	rddreg [dreg:$0xb]  }
0x52: {  	[tilespmem:s1], [sflag:$0x1] =	stream.indirect_vreg.gather [hbm4b:s3+s2], $0x80, v4, vm0, $0xb8;
	[tilespmem:$0x10800] =	vst v63  }
0x53: {  	s4 =	rddreg [dreg:$0xc]  }
0x54: {  	[tilespmem:s4], [sflag:$0x1] =	stream.indirect_vreg.gather [hbm4b:s3+s2], $0x80, v3, vm0, $0xb8;
	[tilespmem:$0x10800] =	vst v63  }
0x55: {  	v3 =	vld [tilespmem:s31+$0xFFFFFFD0];
	_ =	sdelay $0x4  }
0x56: {  	v53 =	vshll.u32 v3, $0x1  }
0x57: {  	v3 =	vand.u32 $0x7, v3;
	v4 =	vand.u32 $0xFFFFFFF0, v53  }
0x58: {  	v3 =	vor.u32 v3, v4  }
0x59: {  	v4 =	vperm.xlane v3, v0;
	_ =	sdelay $0x1  }
0x5a: {  	v3 =	vperm.xlane v3, v2;
	v4 =	vadd.s32 v1, v4;
	_ =	sdelay $0x1  }
0x5b: {  	v3 =	vadd.s32 v1, v3;
	_ =	sdelay $0x1  }
0x5c: {  	s1 =	rddreg [dreg:$0xd]  }
0x5d: {  	[tilespmem:s1], [sflag:$0x1] =	stream.indirect_vreg.gather [hbm4b:s3+s2], $0x80, v4, vm0, $0xb8;
	[tilespmem:$0x10800] =	vst v63  }
0x5e: {  	s4 =	rddreg [dreg:$0xe]  }
0x5f: {  	[tilespmem:s4], [sflag:$0x1] =	stream.indirect_vreg.gather [hbm4b:s3+s2], $0x80, v3, vm0, $0xb8;
	[tilespmem:$0x10800] =	vst v63  }
0x60: {  	v3 =	vld [tilespmem:s31+$0xFFFFFFE0];
	_ =	sdelay $0x4  }
0x61: {  	v54 =	vshll.u32 v3, $0x1  }
0x62: {  	v3 =	vand.u32 $0x7, v3;
	v4 =	vand.u32 $0xFFFFFFF0, v54  }
0x63: {  	v3 =	vor.u32 v3, v4  }
0x64: {  	v4 =	vperm.xlane v3, v0;
	_ =	sdelay $0x1  }
0x65: {  	v3 =	vperm.xlane v3, v2;
	v4 =	vadd.s32 v1, v4;
	_ =	sdelay $0x1  }
0x66: {  	v3 =	vadd.s32 v1, v3;
	_ =	sdelay $0x1  }
0x67: {  	s4 =	rddreg [dreg:$0xf]  }
0x68: {  	[tilespmem:s4], [sflag:$0x1] =	stream.indirect_vreg.gather [hbm4b:s3+s2], $0x80, v4, vm0, $0xb8;
	[tilespmem:$0x10800] =	vst v63  }
0x69: {  	_ = 	snop  }
0x6a: {  	[tilespmem:s8], [sflag:$0x1] =	stream.indirect_vreg.gather [hbm4b:s3+s2], $0x80, v3, vm0, $0xb8;
	[tilespmem:$0x10800] =	vst v63  }
0x6b: {  	v3 =	vld [tilespmem:s31+$0xFFFFFFF0];
	_ =	sdelay $0x4  }
0x6c: {  	v55 =	vshll.u32 v3, $0x1  }
0x6d: {  	v3 =	vand.u32 $0x7, v3;
	v4 =	vand.u32 $0xFFFFFFF0, v55  }
0x6e: {  	v3 =	vor.u32 v3, v4  }
0x6f: {  	v4 =	vperm.xlane v3, v0;
	_ =	sdelay $0x1  }
0x70: {  	v3 =	vperm.xlane v3, v2;
	v4 =	vadd.s32 v1, v4;
	_ =	sdelay $0x1  }
0x71: {  	v3 =	vadd.s32 v1, v3;
	_ =	sdelay $0x2  }
0x72: {  	[tilespmem:s9], [sflag:$0x1] =	stream.indirect_vreg.gather [hbm4b:s3+s2], $0x80, v4, vm0, $0xb8;
	[tilespmem:$0x10800] =	vst v63  }
0x73: {  	_ = 	snop  }
0x74: {  	[tilespmem:s10], [sflag:$0x1] =	stream.indirect_vreg.gather [hbm4b:s3+s2], $0x80, v3, vm0, $0xb8;
	[tilespmem:$0x10800] =	vst v63  }
0x75: {  	v3 =	vld [tilespmem:s31+$0x0];
	_ =	sdelay $0x4  }
0x76: {  	v56 =	vshll.u32 v3, $0x1  }
0x77: {  	v3 =	vand.u32 $0x7, v3;
	v4 =	vand.u32 $0xFFFFFFF0, v56  }
0x78: {  	v3 =	vor.u32 v3, v4  }
0x79: {  	v4 =	vperm.xlane v3, v0;
	_ =	sdelay $0x1  }
0x7a: {  	v3 =	vperm.xlane v3, v2;
	v4 =	vadd.s32 v1, v4;
	_ =	sdelay $0x1  }
0x7b: {  	v3 =	vadd.s32 v1, v3;
	_ =	sdelay $0x2  }
0x7c: {  	[tilespmem:s11], [sflag:$0x2] =	stream.indirect_vreg.gather [hbm4b:s3+s2], $0x80, v4, vm0, $0xb8;
	[tilespmem:$0x10800] =	vst v63  }
0x7d: {  	_ = 	snop  }
0x7e: {  	[tilespmem:s12], [sflag:$0x2] =	stream.indirect_vreg.gather [hbm4b:s3+s2], $0x80, v3, vm0, $0xb8;
	[tilespmem:$0x10800] =	vst v63  }
0x7f: {  	v3 =	vld [tilespmem:s31+$0x10];
	_ =	sdelay $0x4  }
0x80: {  	v57 =	vshll.u32 v3, $0x1  }
0x81: {  	v3 =	vand.u32 $0x7, v3;
	v4 =	vand.u32 $0xFFFFFFF0, v57  }
0x82: {  	v3 =	vor.u32 v3, v4  }
0x83: {  	v4 =	vperm.xlane v3, v0;
	_ =	sdelay $0x1  }
0x84: {  	v3 =	vperm.xlane v3, v2;
	v4 =	vadd.s32 v1, v4;
	_ =	sdelay $0x1  }
0x85: {  	v3 =	vadd.s32 v1, v3;
	_ =	sdelay $0x2  }
0x86: {  	[tilespmem:s13], [sflag:$0x2] =	stream.indirect_vreg.gather [hbm4b:s3+s2], $0x80, v4, vm0, $0xb8;
	[tilespmem:$0x10800] =	vst v63  }
0x87: {  	_ = 	snop  }
0x88: {  	[tilespmem:s14], [sflag:$0x2] =	stream.indirect_vreg.gather [hbm4b:s3+s2], $0x80, v3, vm0, $0xb8;
	[tilespmem:$0x10800] =	vst v63  }
0x89: {  	v3 =	vld [tilespmem:s31+$0x20];
	_ =	sdelay $0x4  }
0x8a: {  	v58 =	vshll.u32 v3, $0x1  }
0x8b: {  	v3 =	vand.u32 $0x7, v3;
	v4 =	vand.u32 $0xFFFFFFF0, v58  }
0x8c: {  	v3 =	vor.u32 v3, v4  }
0x8d: {  	v4 =	vperm.xlane v3, v0;
	_ =	sdelay $0x1  }
0x8e: {  	v3 =	vperm.xlane v3, v2;
	v4 =	vadd.s32 v1, v4;
	_ =	sdelay $0x1  }
0x8f: {  	v3 =	vadd.s32 v1, v3;
	_ =	sdelay $0x2  }
0x90: {  	[tilespmem:s15], [sflag:$0x2] =	stream.indirect_vreg.gather [hbm4b:s3+s2], $0x80, v4, vm0, $0xb8;
	[tilespmem:$0x10800] =	vst v63  }
0x91: {  	_ = 	snop  }
0x92: {  	[tilespmem:s16], [sflag:$0x2] =	stream.indirect_vreg.gather [hbm4b:s3+s2], $0x80, v3, vm0, $0xb8;
	[tilespmem:$0x10800] =	vst v63  }
0x93: {  	v3 =	vld [tilespmem:s31+$0x30];
	_ =	sdelay $0x4  }
0x94: {  	v59 =	vshll.u32 v3, $0x1  }
0x95: {  	v3 =	vand.u32 $0x7, v3;
	v4 =	vand.u32 $0xFFFFFFF0, v59  }
0x96: {  	v3 =	vor.u32 v3, v4  }
0x97: {  	v4 =	vperm.xlane v3, v0;
	_ =	sdelay $0x1  }
0x98: {  	v3 =	vperm.xlane v3, v2;
	v4 =	vadd.s32 v1, v4;
	_ =	sdelay $0x1  }
0x99: {  	v3 =	vadd.s32 v1, v3;
	_ =	sdelay $0x2  }
0x9a: {  	[tilespmem:s17], [sflag:$0x2] =	stream.indirect_vreg.gather [hbm4b:s3+s2], $0x80, v4, vm0, $0xb8;
	[tilespmem:$0x10800] =	vst v63  }
0x9b: {  	_ = 	snop  }
0x9c: {  	[tilespmem:s18], [sflag:$0x2] =	stream.indirect_vreg.gather [hbm4b:s3+s2], $0x80, v3, vm0, $0xb8;
	[tilespmem:$0x10800] =	vst v63  }
0x9d: {  	v3 =	vld [tilespmem:s31+$0x40];
	_ =	sdelay $0x4  }
0x9e: {  	v60 =	vshll.u32 v3, $0x1  }
0x9f: {  	v3 =	vand.u32 $0x7, v3;
	v4 =	vand.u32 $0xFFFFFFF0, v60  }
0xa0: {  	v3 =	vor.u32 v3, v4  }
0xa1: {  	v4 =	vperm.xlane v3, v0;
	_ =	sdelay $0x1  }
0xa2: {  	v3 =	vperm.xlane v3, v2;
	v4 =	vadd.s32 v1, v4;
	_ =	sdelay $0x1  }
0xa3: {  	v3 =	vadd.s32 v1, v3;
	_ =	sdelay $0x2  }
0xa4: {  	[tilespmem:s19], [sflag:$0x2] =	stream.indirect_vreg.gather [hbm4b:s3+s2], $0x80, v4, vm0, $0xb8;
	[tilespmem:$0x10800] =	vst v63  }
0xa5: {  	_ = 	snop  }
0xa6: {  	[tilespmem:s20], [sflag:$0x2] =	stream.indirect_vreg.gather [hbm4b:s3+s2], $0x80, v3, vm0, $0xb8;
	[tilespmem:$0x10800] =	vst v63  }
0xa7: {  	v3 =	vld [tilespmem:s31+$0x50];
	_ =	sdelay $0x4  }
0xa8: {  	v61 =	vshll.u32 v3, $0x1  }
0xa9: {  	v3 =	vand.u32 $0x7, v3;
	v4 =	vand.u32 $0xFFFFFFF0, v61  }
0xaa: {  	v3 =	vor.u32 v3, v4  }
0xab: {  	v4 =	vperm.xlane v3, v0;
	_ =	sdelay $0x1  }
0xac: {  	v3 =	vperm.xlane v3, v2;
	v4 =	vadd.s32 v1, v4;
	_ =	sdelay $0x1  }
0xad: {  	v3 =	vadd.s32 v1, v3;
	_ =	sdelay $0x2  }
0xae: {  	[tilespmem:s21], [sflag:$0x2] =	stream.indirect_vreg.gather [hbm4b:s3+s2], $0x80, v4, vm0, $0xb8;
	[tilespmem:$0x10800] =	vst v63  }
0xaf: {  	_ = 	snop  }
0xb0: {  	[tilespmem:s22], [sflag:$0x2] =	stream.indirect_vreg.gather [hbm4b:s3+s2], $0x80, v3, vm0, $0xb8;
	[tilespmem:$0x10800] =	vst v63  }
0xb1: {  	v3 =	vld [tilespmem:s31+$0x60];
	_ =	sdelay $0x4  }
0xb2: {  	v62 =	vshll.u32 v3, $0x1  }
0xb3: {  	v3 =	vand.u32 $0x7, v3;
	v4 =	vand.u32 $0xFFFFFFF0, v62  }
0xb4: {  	v3 =	vor.u32 v3, v4  }
0xb5: {  	v4 =	vperm.xlane v3, v0;
	_ =	sdelay $0x1  }
0xb6: {  	v3 =	vperm.xlane v3, v2;
	v4 =	vadd.s32 v1, v4;
	_ =	sdelay $0x1  }
0xb7: {  	v3 =	vadd.s32 v1, v3;
	_ =	sdelay $0x2  }
0xb8: {  	[tilespmem:s23], [sflag:$0x2] =	stream.indirect_vreg.gather [hbm4b:s3+s2], $0x80, v4, vm0, $0xb8;
	[tilespmem:$0x10800] =	vst v63  }
0xb9: {  	_ = 	snop  }
0xba: {  	[tilespmem:s24], [sflag:$0x2] =	stream.indirect_vreg.gather [hbm4b:s3+s2], $0x80, v3, vm0, $0xb8;
	[tilespmem:$0x10800] =	vst v63  }
0xbb: {  	v3 =	vld [tilespmem:s31+$0x70];
	_ =	sdelay $0x4  }
0xbc: {  	v63 =	vshll.u32 v3, $0x1  }
0xbd: {  	v3 =	vand.u32 $0x7, v3;
	v4 =	vand.u32 $0xFFFFFFF0, v63  }
0xbe: {  	v3 =	vor.u32 v3, v4  }
0xbf: {  	v4 =	vperm.xlane v3, v0;
	_ =	sdelay $0x1  }
0xc0: {  	v3 =	vperm.xlane v3, v2;
	v4 =	vadd.s32 v1, v4;
	_ =	sdelay $0x1  }
0xc1: {  	v3 =	vadd.s32 v1, v3;
	_ =	sdelay $0x2  }
0xc2: {  	[tilespmem:s25], [sflag:$0x2] =	stream.indirect_vreg.gather [hbm4b:s3+s2], $0x80, v4, vm0, $0xb8;
	[tilespmem:$0x10800] =	vst v63  }
0xc3: {  	_ = 	snop  }
0xc4: {  	[tilespmem:s26], [sflag:$0x2] =	stream.indirect_vreg.gather [hbm4b:s3+s2], $0x80, v3, vm0, $0xb8;
	[tilespmem:$0x10800] =	vst v63  }
0xc5: {  	_ =	swait.ge [sflag:s28], $0x8000  }
0xc6: {  	s4 =	rddreg [dreg:$0x3];
	[sflag:s28] =	ssyncset.done $0x0  }
0xc7: {  	[sflag:s28] =	ssyncadd.s32 $0xFFFF8000;
	s1 =	sadd.s32 s0, s4  }
0xc8: {  	[hbm4b:s1+s2] =	stream.linear.scatter [tilespmem:s7], [sflag:$0x3], $0x8000, $0x38;
	[tilespmem:$0x10800] =	vst v63  }
0xc9: {  	_ =	swait.ge [sflag:s6], $0x8000  }
0xca: {  	[sflag:s6] =	ssyncset.done $0x0  }
0xcb: {  	[sflag:s6] =	ssyncadd.s32 $0xFFFF8000  }
0xcc: {  	_ =	swait.ge [sflag:s29], $0x8000  }
0xcd: {  	p0 =	sne.s32 s0, $0xE000;
	[sflag:s29] =	ssyncset.done $0x0  }
.Ltmp0:
0xce: {  	s1 =	sadd.s32 $0x1000, s1;
	[sflag:s29] =	ssyncadd.s32 $0xFFFF8000;
	(pc) =	sbr.rel @p0 .LBB2_2-.Ltmp0, $4  }
0xcf: {  	[hbm4b:s1+s2] =	stream.linear.scatter [tilespmem:s11], [sflag:$0x3], $0x8000, $0x38;
	[tilespmem:$0x10800] =	vst v63  }
0xd0: {  	_ =	swait.ge [sflag:s6], $0x8000  }
0xd1: {  	[sflag:s6] =	ssyncset.done $0x0  }
0xd2: {  	s31 =	sadd.s32 $0x100, s31;
	s0 =	sadd.s32 $0x2000, s0;
	[sflag:s6] =	ssyncadd.s32 $0xFFFF8000  }
0xd3: {  	s30 =	sadd.s32 $0x1, s30  }
0xd4: {  	p0 =	sne.s32 s30, s5  }
.Ltmp1:
0xd5: {  	_ = 	snop;
	(pc) =	sbr.rel @p0 .LBB2_1-.Ltmp1, $1  }
0xd6: {  	_ =	sdelay $0x3  }
0xd7: {  	_ =	sfence.sel $0x180000  }
0xd8: {  	[bflag:$0x0] =	sbarrier.arrive $0xFFFF  }
0xd9: {  	_ =	strace $0x9000004A  }
0xda: {  	s0 =	stileid.u32;
	[bflag:$0x2] =	sbarrier.arrive $0xFFFF  }
0xdb: {  	p0 =	sne.s32 s0, $0x0;
	s0 =	rddreg [dreg:$0x2]  }
0xdc: {  	s0 =	sadd.s32 @!p0 $0x100000, s0  }
0xdd: {  	[sflag:s0] =	ssyncadd.tile.s32 @!p0 $0x1;
	_ =	shalt  }
.Lfunc_end2:
_tile_overlayer_lowered:
.L_overlay_start_2:
0xde: {  	(tag) =	ssettag $0x2  }
0xdf: {  	s0 =	rddreg [dreg:$0x0];
	s2 =	stileid.u32  }
0xe0: {  	s1 =	rddreg [dreg:$0x1];
	p0 =	sne.s32 s2, $0x0  }
0xe1: {  	s3 =	rddreg [dreg:$0x2];
	[bflag:$0x3] =	sbarrier.arrive $0xFFFF;
	s2 =	simm.s32 @!p0 $0x1C03  }
0xe2: {  	[timem:s3], [sflag:s2] =	dma.local @!p0 [hbm:s0], s1  }
0xe3: {  	s0 =	simm.s32 @!p0 $0x3  }
0xe4: {  	_ =	swait.ge @!p0 [sflag:s0], s1  }
0xe5: {  	s1 =	ssub.s32 @!p0 $0x0, s1;
	[sflag:s0] =	ssyncset.done @!p0 $0x0  }
0xe6: {  	[sflag:s0] =	ssyncadd.s32 @!p0 s1  }
0xe7: {  	[bflag:$0x3] =	sbarrier.arrive $0xFFFF  }
0xe8: {  	_ =	shalt  }

// kernel: kernel.9.cloned.1.call-start
scs
__scs_entry_jumppad:
0x0: {  	(pc) =	sbr.rel $0x88, $3  }
0x1: {  	(tag) =	ssettag $0x0;
	lr =	simm.s32 $0x1  }
0x2: {  	[smem:$0x3F99] =	sst lr;
	_ =	strace $0xD0000000  }
0x3: {  	_ = 	snop  }
0x4: {  	_ = 	snop  }
0x5: {  	_ = 	snop  }
0x6: {  	_ = 	snop  }
0x7: {  	_ = 	snop  }
__scs_overlays_trampoline_lowered:
0x8: {  	[smem:$0x3FA8] =	sst s0  }
0x9: {  	[smem:$0x3FA9] =	sst s1  }
0xa: {  	[smem:$0x3FAA] =	sst s2  }
0xb: {  	[smem:$0x3FAB] =	sst s3  }
0xc: {  	[smem:$0x3FAC] =	sst s4  }
0xd: {  	[smem:$0x3FAD] =	sst s5  }
0xe: {  	[smem:$0x3FAE] =	sst s6  }
0xf: {  	[smem:$0x3FAF] =	sst s7  }
0x10: {  	[smem:$0x3FB0] =	sst s8  }
0x11: {  	[smem:$0x3FB1] =	sst s9;
	s0 =	simm.s32 @!p0 $0x0  }
0x12: {  	s1 =	sld [smem:$0x3F97];
	s0 =	simm.s32 @p0 $0x1  }
0x13: {  	[smem:$0x3FB2] =	sst s0;
	s0 =	simm.s32 @!p1 $0x0  }
0x14: {  	s2 =	sld [smem:$0x3F96];
	s0 =	simm.s32 @p1 $0x1  }
0x15: {  	[smem:$0x3FB3] =	sst s0;
	s0 =	simm.s32 @!p2 $0x0  }
0x16: {  	s3 =	sld [smem:$0x3FDB];
	s0 =	simm.s32 @p2 $0x1  }
0x17: {  	s4 =	simm.s32 $0x1BF5;
	[smem:$0x3FB5] =	sst s0  }
0x18: {  	s0 =	sld [smem:$0x3F98];
	_ =	swait.ge [sflag:s4], $0x0  }
0x19: {  	s7 =	sld [smem:$0x3F99]  }
0x1a: {  	s8 =	sadd.s32 $0xFFFFE003, lr  }
0x1b: {  	s9 =	sadd.s32 $0xFFFFFEF7, lr;
	s5 =	simm.s32 $0xFFFFFFFF;
	p2 =	slt.u32 s8, $0xFFFFF086  }
0x1c: {  	p1 =	slt.u32 s9, $0xF7A;
	s5 =	simm.s32 @!p2 $0x0  }
0x1d: {  	s5 =	simm.s32 @p1 $0x1;
	p0 =	seq.s32 s7, s2  }
0x1e: {  	s7 =	smul.u32 @!p0 $0xF7A, s2;
	p2 =	seq.s32 @!p0 s5, $0x0  }
0x1f: {  	s9 =	smul.u32 $0xF7A, s1;
	s8 =	simm.s32 @!p0 $0x1BF5;
	p2 =	por !p2, p0  }
0x20: {  	[sflag:s8] =	ssyncset.s32 @!p0 $0xFFFFF086;
	s6 =	sadd.s32 @!p0 s3, s7;
	s7 =	simm.s32 @!p0 $0x108  }
0x21: {  	s3 =	sadd.s32 s3, s9;
	s6 =	sadd.s32 @!p0 $0x88, s6;
	s7 =	simm.s32 @p2 $0x1082  }
0x22: {  	[simem:s7], [sflag:s8] =	dma.local @!p0 [hbm:s6], $0xF7A  }
0x23: {  	s9 =	sor.u32 $0xD0000000, s2;
	s6 =	simm.s32 $0x108;
	_ =	swait.ge @!p0 [sflag:s8], $0x0  }
0x24: {  	s3 =	sadd.s32 $0x88, s3;
	s6 =	simm.s32 @!p1 $0x1082;
	[sflag:s4] =	ssyncset.s32 $0xFFFFF086  }
0x25: {  	[simem:s6], [sflag:s4] =	dma.local [hbm:s3], $0xF7A  }
0x26: {  	[smem:$0x3F99] =	sst s1;
	(tag) =	ssettag s2;
	_ =	strace s9  }
0x27: {  	s1 =	sld [smem:$0x3FA9]  }
0x28: {  	s2 =	sld [smem:$0x3FAA]  }
0x29: {  	s4 =	sld [smem:$0x3FAC]  }
0x2a: {  	p0 =	seq.s32 s5, $0x0;
	s5 =	sld [smem:$0x3FAD]  }
0x2b: {  	s6 =	sld [smem:$0x3FAE]  }
0x2c: {  	s7 =	sld [smem:$0x3FAF]  }
0x2d: {  	s3 =	simm.s32 $0x108;
	s8 =	sld [smem:$0x3FB0]  }
0x2e: {  	s3 =	simm.s32 @!p0 $0x1082;
	s9 =	sld [smem:$0x3FB1]  }
0x2f: {  	lr =	sadd.s32 s0, s3;
	s0 =	sld [smem:$0x3FA8]  }
0x30: {  	s3 =	sld [smem:$0x3FAB]  }
0x31: {  	[smem:$0x3FB4] =	sst s10  }
0x32: {  	s10 =	sld [smem:$0x3FB2];
	_ =	sdelay $0x3  }
0x33: {  	p0 =	seq.s32 s10, $0x1;
	s10 =	sld [smem:$0x3FB4];
	_ =	sdelay $0x3  }
0x34: {  	[smem:$0x3FB4] =	sst s10  }
0x35: {  	s10 =	sld [smem:$0x3FB3];
	_ =	sdelay $0x3  }
0x36: {  	p1 =	seq.s32 s10, $0x1;
	s10 =	sld [smem:$0x3FB4];
	_ =	sdelay $0x3  }
0x37: {  	[smem:$0x3FB4] =	sst s10  }
0x38: {  	s10 =	sld [smem:$0x3FB5]  }
0x39: {  	_ = 	snop;
	(pc) =	sbr.ind lr, $3  }
0x3a: {  	_ = 	snop  }
0x3b: {  	_ = 	snop  }
0x3c: {  	p2 =	seq.s32 s10, $0x1;
	s10 =	sld [smem:$0x3FB4]  }
0x3d: {  	_ =	shalt  }
0x3e: {  	_ =	shalt  }
0x3f: {  	_ =	shalt  }
0x40: {  	_ =	shalt  }
0x41: {  	_ =	shalt  }
0x42: {  	_ =	shalt  }
0x43: {  	_ =	shalt  }
0x44: {  	_ =	shalt  }
0x45: {  	_ =	shalt  }
0x46: {  	_ =	shalt  }
0x47: {  	_ =	shalt  }
0x48: {  	_ =	shalt  }
0x49: {  	_ =	shalt  }
0x4a: {  	_ =	shalt  }
0x4b: {  	_ =	shalt  }
0x4c: {  	_ =	shalt  }
0x4d: {  	_ =	shalt  }
0x4e: {  	_ =	shalt  }
0x4f: {  	_ =	shalt  }
0x50: {  	_ =	shalt  }
0x51: {  	_ =	shalt  }
0x52: {  	_ =	shalt  }
0x53: {  	_ =	shalt  }
0x54: {  	_ =	shalt  }
0x55: {  	_ =	shalt  }
0x56: {  	_ =	shalt  }
0x57: {  	_ =	shalt  }
0x58: {  	_ =	shalt  }
0x59: {  	_ =	shalt  }
0x5a: {  	_ =	shalt  }
0x5b: {  	_ =	shalt  }
0x5c: {  	_ =	shalt  }
0x5d: {  	_ =	shalt  }
0x5e: {  	_ =	shalt  }
0x5f: {  	_ =	shalt  }
0x60: {  	_ =	shalt  }
0x61: {  	_ =	shalt  }
0x62: {  	_ =	shalt  }
0x63: {  	_ =	shalt  }
0x64: {  	_ =	shalt  }
0x65: {  	_ =	shalt  }
0x66: {  	_ =	shalt  }
0x67: {  	_ =	shalt  }
0x68: {  	_ =	shalt  }
0x69: {  	_ =	shalt  }
0x6a: {  	_ =	shalt  }
0x6b: {  	_ =	shalt  }
0x6c: {  	_ =	shalt  }
0x6d: {  	_ =	shalt  }
0x6e: {  	_ =	shalt  }
0x6f: {  	_ =	shalt  }
0x70: {  	_ =	shalt  }
0x71: {  	_ =	shalt  }
0x72: {  	_ =	shalt  }
0x73: {  	_ =	shalt  }
0x74: {  	_ =	shalt  }
0x75: {  	_ =	shalt  }
0x76: {  	_ =	shalt  }
0x77: {  	_ =	shalt  }
0x78: {  	_ =	shalt  }
0x79: {  	_ =	shalt  }
0x7a: {  	_ =	shalt  }
0x7b: {  	_ =	shalt  }
0x7c: {  	_ =	shalt  }
0x7d: {  	_ =	shalt  }
0x7e: {  	_ =	shalt  }
0x7f: {  	_ =	shalt  }
0x80: {  	_ =	shalt  }
0x81: {  	_ =	shalt  }
0x82: {  	_ =	shalt  }
0x83: {  	_ =	shalt  }
0x84: {  	_ =	shalt  }
0x85: {  	_ =	shalt  }
0x86: {  	_ =	shalt  }
0x87: {  	_ =	shalt  }
.Lfunc_end0:
.L_simem_size_0:
called_computation_lowered:
.L_overlay_start_0:
0x88: {  	s2 =	sld [smem:$0x3FD9]  }
0x89: {  	s3 =	sld [smem:$0x3FFE];
	_ =	sdelay $0x1  }
0x8a: {  	s1 =	srdreg.scid  }
0x8b: {  	s0 =	sand.u32 $0x1, s1  }
0x8c: {  	s16 =	sshll.u32 s0, $0xA;
	s2 =	sadd.s32 s3, s2  }
0x8d: {  	s2 =	sadd.s32 s2, s16  }
0x8e: {  	[smem:$0x3FC0] =	sst s2  }
0x8f: {  	_ = 	snop  }
0x90: {  	(tm) =	ssettm $0x1  }
0x91: {  	s17 =	sld [smem:$0x3FFB];
	_ =	sdelay $0x3  }
0x92: {  	_ =	strace s17  }
0x93: {  	s2 =	sld [smem:$0x3FFC];
	_ =	sdelay $0x3  }
0x94: {  	_ =	strace s2  }
0x95: {  	s2 =	sld [smem:$0x3FFD];
	_ =	sdelay $0x3  }
0x96: {  	_ =	strace s2  }
0x97: {  	_ =	strace $0x8FFFFFFF  }
0x98: {  	s18 =	sld [smem:$0x3FDB];
	_ =	sdelay $0x1  }
0x99: {  	s19 =	simm.s32 $_scs_section_size  }
0x9a: {  	s4 =	simm.s32 $_size__tile_overlayer_lowered;
	s5 =	simm.s32 $_tile_overlayer_lowered  }
0x9b: {  	s22 =	simm.s32 $0x1BFF;
	s21 =	sshll.u32 s5, $0x1;
	s2 =	sadd.s32 s19, s18  }
0x9c: {  	s6 =	simm.s32 $0x0;
	s20 =	sshll.u32 s4, $0x1;
	s4 =	sadd.s32 s21, s2  }
0x9d: {  	[timem:s6], [sflag:s22] =	dma.local [hbm:s4], s20  }
0x9e: {  	_ =	swait.ge [sflag:s22], s20  }
0x9f: {  	s3 =	ssub.s32 $0x0, s20;
	[sflag:s22] =	ssyncset.done $0x0  }
0xa0: {  	[sflag:s22] =	ssyncadd.s32 s3;
	_ =	sdelay $0x1  }
0xa1: {  	s23 =	simm.s32 $0x1B8B  }
0xa2: {  	_ =	swait.ge [sflag:s23], $0x1  }
0xa3: {  	[sflag:s23] =	ssyncset.done $0x0  }
0xa4: {  	s25 =	simm.s32 $0x1B8E;
	s24 =	sld [smem:$0x3FFE];
	[sflag:s23] =	ssyncadd.s32 $0xFFFFFFFF  }
0xa5: {  	s26 =	simm.s32 $execute0_lowered;
	[smem:$0x3FD2] =	sst s25  }
0xa6: {  	s4 =	sshll.u32 s26, $0x1;
	_ =	strace $0x80000046;
	[dreg:$0x1] =	wrdreg $0xFFFFFFFF  }
0xa7: {  	s28 =	simm.s32 $_size_execute0_lowered;
	s2 =	sadd.s32 s2, s4;
	[dreg:$0x0] =	wrdreg $0x0  }
0xa8: {  	s4 =	sshll.u32 s28, $0x1;
	[dreg:$0x2] =	wrdreg s2  }
0xa9: {  	[dreg:$0x3] =	wrdreg s4  }
0xaa: {  	[dreg:$0x4] =	wrdreg $0xC0  }
0xab: {  	_ =	task [dreg:s6], $0x5FFFF  }
0xac: {  	[dreg:$0x1] =	wrdreg $0xFFFFFFFF  }
0xad: {  	[dreg:$0x0] =	wrdreg $0x60  }
0xae: {  	[dreg:$0x2] =	wrdreg s24  }
0xaf: {  	[dreg:$0x3] =	wrdreg $0x9  }
0xb0: {  	_ =	task.clear_ibuf [dreg:s6], $0x4FFFF;
	_ =	strace $0x90000046  }
0xb1: {  	s29 =	simm.s32 $0x9;
	_ =	strace $0x80000048  }
0xb2: {  	_ =	swait.ge [sflag:s29], $0x1  }
0xb3: {  	[sflag:s29] =	ssyncadd.s32 $0xFFFFFFFF  }
0xb4: {  	_ =	strace $0x90000048  }
0xb5: {  	_ =	sfence  }
0xb6: {  	s30 =	sld [smem:$0x0];
	_ =	sdelay $0x2  }
0xb7: {  	s31 =	sshll.u32 s1, $0xD;
	s1 =	sshrl.u32 s1, $0x2  }
0xb8: {  	s3 =	sand.u32 $0x4000, s31;
	s1 =	sadd.s32 s1, s30  }
0xb9: {  	s0 =	sor.u32 s3, s0;
	s1 =	sshll.u32 s1, $0x11  }
0xba: {  	s0 =	sor.u32 s1, s0  }
0xbb: {  	s0 =	sadd.s32 $0x8F2B, s0  }
0xbc: {  	[sflag:s0] =	ssyncadd.remote.s32 $0x1  }
0xbd: {  	_ =	sfence.sel $0xFFFF  }
0xbe: {  	[dreg:$0x0] =	wrdreg $0xFFFFFFFF;
	(pc) =	sbr.abs _section_cstart, $3  }
0xbf: {  	[dreg:$0x1] =	wrdreg $0xFFFFFFFF  }
0xc0: {  	_ =	task.clear_ibuf [dreg:s6], $0x2FFFF;
	_ =	strace $0x9FFFFFFF  }
0xc1: {  	(tm) =	ssettm $0x7FFFFFFF  }
tec
execute0_lowered:
.L_overlay_start_1:
0x0: {  	(tag) =	ssettag $0x1  }
0x1: {  	s0 =	rddreg [dreg:$0x0]  }
0x2: {  	s2 =	srdreg.scid;
	s1 =	stileid.u32  }
0x3: {  	s15 =	simm.s32 $0x1000;
	s16 =	simm.s32 $0x1800;
	s17 =	simm.s32 $0x2000  }
0x4: {  	s18 =	simm.s32 $0x2800;
	s19 =	simm.s32 $0x3000;
	s20 =	simm.s32 $0x3800  }
0x5: {  	s21 =	simm.s32 $0x4000;
	s4 =	sand.u32 $0x1, s2;
	s2 =	simm.s32 $0x0  }
0x6: {  	s23 =	simm.s32 $0x4800;
	s24 =	simm.s32 $0x5000;
	[smem:$0x7FF] =	sst s2  }
0x7: {  	s25 =	simm.s32 $0x5800;
	_ =	strace $0x80000047;
	[dreg:$0x3] =	wrdreg s15  }
0x8: {  	s26 =	simm.s32 $0x6000;
	s31 =	simm.s32 $0x6800;
	[dreg:$0x4] =	wrdreg s16  }
0x9: {  	s8 =	simm.s32 $0x7000;
	s9 =	simm.s32 $0x7800;
	[dreg:$0x5] =	wrdreg s17  }
0xa: {  	s10 =	simm.s32 $0x8000;
	s11 =	simm.s32 $0x8800;
	[dreg:$0x6] =	wrdreg s18  }
0xb: {  	s12 =	simm.s32 $0x9000;
	s13 =	simm.s32 $0x9800;
	[dreg:$0x7] =	wrdreg s19  }
0xc: {  	s14 =	simm.s32 $0xA000;
	s28 =	simm.s32 $0x1;
	[dreg:$0x8] =	wrdreg s20  }
0xd: {  	s29 =	simm.s32 $0x2;
	s30 =	simm.s32 $0x0;
	[dreg:$0x9] =	wrdreg s21  }
0xe: {  	s3 =	sshll.u32 s1, $0x11;
	s6 =	sshll.u32 s1, $0x9;
	[dreg:$0xa] =	wrdreg s23  }
0xf: {  	s3 =	sadd.s32 s3, s0;
	s5 =	sshll.u32 s4, $0x10;
	[dreg:$0xb] =	wrdreg s24  }
0x10: {  	s7 =	sshll.u32 s4, $0x8;
	s4 =	ssub.s32 $0x2, s4;
	[dreg:$0xc] =	wrdreg s25  }
0x11: {  	s3 =	sadd.s32 s5, s3;
	s6 =	sor.u32 s7, s6;
	[dreg:$0xd] =	wrdreg s26  }
0x12: {  	s22 =	sshrl.u32 s4, $0x1;
	s7 =	simm.s32 $0x800;
	[dreg:$0xe] =	wrdreg s31  }
0x13: {  	s15 =	simm.s32 $0xA800;
	s16 =	simm.s32 $0xB000;
	s17 =	simm.s32 $0xB800  }
0x14: {  	s18 =	simm.s32 $0xC000;
	s19 =	simm.s32 $0xC800;
	s20 =	simm.s32 $0xD000  }
0x15: {  	s21 =	simm.s32 $0xD800;
	s23 =	simm.s32 $0xE800;
	s24 =	simm.s32 $0xF000  }
0x16: {  	s25 =	simm.s32 $0xF800;
	s26 =	simm.s32 $0x10000;
	s3 =	sadd.s32 $0xE4C00, s3  }
0x17: {  	v2 =	vlaneseq.u32;
	[dreg:$0x2] =	wrdreg s3;
	s3 =	sadd.s32 $0xA4C00, s0;
	s0 =	sadd.s32 s6, s0  }
0x18: {  	vm0 =	vmmov $0xffff;
	v1 =	vshrl.u32 v2, $0x3;
	s6 =	ssub.s32 s4, s22;
	s22 =	simm.s32 $0xE000;
	s0 =	sadd.s32 $0x2C00, s0  }
0x19: {  	v0 =	vand.u32 $0x7, v2;
	v2 =	vor.u32 $0x8, v2;
	v1 =	vmul.u32 $0x8, v1;
	s5 =	smax.u32 s6, $0x1;
	s6 =	simm.s32 $0x3;
	[dreg:$0xf] =	wrdreg s0  }
.LBB2_1:
0x1a: {  	s0 =	rddreg [dreg:$0xf]  }
0x1b: {  	[tilespmem:s2], [sflag:$0x3] =	stream.linear.gather [hbm4b:s0+s2], $0x800, $0x38;
	[tilespmem:$0x10800] =	vst v63  }
0x1c: {  	_ =	swait.ge [sflag:s6], $0x800  }
0x1d: {  	[sflag:s6] =	ssyncset.done $0x0  }
0x1e: {  	s31 =	simm.s32 $0x80;
	s0 =	simm.s32 $0x0;
	[sflag:s6] =	ssyncadd.s32 $0xFFFFF800  }
.LBB2_2:
0x1f: {  	v3 =	vld [tilespmem:s31+$0xFFFFFF80];
	_ =	sdelay $0x4  }
0x20: {  	v4 =	vshll.u32 v3, $0x1  }
0x21: {  	v3 =	vand.u32 $0x7, v3;
	v4 =	vand.u32 $0xFFFFFFF0, v4  }
0x22: {  	v3 =	vor.u32 v3, v4  }
0x23: {  	v4 =	vperm.xlane v3, v0;
	_ =	sdelay $0x1  }
0x24: {  	v3 =	vperm.xlane v3, v2;
	v4 =	vadd.s32 v1, v4;
	_ =	sdelay $0x1  }
0x25: {  	v3 =	vadd.s32 v1, v3;
	_ =	sdelay $0x2  }
0x26: {  	[tilespmem:s7], [sflag:$0x1] =	stream.indirect_vreg.gather [hbm4b:s3+s2], $0x80, v4, vm0, $0xb8;
	[tilespmem:$0x10800] =	vst v63  }
0x27: {  	s1 =	rddreg [dreg:$0x3]  }
0x28: {  	[tilespmem:s1], [sflag:$0x1] =	stream.indirect_vreg.gather [hbm4b:s3+s2], $0x80, v3, vm0, $0xb8;
	[tilespmem:$0x10800] =	vst v63  }
0x29: {  	v3 =	vld [tilespmem:s31+$0xFFFFFF90];
	_ =	sdelay $0x4  }
0x2a: {  	v49 =	vshll.u32 v3, $0x1  }
0x2b: {  	v3 =	vand.u32 $0x7, v3;
	v4 =	vand.u32 $0xFFFFFFF0, v49  }
0x2c: {  	v3 =	vor.u32 v3, v4  }
0x2d: {  	v4 =	vperm.xlane v3, v0;
	_ =	sdelay $0x1  }
0x2e: {  	v3 =	vperm.xlane v3, v2;
	v4 =	vadd.s32 v1, v4;
	_ =	sdelay $0x1  }
0x2f: {  	v3 =	vadd.s32 v1, v3;
	_ =	sdelay $0x1  }
0x30: {  	s1 =	rddreg [dreg:$0x4]  }
0x31: {  	[tilespmem:s1], [sflag:$0x1] =	stream.indirect_vreg.gather [hbm4b:s3+s2], $0x80, v4, vm0, $0xb8;
	[tilespmem:$0x10800] =	vst v63  }
0x32: {  	s4 =	rddreg [dreg:$0x5]  }
0x33: {  	[tilespmem:s4], [sflag:$0x1] =	stream.indirect_vreg.gather [hbm4b:s3+s2], $0x80, v3, vm0, $0xb8;
	[tilespmem:$0x10800] =	vst v63  }
0x34: {  	v3 =	vld [tilespmem:s31+$0xFFFFFFA0];
	_ =	sdelay $0x4  }
0x35: {  	v50 =	vshll.u32 v3, $0x1  }
0x36: {  	v3 =	vand.u32 $0x7, v3;
	v4 =	vand.u32 $0xFFFFFFF0, v50  }
0x37: {  	v3 =	vor.u32 v3, v4  }
0x38: {  	v4 =	vperm.xlane v3, v0;
	_ =	sdelay $0x1  }
0x39: {  	v3 =	vperm.xlane v3, v2;
	v4 =	vadd.s32 v1, v4;
	_ =	sdelay $0x1  }
0x3a: {  	v3 =	vadd.s32 v1, v3;
	_ =	sdelay $0x1  }
0x3b: {  	s1 =	rddreg [dreg:$0x6]  }
0x3c: {  	[tilespmem:s1], [sflag:$0x1] =	stream.indirect_vreg.gather [hbm4b:s3+s2], $0x80, v4, vm0, $0xb8;
	[tilespmem:$0x10800] =	vst v63  }
0x3d: {  	s4 =	rddreg [dreg:$0x7]  }
0x3e: {  	[tilespmem:s4], [sflag:$0x1] =	stream.indirect_vreg.gather [hbm4b:s3+s2], $0x80, v3, vm0, $0xb8;
	[tilespmem:$0x10800] =	vst v63  }
0x3f: {  	v3 =	vld [tilespmem:s31+$0xFFFFFFB0];
	_ =	sdelay $0x4  }
0x40: {  	v51 =	vshll.u32 v3, $0x1  }
0x41: {  	v3 =	vand.u32 $0x7, v3;
	v4 =	vand.u32 $0xFFFFFFF0, v51  }
0x42: {  	v3 =	vor.u32 v3, v4  }
0x43: {  	v4 =	vperm.xlane v3, v0;
	_ =	sdelay $0x1  }
0x44: {  	v3 =	vperm.xlane v3, v2;
	v4 =	vadd.s32 v1, v4;
	_ =	sdelay $0x1  }
0x45: {  	v3 =	vadd.s32 v1, v3;
	_ =	sdelay $0x1  }
0x46: {  	s1 =	rddreg [dreg:$0x8]  }
0x47: {  	[tilespmem:s1], [sflag:$0x1] =	stream.indirect_vreg.gather [hbm4b:s3+s2], $0x80, v4, vm0, $0xb8;
	[tilespmem:$0x10800] =	vst v63  }
0x48: {  	s4 =	rddreg [dreg:$0x9]  }
0x49: {  	[tilespmem:s4], [sflag:$0x1] =	stream.indirect_vreg.gather [hbm4b:s3+s2], $0x80, v3, vm0, $0xb8;
	[tilespmem:$0x10800] =	vst v63  }
0x4a: {  	v3 =	vld [tilespmem:s31+$0xFFFFFFC0];
	_ =	sdelay $0x4  }
0x4b: {  	v52 =	vshll.u32 v3, $0x1  }
0x4c: {  	v3 =	vand.u32 $0x7, v3;
	v4 =	vand.u32 $0xFFFFFFF0, v52  }
0x4d: {  	v3 =	vor.u32 v3, v4  }
0x4e: {  	v4 =	vperm.xlane v3, v0;
	_ =	sdelay $0x1  }
0x4f: {  	v3 =	vperm.xlane v3, v2;
	v4 =	vadd.s32 v1, v4;
	_ =	sdelay $0x1  }
0x50: {  	v3 =	vadd.s32 v1, v3;
	_ =	sdelay $0x1  }
0x51: {  	s1 =	rddreg [dreg:$0xa]  }
0x52: {  	[tilespmem:s1], [sflag:$0x1] =	stream.indirect_vreg.gather [hbm4b:s3+s2], $0x80, v4, vm0, $0xb8;
	[tilespmem:$0x10800] =	vst v63  }
0x53: {  	s4 =	rddreg [dreg:$0xb]  }
0x54: {  	[tilespmem:s4], [sflag:$0x1] =	stream.indirect_vreg.gather [hbm4b:s3+s2], $0x80, v3, vm0, $0xb8;
	[tilespmem:$0x10800] =	vst v63  }
0x55: {  	v3 =	vld [tilespmem:s31+$0xFFFFFFD0];
	_ =	sdelay $0x4  }
0x56: {  	v53 =	vshll.u32 v3, $0x1  }
0x57: {  	v3 =	vand.u32 $0x7, v3;
	v4 =	vand.u32 $0xFFFFFFF0, v53  }
0x58: {  	v3 =	vor.u32 v3, v4  }
0x59: {  	v4 =	vperm.xlane v3, v0;
	_ =	sdelay $0x1  }
0x5a: {  	v3 =	vperm.xlane v3, v2;
	v4 =	vadd.s32 v1, v4;
	_ =	sdelay $0x1  }
0x5b: {  	v3 =	vadd.s32 v1, v3;
	_ =	sdelay $0x1  }
0x5c: {  	s1 =	rddreg [dreg:$0xc]  }
0x5d: {  	[tilespmem:s1], [sflag:$0x1] =	stream.indirect_vreg.gather [hbm4b:s3+s2], $0x80, v4, vm0, $0xb8;
	[tilespmem:$0x10800] =	vst v63  }
0x5e: {  	s4 =	rddreg [dreg:$0xd]  }
0x5f: {  	[tilespmem:s4], [sflag:$0x1] =	stream.indirect_vreg.gather [hbm4b:s3+s2], $0x80, v3, vm0, $0xb8;
	[tilespmem:$0x10800] =	vst v63  }
0x60: {  	v3 =	vld [tilespmem:s31+$0xFFFFFFE0];
	_ =	sdelay $0x4  }
0x61: {  	v54 =	vshll.u32 v3, $0x1  }
0x62: {  	v3 =	vand.u32 $0x7, v3;
	v4 =	vand.u32 $0xFFFFFFF0, v54  }
0x63: {  	v3 =	vor.u32 v3, v4  }
0x64: {  	v4 =	vperm.xlane v3, v0;
	_ =	sdelay $0x1  }
0x65: {  	v3 =	vperm.xlane v3, v2;
	v4 =	vadd.s32 v1, v4;
	_ =	sdelay $0x1  }
0x66: {  	v3 =	vadd.s32 v1, v3;
	_ =	sdelay $0x1  }
0x67: {  	s4 =	rddreg [dreg:$0xe]  }
0x68: {  	[tilespmem:s4], [sflag:$0x1] =	stream.indirect_vreg.gather [hbm4b:s3+s2], $0x80, v4, vm0, $0xb8;
	[tilespmem:$0x10800] =	vst v63  }
0x69: {  	_ = 	snop  }
0x6a: {  	[tilespmem:s8], [sflag:$0x1] =	stream.indirect_vreg.gather [hbm4b:s3+s2], $0x80, v3, vm0, $0xb8;
	[tilespmem:$0x10800] =	vst v63  }
0x6b: {  	v3 =	vld [tilespmem:s31+$0xFFFFFFF0];
	_ =	sdelay $0x4  }
0x6c: {  	v55 =	vshll.u32 v3, $0x1  }
0x6d: {  	v3 =	vand.u32 $0x7, v3;
	v4 =	vand.u32 $0xFFFFFFF0, v55  }
0x6e: {  	v3 =	vor.u32 v3, v4  }
0x6f: {  	v4 =	vperm.xlane v3, v0;
	_ =	sdelay $0x1  }
0x70: {  	v3 =	vperm.xlane v3, v2;
	v4 =	vadd.s32 v1, v4;
	_ =	sdelay $0x1  }
0x71: {  	v3 =	vadd.s32 v1, v3;
	_ =	sdelay $0x2  }
0x72: {  	[tilespmem:s9], [sflag:$0x1] =	stream.indirect_vreg.gather [hbm4b:s3+s2], $0x80, v4, vm0, $0xb8;
	[tilespmem:$0x10800] =	vst v63  }
0x73: {  	_ = 	snop  }
0x74: {  	[tilespmem:s10], [sflag:$0x1] =	stream.indirect_vreg.gather [hbm4b:s3+s2], $0x80, v3, vm0, $0xb8;
	[tilespmem:$0x10800] =	vst v63  }
0x75: {  	v3 =	vld [tilespmem:s31+$0x0];
	_ =	sdelay $0x4  }
0x76: {  	v56 =	vshll.u32 v3, $0x1  }
0x77: {  	v3 =	vand.u32 $0x7, v3;
	v4 =	vand.u32 $0xFFFFFFF0, v56  }
0x78: {  	v3 =	vor.u32 v3, v4  }
0x79: {  	v4 =	vperm.xlane v3, v0;
	_ =	sdelay $0x1  }
0x7a: {  	v3 =	vperm.xlane v3, v2;
	v4 =	vadd.s32 v1, v4;
	_ =	sdelay $0x1  }
0x7b: {  	v3 =	vadd.s32 v1, v3;
	_ =	sdelay $0x2  }
0x7c: {  	[tilespmem:s11], [sflag:$0x2] =	stream.indirect_vreg.gather [hbm4b:s3+s2], $0x80, v4, vm0, $0xb8;
	[tilespmem:$0x10800] =	vst v63  }
0x7d: {  	_ = 	snop  }
0x7e: {  	[tilespmem:s12], [sflag:$0x2] =	stream.indirect_vreg.gather [hbm4b:s3+s2], $0x80, v3, vm0, $0xb8;
	[tilespmem:$0x10800] =	vst v63  }
0x7f: {  	v3 =	vld [tilespmem:s31+$0x10];
	_ =	sdelay $0x4  }
0x80: {  	v57 =	vshll.u32 v3, $0x1  }
0x81: {  	v3 =	vand.u32 $0x7, v3;
	v4 =	vand.u32 $0xFFFFFFF0, v57  }
0x82: {  	v3 =	vor.u32 v3, v4  }
0x83: {  	v4 =	vperm.xlane v3, v0;
	_ =	sdelay $0x1  }
0x84: {  	v3 =	vperm.xlane v3, v2;
	v4 =	vadd.s32 v1, v4;
	_ =	sdelay $0x1  }
0x85: {  	v3 =	vadd.s32 v1, v3;
	_ =	sdelay $0x2  }
0x86: {  	[tilespmem:s13], [sflag:$0x2] =	stream.indirect_vreg.gather [hbm4b:s3+s2], $0x80, v4, vm0, $0xb8;
	[tilespmem:$0x10800] =	vst v63  }
0x87: {  	_ = 	snop  }
0x88: {  	[tilespmem:s14], [sflag:$0x2] =	stream.indirect_vreg.gather [hbm4b:s3+s2], $0x80, v3, vm0, $0xb8;
	[tilespmem:$0x10800] =	vst v63  }
0x89: {  	v3 =	vld [tilespmem:s31+$0x20];
	_ =	sdelay $0x4  }
0x8a: {  	v58 =	vshll.u32 v3, $0x1  }
0x8b: {  	v3 =	vand.u32 $0x7, v3;
	v4 =	vand.u32 $0xFFFFFFF0, v58  }
0x8c: {  	v3 =	vor.u32 v3, v4  }
0x8d: {  	v4 =	vperm.xlane v3, v0;
	_ =	sdelay $0x1  }
0x8e: {  	v3 =	vperm.xlane v3, v2;
	v4 =	vadd.s32 v1, v4;
	_ =	sdelay $0x1  }
0x8f: {  	v3 =	vadd.s32 v1, v3;
	_ =	sdelay $0x2  }
0x90: {  	[tilespmem:s15], [sflag:$0x2] =	stream.indirect_vreg.gather [hbm4b:s3+s2], $0x80, v4, vm0, $0xb8;
	[tilespmem:$0x10800] =	vst v63  }
0x91: {  	_ = 	snop  }
0x92: {  	[tilespmem:s16], [sflag:$0x2] =	stream.indirect_vreg.gather [hbm4b:s3+s2], $0x80, v3, vm0, $0xb8;
	[tilespmem:$0x10800] =	vst v63  }
0x93: {  	v3 =	vld [tilespmem:s31+$0x30];
	_ =	sdelay $0x4  }
0x94: {  	v59 =	vshll.u32 v3, $0x1  }
0x95: {  	v3 =	vand.u32 $0x7, v3;
	v4 =	vand.u32 $0xFFFFFFF0, v59  }
0x96: {  	v3 =	vor.u32 v3, v4  }
0x97: {  	v4 =	vperm.xlane v3, v0;
	_ =	sdelay $0x1  }
0x98: {  	v3 =	vperm.xlane v3, v2;
	v4 =	vadd.s32 v1, v4;
	_ =	sdelay $0x1  }
0x99: {  	v3 =	vadd.s32 v1, v3;
	_ =	sdelay $0x2  }
0x9a: {  	[tilespmem:s17], [sflag:$0x2] =	stream.indirect_vreg.gather [hbm4b:s3+s2], $0x80, v4, vm0, $0xb8;
	[tilespmem:$0x10800] =	vst v63  }
0x9b: {  	_ = 	snop  }
0x9c: {  	[tilespmem:s18], [sflag:$0x2] =	stream.indirect_vreg.gather [hbm4b:s3+s2], $0x80, v3, vm0, $0xb8;
	[tilespmem:$0x10800] =	vst v63  }
0x9d: {  	v3 =	vld [tilespmem:s31+$0x40];
	_ =	sdelay $0x4  }
0x9e: {  	v60 =	vshll.u32 v3, $0x1  }
0x9f: {  	v3 =	vand.u32 $0x7, v3;
	v4 =	vand.u32 $0xFFFFFFF0, v60  }
0xa0: {  	v3 =	vor.u32 v3, v4  }
0xa1: {  	v4 =	vperm.xlane v3, v0;
	_ =	sdelay $0x1  }
0xa2: {  	v3 =	vperm.xlane v3, v2;
	v4 =	vadd.s32 v1, v4;
	_ =	sdelay $0x1  }
0xa3: {  	v3 =	vadd.s32 v1, v3;
	_ =	sdelay $0x2  }
0xa4: {  	[tilespmem:s19], [sflag:$0x2] =	stream.indirect_vreg.gather [hbm4b:s3+s2], $0x80, v4, vm0, $0xb8;
	[tilespmem:$0x10800] =	vst v63  }
0xa5: {  	_ = 	snop  }
0xa6: {  	[tilespmem:s20], [sflag:$0x2] =	stream.indirect_vreg.gather [hbm4b:s3+s2], $0x80, v3, vm0, $0xb8;
	[tilespmem:$0x10800] =	vst v63  }
0xa7: {  	v3 =	vld [tilespmem:s31+$0x50];
	_ =	sdelay $0x4  }
0xa8: {  	v61 =	vshll.u32 v3, $0x1  }
0xa9: {  	v3 =	vand.u32 $0x7, v3;
	v4 =	vand.u32 $0xFFFFFFF0, v61  }
0xaa: {  	v3 =	vor.u32 v3, v4  }
0xab: {  	v4 =	vperm.xlane v3, v0;
	_ =	sdelay $0x1  }
0xac: {  	v3 =	vperm.xlane v3, v2;
	v4 =	vadd.s32 v1, v4;
	_ =	sdelay $0x1  }
0xad: {  	v3 =	vadd.s32 v1, v3;
	_ =	sdelay $0x2  }
0xae: {  	[tilespmem:s21], [sflag:$0x2] =	stream.indirect_vreg.gather [hbm4b:s3+s2], $0x80, v4, vm0, $0xb8;
	[tilespmem:$0x10800] =	vst v63  }
0xaf: {  	_ = 	snop  }
0xb0: {  	[tilespmem:s22], [sflag:$0x2] =	stream.indirect_vreg.gather [hbm4b:s3+s2], $0x80, v3, vm0, $0xb8;
	[tilespmem:$0x10800] =	vst v63  }
0xb1: {  	v3 =	vld [tilespmem:s31+$0x60];
	_ =	sdelay $0x4  }
0xb2: {  	v62 =	vshll.u32 v3, $0x1  }
0xb3: {  	v3 =	vand.u32 $0x7, v3;
	v4 =	vand.u32 $0xFFFFFFF0, v62  }
0xb4: {  	v3 =	vor.u32 v3, v4  }
0xb5: {  	v4 =	vperm.xlane v3, v0;
	_ =	sdelay $0x1  }
0xb6: {  	v3 =	vperm.xlane v3, v2;
	v4 =	vadd.s32 v1, v4;
	_ =	sdelay $0x1  }
0xb7: {  	v3 =	vadd.s32 v1, v3;
	_ =	sdelay $0x2  }
0xb8: {  	[tilespmem:s23], [sflag:$0x2] =	stream.indirect_vreg.gather [hbm4b:s3+s2], $0x80, v4, vm0, $0xb8;
	[tilespmem:$0x10800] =	vst v63  }
0xb9: {  	_ = 	snop  }
0xba: {  	[tilespmem:s24], [sflag:$0x2] =	stream.indirect_vreg.gather [hbm4b:s3+s2], $0x80, v3, vm0, $0xb8;
	[tilespmem:$0x10800] =	vst v63  }
0xbb: {  	v3 =	vld [tilespmem:s31+$0x70];
	_ =	sdelay $0x4  }
0xbc: {  	v63 =	vshll.u32 v3, $0x1  }
0xbd: {  	v3 =	vand.u32 $0x7, v3;
	v4 =	vand.u32 $0xFFFFFFF0, v63  }
0xbe: {  	v3 =	vor.u32 v3, v4  }
0xbf: {  	v4 =	vperm.xlane v3, v0;
	_ =	sdelay $0x1  }
0xc0: {  	v3 =	vperm.xlane v3, v2;
	v4 =	vadd.s32 v1, v4;
	_ =	sdelay $0x1  }
0xc1: {  	v3 =	vadd.s32 v1, v3;
	_ =	sdelay $0x2  }
0xc2: {  	[tilespmem:s25], [sflag:$0x2] =	stream.indirect_vreg.gather [hbm4b:s3+s2], $0x80, v4, vm0, $0xb8;
	[tilespmem:$0x10800] =	vst v63  }
0xc3: {  	_ = 	snop  }
0xc4: {  	[tilespmem:s26], [sflag:$0x2] =	stream.indirect_vreg.gather [hbm4b:s3+s2], $0x80, v3, vm0, $0xb8;
	[tilespmem:$0x10800] =	vst v63  }
0xc5: {  	_ =	swait.ge [sflag:s28], $0x8000  }
0xc6: {  	s4 =	rddreg [dreg:$0x2];
	[sflag:s28] =	ssyncset.done $0x0  }
0xc7: {  	[sflag:s28] =	ssyncadd.s32 $0xFFFF8000;
	s1 =	sadd.s32 s0, s4  }
0xc8: {  	[hbm4b:s1+s2] =	stream.linear.scatter [tilespmem:s7], [sflag:$0x3], $0x8000, $0x38;
	[tilespmem:$0x10800] =	vst v63  }
0xc9: {  	_ =	swait.ge [sflag:s6], $0x8000  }
0xca: {  	[sflag:s6] =	ssyncset.done $0x0  }
0xcb: {  	[sflag:s6] =	ssyncadd.s32 $0xFFFF8000  }
0xcc: {  	_ =	swait.ge [sflag:s29], $0x8000  }
0xcd: {  	p0 =	sne.s32 s0, $0xE000;
	[sflag:s29] =	ssyncset.done $0x0  }
.Ltmp0:
0xce: {  	s1 =	sadd.s32 $0x1000, s1;
	[sflag:s29] =	ssyncadd.s32 $0xFFFF8000;
	(pc) =	sbr.rel @p0 .LBB2_2-.Ltmp0, $4  }
0xcf: {  	[hbm4b:s1+s2] =	stream.linear.scatter [tilespmem:s11], [sflag:$0x3], $0x8000, $0x38;
	[tilespmem:$0x10800] =	vst v63  }
0xd0: {  	_ =	swait.ge [sflag:s6], $0x8000  }
0xd1: {  	[sflag:s6] =	ssyncset.done $0x0  }
0xd2: {  	s31 =	sadd.s32 $0x100, s31;
	s0 =	sadd.s32 $0x2000, s0;
	[sflag:s6] =	ssyncadd.s32 $0xFFFF8000  }
0xd3: {  	s30 =	sadd.s32 $0x1, s30  }
0xd4: {  	p0 =	sne.s32 s30, s5  }
.Ltmp1:
0xd5: {  	_ = 	snop;
	(pc) =	sbr.rel @p0 .LBB2_1-.Ltmp1, $1  }
0xd6: {  	_ =	sdelay $0x3  }
0xd7: {  	_ =	sfence.sel $0x180000  }
0xd8: {  	[bflag:$0x0] =	sbarrier.arrive $0xFFFF  }
0xd9: {  	_ =	strace $0x90000047  }
0xda: {  	s0 =	stileid.u32;
	[bflag:$0x2] =	sbarrier.arrive $0xFFFF  }
0xdb: {  	p0 =	sne.s32 s0, $0x0;
	s0 =	rddreg [dreg:$0x1]  }
0xdc: {  	s0 =	sadd.s32 @!p0 $0x100000, s0  }
0xdd: {  	[sflag:s0] =	ssyncadd.tile.s32 @!p0 $0x1;
	_ =	shalt  }
.Lfunc_end2:
_tile_overlayer_lowered:
.L_overlay_start_2:
0xde: {  	(tag) =	ssettag $0x2  }
0xdf: {  	s0 =	rddreg [dreg:$0x0];
	s2 =	stileid.u32  }
0xe0: {  	s1 =	rddreg [dreg:$0x1];
	p0 =	sne.s32 s2, $0x0  }
0xe1: {  	s3 =	rddreg [dreg:$0x2];
	[bflag:$0x3] =	sbarrier.arrive $0xFFFF;
	s2 =	simm.s32 @!p0 $0x1C03  }
0xe2: {  	[timem:s3], [sflag:s2] =	dma.local @!p0 [hbm:s0], s1  }
0xe3: {  	s0 =	simm.s32 @!p0 $0x3  }
0xe4: {  	_ =	swait.ge @!p0 [sflag:s0], s1  }
0xe5: {  	s1 =	ssub.s32 @!p0 $0x0, s1;
	[sflag:s0] =	ssyncset.done @!p0 $0x0  }
0xe6: {  	[sflag:s0] =	ssyncadd.s32 @!p0 s1  }
0xe7: {  	[bflag:$0x3] =	sbarrier.arrive $0xFFFF  }
0xe8: {  	_ =	shalt  }

</sc_bundles>
